<compile_context>
chip_gen: v7x
topology: tpu7x:2x2x1
jax: 0.10.2.dev20260603
libtpu: 0.0.44.dev20260713+nightly
codegen_flags: <defaults>
</compile_context>

<pallas_src>
import functools

import jax
import jax.numpy as jnp
from jax import lax
from jax.experimental import pallas as pl
from jax.experimental.pallas import tpu as pltpu
from jax.experimental.pallas import tpu_sc as plsc

N = 10000
E = 320000
D = 128
DE = 16
H = 128
G = 256

NC = 2
NS = 16
NW = NC * NS
EB = 80
LN = 16



def _sc_layer(hW, eWb, src, dst):
    EP = E // NW
    NCHUNK = EP // EB
    RT = N // NS
    RZ = 125
    assert EP % EB == 0 and RT % RZ == 0

    mesh = plsc.VectorSubcoreMesh(core_axis_name="c", subcore_axis_name="s")

    @functools.partial(
        pl.kernel,
        mesh=mesh,
        out_type=jax.ShapeDtypeStruct((NC, NS, N // NS, H), jnp.float32),
        scratch_types=[
            pltpu.VMEM((EB,), jnp.int32),
            pltpu.VMEM((EB,), jnp.int32),
            pltpu.VMEM((EB, H), jnp.float32),
            pltpu.VMEM((EB, H), jnp.float32),
            pltpu.VMEM((RZ, H), jnp.float32),
            pltpu.VMEM_SHARED((N, H), jnp.float32),
            pltpu.SemaphoreType.DMA,
            pltpu.SemaphoreType.DMA,
        ],
    )
    def k(hW_hbm, eW_hbm, src_hbm, dst_hbm, out_hbm,
          sidx, didx, grows, erows, zbuf, acc, sem1, sem2):
        c = lax.axis_index("c")
        s = lax.axis_index("s")
        wid = s * NC + c

        zv = jnp.zeros((LN,), jnp.float32)

        def zfill(r, _):
            for cc in range(H // LN):
                zbuf[r, pl.ds(cc * LN, LN)] = zv
            return 0

        lax.fori_loop(0, RZ, zfill, 0)
        for j in range(RT // RZ):
            pltpu.sync_copy(zbuf, acc.at[pl.ds(s * RT + j * RZ, RZ)])
        plsc.subcore_barrier()

        def chunk(g, _):
            base = wid * EP + g * EB
            pltpu.sync_copy(src_hbm.at[pl.ds(base, EB)], sidx)
            pltpu.sync_copy(dst_hbm.at[pl.ds(base, EB)], didx)
            cp1 = pltpu.async_copy(hW_hbm.at[sidx], grows, sem1)
            cp2 = pltpu.async_copy(eW_hbm.at[pl.ds(base, EB), :], erows, sem2)
            cp1.wait()
            cp2.wait()

            def fuse(r, _):
                for cc in range(H // LN):
                    o = cc * LN
                    v = grows[r, pl.ds(o, LN)] + erows[r, pl.ds(o, LN)]
                    grows[r, pl.ds(o, LN)] = jnp.maximum(v, 0.0)
                return 0

            lax.fori_loop(0, EB, fuse, 0)
            pltpu.sync_copy(grows, acc.at[didx], add=True)
            return 0

        lax.fori_loop(0, NCHUNK, chunk, 0)
        plsc.subcore_barrier()

        pltpu.sync_copy(acc.at[pl.ds(s * RT, RT)], out_hbm.at[c, s])

    return k(hW, eWb, src, dst)



_NB = 1000


def _full(shape):
    return pl.BlockSpec(shape, lambda i: tuple(0 for _ in shape))


def _enc_body(x_ref, we_ref, be_ref, wm_ref, h_ref, hw_ref):
    h = jnp.dot(x_ref[...], we_ref[...], preferred_element_type=jnp.float32)
    h = jnp.maximum(h + be_ref[...], 0.0)
    h_ref[...] = h
    hw_ref[...] = jnp.dot(h, wm_ref[...], preferred_element_type=jnp.float32)


def _encoder(x, W_enc, b_enc, Wm0):
    return pl.pallas_call(
        _enc_body,
        grid=(N // _NB,),
        in_specs=[
            pl.BlockSpec((_NB, D), lambda i: (i, 0)),
            _full((D, H)),
            _full((1, H)),
            _full((H, H)),
        ],
        out_specs=[
            pl.BlockSpec((_NB, H), lambda i: (i, 0)),
            pl.BlockSpec((_NB, H), lambda i: (i, 0)),
        ],
        out_shape=[
            jax.ShapeDtypeStruct((N, H), jnp.float32),
            jax.ShapeDtypeStruct((N, H), jnp.float32),
        ],
    )(x, W_enc, b_enc, Wm0)


_EBLK = 4000


def _ew_body(ea_ref, we_ref, be_ref, wm_ref, bm_ref, o0, o1, o2):
    e = jnp.dot(ea_ref[...], we_ref[...], preferred_element_type=jnp.float32)
    e = jnp.maximum(e + be_ref[...], 0.0)
    z = jnp.dot(e, wm_ref[...], preferred_element_type=jnp.float32)
    z = z + bm_ref[...]
    o0[...] = z[:, :H]
    o1[...] = z[:, H:2 * H]
    o2[...] = z[:, 2 * H:]


def _edge_premul(edge_attr, W_e, b_e, WmAll, bmAll):
    return pl.pallas_call(
        _ew_body,
        grid=(E // _EBLK,),
        in_specs=[
            pl.BlockSpec((_EBLK, DE), lambda i: (i, 0)),
            _full((DE, H)),
            _full((1, H)),
            _full((H, 3 * H)),
            _full((1, 3 * H)),
        ],
        out_specs=[pl.BlockSpec((_EBLK, H), lambda i: (i, 0))] * 3,
        out_shape=[jax.ShapeDtypeStruct((E, H), jnp.float32)] * 3,
    )(edge_attr, W_e, b_e, WmAll, bmAll)


def _upd_body_next(h_ref, p0_ref, p1_ref, wut, wub, bu, wmn, h_out, hw_out):
    agg = p0_ref[...] + p1_ref[...]
    hn = (jnp.dot(h_ref[...], wut[...], preferred_element_type=jnp.float32)
          + jnp.dot(agg, wub[...], preferred_element_type=jnp.float32)
          + bu[...])
    hn = jnp.maximum(hn, 0.0)
    h_out[...] = hn
    hw_out[...] = jnp.dot(hn, wmn[...], preferred_element_type=jnp.float32)


def _upd_body_last(h_ref, p0_ref, p1_ref, wut, wub, bu, h_out):
    agg = p0_ref[...] + p1_ref[...]
    hn = (jnp.dot(h_ref[...], wut[...], preferred_element_type=jnp.float32)
          + jnp.dot(agg, wub[...], preferred_element_type=jnp.float32)
          + bu[...])
    h_out[...] = jnp.maximum(hn, 0.0)


def _update(h, p0, p1, Wu_t, Wu_b, bu, Wm_next):
    blk = pl.BlockSpec((_NB, H), lambda i: (i, 0))
    if Wm_next is not None:
        return pl.pallas_call(
            _upd_body_next,
            grid=(N // _NB,),
            in_specs=[blk, blk, blk, _full((H, H)), _full((H, H)),
                      _full((1, H)), _full((H, H))],
            out_specs=[blk, blk],
            out_shape=[jax.ShapeDtypeStruct((N, H), jnp.float32)] * 2,
        )(h, p0, p1, Wu_t, Wu_b, bu, Wm_next)
    return pl.pallas_call(
        _upd_body_last,
        grid=(N // _NB,),
        in_specs=[blk, blk, blk, _full((H, H)), _full((H, H)), _full((1, H))],
        out_specs=blk,
        out_shape=jax.ShapeDtypeStruct((N, H), jnp.float32),
    )(h, p0, p1, Wu_t, Wu_b, bu)


def _pool_body(b_ref, h_ref, wp1, bp1, wp2, bp2, out_ref, sums, cnts):
    i = pl.program_id(0)

    @pl.when(i == 0)
    def _():
        sums[...] = jnp.zeros_like(sums)
        cnts[...] = jnp.zeros_like(cnts)

    ids = b_ref[0, 0, :]
    gids = lax.broadcasted_iota(jnp.int32, (G, _NB), 0)
    onehot = (ids[None, :] == gids).astype(jnp.float32)
    sums[...] += jnp.dot(onehot, h_ref[...], preferred_element_type=jnp.float32)
    cnts[...] += jnp.sum(onehot, axis=1, keepdims=True)

    @pl.when(i == pl.num_programs(0) - 1)
    def _():
        gf = sums[...] / jnp.maximum(cnts[...], 1.0)
        hp = jnp.dot(gf, wp1[...], preferred_element_type=jnp.float32)
        hp = jnp.maximum(hp + bp1[...], 0.0)
        out_ref[...] = jnp.dot(hp, wp2[...],
                               preferred_element_type=jnp.float32) + bp2[...]


def _pool_head(batch2d, h, W_p1, b_p1, W_p2, b_p2):
    return pl.pallas_call(
        _pool_body,
        grid=(N // _NB,),
        in_specs=[
            pl.BlockSpec((1, 1, _NB), lambda i: (i, 0, 0)),
            pl.BlockSpec((_NB, H), lambda i: (i, 0)),
            _full((H, H)),
            _full((1, H)),
            _full((H, 1)),
            _full((1, 1)),
        ],
        out_specs=_full((G, 1)),
        out_shape=jax.ShapeDtypeStruct((G, 1), jnp.float32),
        scratch_shapes=[
            pltpu.VMEM((G, H), jnp.float32),
            pltpu.VMEM((G, 1), jnp.float32),
        ],
        compiler_params=pltpu.CompilerParams(
            dimension_semantics=("arbitrary",)),
    )(batch2d, h, W_p1, b_p1, W_p2, b_p2)




def kernel(x, edge_index, edge_attr, batch, W_enc, b_enc, W_e, b_e,
           W_msg0, b_msg0, W_upd0, b_upd0,
           W_msg1, b_msg1, W_upd1, b_upd1,
           W_msg2, b_msg2, W_upd2, b_upd2,
           W_p1, b_p1, W_p2, b_p2):
    src = edge_index[0]
    dst = edge_index[1]
    Wm = [W_msg0, W_msg1, W_msg2]
    Wu = [W_upd0, W_upd1, W_upd2]
    bu = [b_upd0, b_upd1, b_upd2]

    h, hW = _encoder(x, W_enc, b_enc.reshape(1, H), W_msg0)

    WmAll = jnp.concatenate(Wm, axis=1)
    bmAll = jnp.concatenate([b_msg0, b_msg1, b_msg2]).reshape(1, 3 * H)
    eWs = _edge_premul(edge_attr, W_e, b_e.reshape(1, H), WmAll, bmAll)

    for l in range(3):
        parts = _sc_layer(hW, eWs[l], src, dst)
        p0 = parts[0].reshape(N, H)
        p1 = parts[1].reshape(N, H)
        nxt = Wm[l + 1] if l < 2 else None
        out = _update(h, p0, p1, Wu[l][:H], Wu[l][H:],
                      bu[l].reshape(1, H), nxt)
        if l < 2:
            h, hW = out
        else:
            h = out

    return _pool_head(batch.reshape(N // _NB, 1, _NB), h, W_p1,
                      b_p1.reshape(1, H),
                      W_p2, b_p2.reshape(1, 1))

# --- scband reference (transcript-rebuilt; emitter-appended) ---
"""Pipeline reference for scband-molecular-property-predictor-45088566673912 (READ-ONLY COPY).

The authoritative reference and input builder live on the scoring server;
editing this copy changes nothing except your own understanding.
"""

import jax, jax.numpy as jnp
import numpy as np

N = 10000
E = 320000
D = 128
DE = 16
H = 128
G = 256

def setup_inputs(seed: int = 0):
    key = jax.random.key(seed)
    ks = jax.random.split(key, 24)
    p = lambda k, shape: jax.random.normal(k, shape, dtype=jnp.float32) * 0.05
    inp = {}
    inp['x'] = jax.random.normal(ks[0], (N, D), dtype=jnp.float32)
    inp['edge_index'] = jax.random.randint(ks[1], (2, E), 0, N)
    inp['edge_attr'] = jax.random.normal(ks[2], (E, DE), dtype=jnp.float32)
    inp['batch'] = jnp.sort(jax.random.randint(ks[3], (N,), 0, G))
    inp['W_enc'] = p(ks[4], (D, H)); inp['b_enc'] = jnp.zeros((H,), jnp.float32)
    inp['W_e'] = p(ks[5], (DE, H)); inp['b_e'] = jnp.zeros((H,), jnp.float32)
    for l in range(3):
        inp['W_msg%d' % l] = p(ks[6 + l], (H, H))
        inp['b_msg%d' % l] = jnp.zeros((H,), jnp.float32)
        inp['W_upd%d' % l] = p(ks[9 + l], (2 * H, H))
        inp['b_upd%d' % l] = jnp.zeros((H,), jnp.float32)
    inp['W_p1'] = p(ks[12], (H, H)); inp['b_p1'] = jnp.zeros((H,), jnp.float32)
    inp['W_p2'] = p(ks[13], (H, 1)); inp['b_p2'] = jnp.zeros((1,), jnp.float32)
    return inp

def reference(x, edge_index, edge_attr, batch, W_enc, b_enc, W_e, b_e,
              W_msg0, b_msg0, W_upd0, b_upd0,
              W_msg1, b_msg1, W_upd1, b_upd1,
              W_msg2, b_msg2, W_upd2, b_upd2,
              W_p1, b_p1, W_p2, b_p2):
    src = edge_index[0]
    dst = edge_index[1]
    # MolecularGNN backbone: node/edge encoders + 3 message-passing layers
    h = jax.nn.relu(x @ W_enc + b_enc)
    e = jax.nn.relu(edge_attr @ W_e + b_e)
    Wm = [W_msg0, W_msg1, W_msg2]; bm = [b_msg0, b_msg1, b_msg2]
    Wu = [W_upd0, W_upd1, W_upd2]; bu = [b_upd0, b_upd1, b_upd2]
    for l in range(3):
        m = jax.nn.relu((h[src] + e) @ Wm[l] + bm[l])          # gather src nodes
        agg = jax.ops.segment_sum(m, dst, num_segments=N)       # scatter-add to dst
        h = jax.nn.relu(jnp.concatenate([h, agg], axis=-1) @ Wu[l] + bu[l])
    # global_mean_pool over molecule (graph) segments
    sums = jax.ops.segment_sum(h, batch, num_segments=G)
    cnt = jax.ops.segment_sum(jnp.ones((N,), jnp.float32), batch, num_segments=G)
    gfeat = sums / jnp.clip(cnt, 1.0)[:, None]
    # predictor head (Dropout inactive in eval)
    hp = jax.nn.relu(gfeat @ W_p1 + b_p1)
    return hp @ W_p2 + b_p2

if __name__ == "__main__":
    import jax
    _d = setup_inputs()
    print(jax.jit(kernel)(*tuple(_d.values())))

</pallas_src>

<mosaic_0001>
#map = affine_map<(d0, d1) -> (0, 0)>
#map1 = affine_map<(d0, d1) -> (0)>
#map2 = affine_map<(d0, d1) -> (0, 0, 0, 0)>
module attributes {stable_mosaic.version = 14 : i64} {
  func.func @k(%arg0: i32, %arg1: i32, %arg2: memref<10000x128xf32, #tpu.memory_space<hbm>>, %arg3: memref<320000x128xf32, #tpu.memory_space<hbm>>, %arg4: memref<320000xi32, #tpu.memory_space<hbm>>, %arg5: memref<320000xi32, #tpu.memory_space<hbm>>, %arg6: memref<2x16x625x128xf32, #tpu.memory_space<hbm>>, %arg7: memref<80xi32, #tpu.memory_space<vmem>>, %arg8: memref<80xi32, #tpu.memory_space<vmem>>, %arg9: memref<80x128xf32, #tpu.memory_space<vmem>>, %arg10: memref<80x128xf32, #tpu.memory_space<vmem>>, %arg11: memref<125x128xf32, #tpu.memory_space<vmem>>, %arg12: memref<10000x128xf32, #tpu.memory_space<vmem_shared>>, %arg13: memref<!tpu.dma_semaphore, #tpu.memory_space<semaphore_mem>>, %arg14: memref<!tpu.dma_semaphore, #tpu.memory_space<semaphore_mem>>) attributes {dimension_semantics = [#tpu.dimension_semantics<core_parallel>, #tpu.dimension_semantics<subcore_parallel>], iteration_bounds = array<i64: 2, 16>, scalar_prefetch = 0 : i64, scratch_operands = 8 : i64, tpu.core_type = #tpu.core_type<sc_vector_subcore>, window_params = [{transform_indices = #map}, {transform_indices = #map}, {transform_indices = #map1}, {transform_indices = #map1}, {transform_indices = #map2}]} {
    %mul3A = arith.constant 2 : i32
    %mul3A_0 = arith.muli %arg1, %mul3A : i32
    %add3A = arith.addi %mul3A_0, %arg0 : i32
    %broadcast_in_dim3A = arith.constant 0.000000e+00 : f32
    %broadcast_in_dim3A_1 = vector.broadcast %broadcast_in_dim3A : f32 to vector<16xf32>
    %scan3A = arith.constant 0 : i32
    %scan3A_2 = arith.constant 0 : i32
    %scan3A_3 = arith.constant 125 : i32
    %scan3A_4 = arith.addi %scan3A_2, %scan3A_3 : i32
    %scan3A_5 = arith.constant 1 : i32
    %scan3A_6 = scf.for %scan3A_38 = %scan3A_2 to %scan3A_4 step %scan3A_5 iter_args(%scan3A_39 = %scan3A) -> (i32)  : i32 {
      %swap3A = arith.index_cast %scan3A_38 : i32 to index
      %swap3A_40 = arith.constant 0 : index
      %swap3A_41 = tpu.vector_load %arg11[%swap3A, %swap3A_40] {strides = array<i32>} : memref<125x128xf32, #tpu.memory_space<vmem>>, vector<1x16xf32>,
      %swap3A_42 = vector.shape_cast %swap3A_41 : vector<1x16xf32> to vector<16xf32>
      %swap3A_43 = vector.shape_cast %broadcast_in_dim3A_1 : vector<16xf32> to vector<1x16xf32>
      tpu.vector_store %arg11[%swap3A, %swap3A_40], %swap3A_43 {strides = array<i32>} : memref<125x128xf32, #tpu.memory_space<vmem>>, vector<1x16xf32>,
      %swap3A_44 = arith.index_cast %scan3A_38 : i32 to index
      %swap3A_45 = arith.constant 16 : index
      %swap3A_46 = tpu.vector_load %arg11[%swap3A_44, %swap3A_45] {strides = array<i32>} : memref<125x128xf32, #tpu.memory_space<vmem>>, vector<1x16xf32>,
      %swap3A_47 = vector.shape_cast %swap3A_46 : vector<1x16xf32> to vector<16xf32>
      %swap3A_48 = vector.shape_cast %broadcast_in_dim3A_1 : vector<16xf32> to vector<1x16xf32>
      tpu.vector_store %arg11[%swap3A_44, %swap3A_45], %swap3A_48 {strides = array<i32>} : memref<125x128xf32, #tpu.memory_space<vmem>>, vector<1x16xf32>,
      %swap3A_49 = arith.index_cast %scan3A_38 : i32 to index
      %swap3A_50 = arith.constant 32 : index
      %swap3A_51 = tpu.vector_load %arg11[%swap3A_49, %swap3A_50] {strides = array<i32>} : memref<125x128xf32, #tpu.memory_space<vmem>>, vector<1x16xf32>,
      %swap3A_52 = vector.shape_cast %swap3A_51 : vector<1x16xf32> to vector<16xf32>
      %swap3A_53 = vector.shape_cast %broadcast_in_dim3A_1 : vector<16xf32> to vector<1x16xf32>
      tpu.vector_store %arg11[%swap3A_49, %swap3A_50], %swap3A_53 {strides = array<i32>} : memref<125x128xf32, #tpu.memory_space<vmem>>, vector<1x16xf32>,
      %swap3A_54 = arith.index_cast %scan3A_38 : i32 to index
      %swap3A_55 = arith.constant 48 : index
      %swap3A_56 = tpu.vector_load %arg11[%swap3A_54, %swap3A_55] {strides = array<i32>} : memref<125x128xf32, #tpu.memory_space<vmem>>, vector<1x16xf32>,
      %swap3A_57 = vector.shape_cast %swap3A_56 : vector<1x16xf32> to vector<16xf32>
      %swap3A_58 = vector.shape_cast %broadcast_in_dim3A_1 : vector<16xf32> to vector<1x16xf32>
      tpu.vector_store %arg11[%swap3A_54, %swap3A_55], %swap3A_58 {strides = array<i32>} : memref<125x128xf32, #tpu.memory_space<vmem>>, vector<1x16xf32>,
      %swap3A_59 = arith.index_cast %scan3A_38 : i32 to index
      %swap3A_60 = arith.constant 64 : index
      %swap3A_61 = tpu.vector_load %arg11[%swap3A_59, %swap3A_60] {strides = array<i32>} : memref<125x128xf32, #tpu.memory_space<vmem>>, vector<1x16xf32>,
      %swap3A_62 = vector.shape_cast %swap3A_61 : vector<1x16xf32> to vector<16xf32>
      %swap3A_63 = vector.shape_cast %broadcast_in_dim3A_1 : vector<16xf32> to vector<1x16xf32>
      tpu.vector_store %arg11[%swap3A_59, %swap3A_60], %swap3A_63 {strides = array<i32>} : memref<125x128xf32, #tpu.memory_space<vmem>>, vector<1x16xf32>,
      %swap3A_64 = arith.index_cast %scan3A_38 : i32 to index
      %swap3A_65 = arith.constant 80 : index
      %swap3A_66 = tpu.vector_load %arg11[%swap3A_64, %swap3A_65] {strides = array<i32>} : memref<125x128xf32, #tpu.memory_space<vmem>>, vector<1x16xf32>,
      %swap3A_67 = vector.shape_cast %swap3A_66 : vector<1x16xf32> to vector<16xf32>
      %swap3A_68 = vector.shape_cast %broadcast_in_dim3A_1 : vector<16xf32> to vector<1x16xf32>
      tpu.vector_store %arg11[%swap3A_64, %swap3A_65], %swap3A_68 {strides = array<i32>} : memref<125x128xf32, #tpu.memory_space<vmem>>, vector<1x16xf32>,
      %swap3A_69 = arith.index_cast %scan3A_38 : i32 to index
      %swap3A_70 = arith.constant 96 : index
      %swap3A_71 = tpu.vector_load %arg11[%swap3A_69, %swap3A_70] {strides = array<i32>} : memref<125x128xf32, #tpu.memory_space<vmem>>, vector<1x16xf32>,
      %swap3A_72 = vector.shape_cast %swap3A_71 : vector<1x16xf32> to vector<16xf32>
      %swap3A_73 = vector.shape_cast %broadcast_in_dim3A_1 : vector<16xf32> to vector<1x16xf32>
      tpu.vector_store %arg11[%swap3A_69, %swap3A_70], %swap3A_73 {strides = array<i32>} : memref<125x128xf32, #tpu.memory_space<vmem>>, vector<1x16xf32>,
      %swap3A_74 = arith.index_cast %scan3A_38 : i32 to index
      %swap3A_75 = arith.constant 112 : index
      %swap3A_76 = tpu.vector_load %arg11[%swap3A_74, %swap3A_75] {strides = array<i32>} : memref<125x128xf32, #tpu.memory_space<vmem>>, vector<1x16xf32>,
      %swap3A_77 = vector.shape_cast %swap3A_76 : vector<1x16xf32> to vector<16xf32>
      %swap3A_78 = vector.shape_cast %broadcast_in_dim3A_1 : vector<16xf32> to vector<1x16xf32>
      tpu.vector_store %arg11[%swap3A_74, %swap3A_75], %swap3A_78 {strides = array<i32>} : memref<125x128xf32, #tpu.memory_space<vmem>>, vector<1x16xf32>,
      %scan3A_79 = arith.constant 0 : i32
      scf.yield %scan3A_79 : i32
    }
    %scan3A_7 = arith.constant 125 : i32
    %mul3A_8 = arith.constant 625 : i32
    %mul3A_9 = arith.muli %arg1, %mul3A_8 : i32
    %add3A_10 = arith.constant 0 : i32
    %add3A_11 = arith.addi %mul3A_9, %add3A_10 : i32
    "tpu.region"() ({
      %run_scoped3A = tpu.sem_alloc : memref<!tpu.dma_semaphore, #tpu.memory_space<semaphore_mem>>
      %dma_start3A = arith.constant 0 : i32
      %dma_start3A_38 = tpu.memref_slice %arg12[%add3A_11, %dma_start3A] : memref<10000x128xf32, #tpu.memory_space<vmem_shared>> -> memref<125x128xf32, #tpu.memory_space<vmem_shared>>
      %dma_start3A_39 = arith.constant 0 : i32
      %dma_start3A_40 = tpu.memref_slice %arg12[%add3A_11, %dma_start3A_39] : memref<10000x128xf32, #tpu.memory_space<vmem_shared>> -> memref<125x128xf32, #tpu.memory_space<vmem_shared>>
      tpu.enqueue_dma source(%arg11 : memref<125x128xf32, #tpu.memory_space<vmem>>) target(%dma_start3A_40 : memref<125x128xf32, #tpu.memory_space<vmem_shared>>) target_semaphore(%run_scoped3A : memref<!tpu.dma_semaphore, #tpu.memory_space<semaphore_mem>>)
      %dma_wait3A = arith.constant 0 : i32
      %dma_wait3A_41 = tpu.memref_slice %arg12[%add3A_11, %dma_wait3A] : memref<10000x128xf32, #tpu.memory_space<vmem_shared>> -> memref<125x128xf32, #tpu.memory_space<vmem_shared>>
      %dma_wait3A_42 = arith.constant 0 : i32
      %dma_wait3A_43 = tpu.memref_slice %arg12[%add3A_11, %dma_wait3A_42] : memref<10000x128xf32, #tpu.memory_space<vmem_shared>> -> memref<125x128xf32, #tpu.memory_space<vmem_shared>>
      tpu.wait_dma2 semaphore(%run_scoped3A : memref<!tpu.dma_semaphore, #tpu.memory_space<semaphore_mem>>) src(%arg11 : memref<125x128xf32, #tpu.memory_space<vmem>>) dst(%dma_wait3A_43 : memref<125x128xf32, #tpu.memory_space<vmem_shared>>)
      tpu.yield
    }) : () -> ()
    %mul3A_12 = arith.constant 625 : i32
    %mul3A_13 = arith.muli %arg1, %mul3A_12 : i32
    %add3A_14 = arith.constant 125 : i32
    %add3A_15 = arith.addi %mul3A_13, %add3A_14 : i32
    "tpu.region"() ({
      %run_scoped3A = tpu.sem_alloc : memref<!tpu.dma_semaphore, #tpu.memory_space<semaphore_mem>>
      %dma_start3A = arith.constant 0 : i32
      %dma_start3A_38 = tpu.memref_slice %arg12[%add3A_15, %dma_start3A] : memref<10000x128xf32, #tpu.memory_space<vmem_shared>> -> memref<125x128xf32, #tpu.memory_space<vmem_shared>>
      %dma_start3A_39 = arith.constant 0 : i32
      %dma_start3A_40 = tpu.memref_slice %arg12[%add3A_15, %dma_start3A_39] : memref<10000x128xf32, #tpu.memory_space<vmem_shared>> -> memref<125x128xf32, #tpu.memory_space<vmem_shared>>
      tpu.enqueue_dma source(%arg11 : memref<125x128xf32, #tpu.memory_space<vmem>>) target(%dma_start3A_40 : memref<125x128xf32, #tpu.memory_space<vmem_shared>>) target_semaphore(%run_scoped3A : memref<!tpu.dma_semaphore, #tpu.memory_space<semaphore_mem>>)
      %dma_wait3A = arith.constant 0 : i32
      %dma_wait3A_41 = tpu.memref_slice %arg12[%add3A_15, %dma_wait3A] : memref<10000x128xf32, #tpu.memory_space<vmem_shared>> -> memref<125x128xf32, #tpu.memory_space<vmem_shared>>
      %dma_wait3A_42 = arith.constant 0 : i32
      %dma_wait3A_43 = tpu.memref_slice %arg12[%add3A_15, %dma_wait3A_42] : memref<10000x128xf32, #tpu.memory_space<vmem_shared>> -> memref<125x128xf32, #tpu.memory_space<vmem_shared>>
      tpu.wait_dma2 semaphore(%run_scoped3A : memref<!tpu.dma_semaphore, #tpu.memory_space<semaphore_mem>>) src(%arg11 : memref<125x128xf32, #tpu.memory_space<vmem>>) dst(%dma_wait3A_43 : memref<125x128xf32, #tpu.memory_space<vmem_shared>>)
      tpu.yield
    }) : () -> ()
    %mul3A_16 = arith.constant 625 : i32
    %mul3A_17 = arith.muli %arg1, %mul3A_16 : i32
    %add3A_18 = arith.constant 250 : i32
    %add3A_19 = arith.addi %mul3A_17, %add3A_18 : i32
    "tpu.region"() ({
      %run_scoped3A = tpu.sem_alloc : memref<!tpu.dma_semaphore, #tpu.memory_space<semaphore_mem>>
      %dma_start3A = arith.constant 0 : i32
      %dma_start3A_38 = tpu.memref_slice %arg12[%add3A_19, %dma_start3A] : memref<10000x128xf32, #tpu.memory_space<vmem_shared>> -> memref<125x128xf32, #tpu.memory_space<vmem_shared>>
      %dma_start3A_39 = arith.constant 0 : i32
      %dma_start3A_40 = tpu.memref_slice %arg12[%add3A_19, %dma_start3A_39] : memref<10000x128xf32, #tpu.memory_space<vmem_shared>> -> memref<125x128xf32, #tpu.memory_space<vmem_shared>>
      tpu.enqueue_dma source(%arg11 : memref<125x128xf32, #tpu.memory_space<vmem>>) target(%dma_start3A_40 : memref<125x128xf32, #tpu.memory_space<vmem_shared>>) target_semaphore(%run_scoped3A : memref<!tpu.dma_semaphore, #tpu.memory_space<semaphore_mem>>)
      %dma_wait3A = arith.constant 0 : i32
      %dma_wait3A_41 = tpu.memref_slice %arg12[%add3A_19, %dma_wait3A] : memref<10000x128xf32, #tpu.memory_space<vmem_shared>> -> memref<125x128xf32, #tpu.memory_space<vmem_shared>>
      %dma_wait3A_42 = arith.constant 0 : i32
      %dma_wait3A_43 = tpu.memref_slice %arg12[%add3A_19, %dma_wait3A_42] : memref<10000x128xf32, #tpu.memory_space<vmem_shared>> -> memref<125x128xf32, #tpu.memory_space<vmem_shared>>
      tpu.wait_dma2 semaphore(%run_scoped3A : memref<!tpu.dma_semaphore, #tpu.memory_space<semaphore_mem>>) src(%arg11 : memref<125x128xf32, #tpu.memory_space<vmem>>) dst(%dma_wait3A_43 : memref<125x128xf32, #tpu.memory_space<vmem_shared>>)
      tpu.yield
    }) : () -> ()
    %mul3A_20 = arith.constant 625 : i32
    %mul3A_21 = arith.muli %arg1, %mul3A_20 : i32
    %add3A_22 = arith.constant 375 : i32
    %add3A_23 = arith.addi %mul3A_21, %add3A_22 : i32
    "tpu.region"() ({
      %run_scoped3A = tpu.sem_alloc : memref<!tpu.dma_semaphore, #tpu.memory_space<semaphore_mem>>
      %dma_start3A = arith.constant 0 : i32
      %dma_start3A_38 = tpu.memref_slice %arg12[%add3A_23, %dma_start3A] : memref<10000x128xf32, #tpu.memory_space<vmem_shared>> -> memref<125x128xf32, #tpu.memory_space<vmem_shared>>
      %dma_start3A_39 = arith.constant 0 : i32
      %dma_start3A_40 = tpu.memref_slice %arg12[%add3A_23, %dma_start3A_39] : memref<10000x128xf32, #tpu.memory_space<vmem_shared>> -> memref<125x128xf32, #tpu.memory_space<vmem_shared>>
      tpu.enqueue_dma source(%arg11 : memref<125x128xf32, #tpu.memory_space<vmem>>) target(%dma_start3A_40 : memref<125x128xf32, #tpu.memory_space<vmem_shared>>) target_semaphore(%run_scoped3A : memref<!tpu.dma_semaphore, #tpu.memory_space<semaphore_mem>>)
      %dma_wait3A = arith.constant 0 : i32
      %dma_wait3A_41 = tpu.memref_slice %arg12[%add3A_23, %dma_wait3A] : memref<10000x128xf32, #tpu.memory_space<vmem_shared>> -> memref<125x128xf32, #tpu.memory_space<vmem_shared>>
      %dma_wait3A_42 = arith.constant 0 : i32
      %dma_wait3A_43 = tpu.memref_slice %arg12[%add3A_23, %dma_wait3A_42] : memref<10000x128xf32, #tpu.memory_space<vmem_shared>> -> memref<125x128xf32, #tpu.memory_space<vmem_shared>>
      tpu.wait_dma2 semaphore(%run_scoped3A : memref<!tpu.dma_semaphore, #tpu.memory_space<semaphore_mem>>) src(%arg11 : memref<125x128xf32, #tpu.memory_space<vmem>>) dst(%dma_wait3A_43 : memref<125x128xf32, #tpu.memory_space<vmem_shared>>)
      tpu.yield
    }) : () -> ()
    %mul3A_24 = arith.constant 625 : i32
    %mul3A_25 = arith.muli %arg1, %mul3A_24 : i32
    %add3A_26 = arith.constant 500 : i32
    %add3A_27 = arith.addi %mul3A_25, %add3A_26 : i32
    "tpu.region"() ({
      %run_scoped3A = tpu.sem_alloc : memref<!tpu.dma_semaphore, #tpu.memory_space<semaphore_mem>>
      %dma_start3A = arith.constant 0 : i32
      %dma_start3A_38 = tpu.memref_slice %arg12[%add3A_27, %dma_start3A] : memref<10000x128xf32, #tpu.memory_space<vmem_shared>> -> memref<125x128xf32, #tpu.memory_space<vmem_shared>>
      %dma_start3A_39 = arith.constant 0 : i32
      %dma_start3A_40 = tpu.memref_slice %arg12[%add3A_27, %dma_start3A_39] : memref<10000x128xf32, #tpu.memory_space<vmem_shared>> -> memref<125x128xf32, #tpu.memory_space<vmem_shared>>
      tpu.enqueue_dma source(%arg11 : memref<125x128xf32, #tpu.memory_space<vmem>>) target(%dma_start3A_40 : memref<125x128xf32, #tpu.memory_space<vmem_shared>>) target_semaphore(%run_scoped3A : memref<!tpu.dma_semaphore, #tpu.memory_space<semaphore_mem>>)
      %dma_wait3A = arith.constant 0 : i32
      %dma_wait3A_41 = tpu.memref_slice %arg12[%add3A_27, %dma_wait3A] : memref<10000x128xf32, #tpu.memory_space<vmem_shared>> -> memref<125x128xf32, #tpu.memory_space<vmem_shared>>
      %dma_wait3A_42 = arith.constant 0 : i32
      %dma_wait3A_43 = tpu.memref_slice %arg12[%add3A_27, %dma_wait3A_42] : memref<10000x128xf32, #tpu.memory_space<vmem_shared>> -> memref<125x128xf32, #tpu.memory_space<vmem_shared>>
      tpu.wait_dma2 semaphore(%run_scoped3A : memref<!tpu.dma_semaphore, #tpu.memory_space<semaphore_mem>>) src(%arg11 : memref<125x128xf32, #tpu.memory_space<vmem>>) dst(%dma_wait3A_43 : memref<125x128xf32, #tpu.memory_space<vmem_shared>>)
      tpu.yield
    }) : () -> ()
    %barrier3A = arith.constant 0 : index
    tpu.barrier barrier_id(%barrier3A)
    %scan3A_28 = arith.constant 0 : i32
    %scan3A_29 = arith.constant 0 : i32
    %scan3A_30 = arith.constant 125 : i32
    %scan3A_31 = arith.addi %scan3A_29, %scan3A_30 : i32
    %scan3A_32 = arith.constant 1 : i32
    %scan3A_33 = scf.for %scan3A_38 = %scan3A_29 to %scan3A_31 step %scan3A_32 iter_args(%scan3A_39 = %scan3A_28) -> (i32)  : i32 {
      %mul3A_40 = arith.constant 10000 : i32
      %mul3A_41 = arith.muli %add3A, %mul3A_40 : i32
      %mul3A_42 = arith.constant 80 : i32
      %mul3A_43 = arith.muli %scan3A_38, %mul3A_42 : i32
      %add3A_44 = arith.addi %mul3A_41, %mul3A_43 : i32
      "tpu.region"() ({
        %run_scoped3A = tpu.sem_alloc : memref<!tpu.dma_semaphore, #tpu.memory_space<semaphore_mem>>
        %dma_start3A_65 = tpu.memref_slice %arg4[%add3A_44] : memref<320000xi32, #tpu.memory_space<hbm>> -> memref<80xi32, #tpu.memory_space<hbm>>
        %dma_start3A_66 = tpu.memref_slice %arg4[%add3A_44] : memref<320000xi32, #tpu.memory_space<hbm>> -> memref<80xi32, #tpu.memory_space<hbm>>
        tpu.enqueue_dma source(%dma_start3A_66 : memref<80xi32, #tpu.memory_space<hbm>>) target(%arg7 : memref<80xi32, #tpu.memory_space<vmem>>) target_semaphore(%run_scoped3A : memref<!tpu.dma_semaphore, #tpu.memory_space<semaphore_mem>>)
        %dma_wait3A_67 = tpu.memref_slice %arg4[%add3A_44] : memref<320000xi32, #tpu.memory_space<hbm>> -> memref<80xi32, #tpu.memory_space<hbm>>
        %dma_wait3A_68 = tpu.memref_slice %arg4[%add3A_44] : memref<320000xi32, #tpu.memory_space<hbm>> -> memref<80xi32, #tpu.memory_space<hbm>>
        tpu.wait_dma2 semaphore(%run_scoped3A : memref<!tpu.dma_semaphore, #tpu.memory_space<semaphore_mem>>) src(%dma_wait3A_68 : memref<80xi32, #tpu.memory_space<hbm>>) dst(%arg7 : memref<80xi32, #tpu.memory_space<vmem>>)
        tpu.yield
      }) : () -> ()
      "tpu.region"() ({
        %run_scoped3A = tpu.sem_alloc : memref<!tpu.dma_semaphore, #tpu.memory_space<semaphore_mem>>
        %dma_start3A_65 = tpu.memref_slice %arg5[%add3A_44] : memref<320000xi32, #tpu.memory_space<hbm>> -> memref<80xi32, #tpu.memory_space<hbm>>
        %dma_start3A_66 = tpu.memref_slice %arg5[%add3A_44] : memref<320000xi32, #tpu.memory_space<hbm>> -> memref<80xi32, #tpu.memory_space<hbm>>
        tpu.enqueue_dma source(%dma_start3A_66 : memref<80xi32, #tpu.memory_space<hbm>>) target(%arg8 : memref<80xi32, #tpu.memory_space<vmem>>) target_semaphore(%run_scoped3A : memref<!tpu.dma_semaphore, #tpu.memory_space<semaphore_mem>>)
        %dma_wait3A_67 = tpu.memref_slice %arg5[%add3A_44] : memref<320000xi32, #tpu.memory_space<hbm>> -> memref<80xi32, #tpu.memory_space<hbm>>
        %dma_wait3A_68 = tpu.memref_slice %arg5[%add3A_44] : memref<320000xi32, #tpu.memory_space<hbm>> -> memref<80xi32, #tpu.memory_space<hbm>>
        tpu.wait_dma2 semaphore(%run_scoped3A : memref<!tpu.dma_semaphore, #tpu.memory_space<semaphore_mem>>) src(%dma_wait3A_68 : memref<80xi32, #tpu.memory_space<hbm>>) dst(%arg8 : memref<80xi32, #tpu.memory_space<vmem>>)
        tpu.yield
      }) : () -> ()
      %dma_start3A = arith.constant 0 : i32
      %dma_start3A_45 = arith.constant 0 : i32
      %dma_start3A_46 = tpu.memref_slice %arg2[%dma_start3A, %dma_start3A_45] : memref<10000x128xf32, #tpu.memory_space<hbm>> -> memref<10000x128xf32, #tpu.memory_space<hbm>>
      tpu.enqueue_indirect_dma source(%dma_start3A_46 : memref<10000x128xf32, #tpu.memory_space<hbm>>) target(%arg9 : memref<80x128xf32, #tpu.memory_space<vmem>>) offsets(%arg7 : memref<80xi32, #tpu.memory_space<vmem>>) semaphore(%arg13 : memref<!tpu.dma_semaphore, #tpu.memory_space<semaphore_mem>>)
      %dma_start3A_47 = arith.constant 0 : i32
      %dma_start3A_48 = tpu.memref_slice %arg3[%add3A_44, %dma_start3A_47] : memref<320000x128xf32, #tpu.memory_space<hbm>> -> memref<80x128xf32, #tpu.memory_space<hbm>>
      %dma_start3A_49 = arith.constant 0 : i32
      %dma_start3A_50 = tpu.memref_slice %arg3[%add3A_44, %dma_start3A_49] : memref<320000x128xf32, #tpu.memory_space<hbm>> -> memref<80x128xf32, #tpu.memory_space<hbm>>
      tpu.enqueue_dma source(%dma_start3A_50 : memref<80x128xf32, #tpu.memory_space<hbm>>) target(%arg10 : memref<80x128xf32, #tpu.memory_space<vmem>>) target_semaphore(%arg14 : memref<!tpu.dma_semaphore, #tpu.memory_space<semaphore_mem>>)
      %dma_wait3A = arith.constant 0 : i32
      %dma_wait3A_51 = arith.constant 0 : i32
      %dma_wait3A_52 = tpu.memref_slice %arg2[%dma_wait3A, %dma_wait3A_51] : memref<10000x128xf32, #tpu.memory_space<hbm>> -> memref<10000x128xf32, #tpu.memory_space<hbm>>
      tpu.wait_indirect_dma semaphore(%arg13 : memref<!tpu.dma_semaphore, #tpu.memory_space<semaphore_mem>>) src(%dma_wait3A_52 : memref<10000x128xf32, #tpu.memory_space<hbm>>) dst(%arg9 : memref<80x128xf32, #tpu.memory_space<vmem>>)
      %dma_wait3A_53 = arith.constant 0 : i32
      %dma_wait3A_54 = tpu.memref_slice %arg3[%add3A_44, %dma_wait3A_53] : memref<320000x128xf32, #tpu.memory_space<hbm>> -> memref<80x128xf32, #tpu.memory_space<hbm>>
      %dma_wait3A_55 = arith.constant 0 : i32
      %dma_wait3A_56 = tpu.memref_slice %arg3[%add3A_44, %dma_wait3A_55] : memref<320000x128xf32, #tpu.memory_space<hbm>> -> memref<80x128xf32, #tpu.memory_space<hbm>>
      tpu.wait_dma2 semaphore(%arg14 : memref<!tpu.dma_semaphore, #tpu.memory_space<semaphore_mem>>) src(%dma_wait3A_56 : memref<80x128xf32, #tpu.memory_space<hbm>>) dst(%arg10 : memref<80x128xf32, #tpu.memory_space<vmem>>)
      %scan3A_57 = arith.constant 0 : i32
      %scan3A_58 = arith.constant 0 : i32
      %scan3A_59 = arith.constant 80 : i32
      %scan3A_60 = arith.addi %scan3A_58, %scan3A_59 : i32
      %scan3A_61 = arith.constant 1 : i32
      %scan3A_62 = scf.for %scan3A_65 = %scan3A_58 to %scan3A_60 step %scan3A_61 iter_args(%scan3A_66 = %scan3A_57) -> (i32)  : i32 {
        %get3A = arith.index_cast %scan3A_65 : i32 to index
        %get3A_67 = arith.constant 0 : index
        %get3A_68 = tpu.vector_load %arg9[%get3A, %get3A_67] {strides = array<i32>} : memref<80x128xf32, #tpu.memory_space<vmem>>, vector<1x16xf32>,
        %get3A_69 = vector.shape_cast %get3A_68 : vector<1x16xf32> to vector<16xf32>
        %get3A_70 = arith.index_cast %scan3A_65 : i32 to index
        %get3A_71 = arith.constant 0 : index
        %get3A_72 = tpu.vector_load %arg10[%get3A_70, %get3A_71] {strides = array<i32>} : memref<80x128xf32, #tpu.memory_space<vmem>>, vector<1x16xf32>,
        %get3A_73 = vector.shape_cast %get3A_72 : vector<1x16xf32> to vector<16xf32>
        %add3A_74 = arith.addf %get3A_69, %get3A_73 : vector<16xf32>
        %max3A = arith.constant 0.000000e+00 : f32
        %max3A_75 = vector.broadcast %max3A : f32 to vector<16xf32>
        %max3A_76 = arith.maximumf %add3A_74, %max3A_75 : vector<16xf32>
        %swap3A = arith.index_cast %scan3A_65 : i32 to index
        %swap3A_77 = arith.constant 0 : index
        %swap3A_78 = tpu.vector_load %arg9[%swap3A, %swap3A_77] {strides = array<i32>} : memref<80x128xf32, #tpu.memory_space<vmem>>, vector<1x16xf32>,
        %swap3A_79 = vector.shape_cast %swap3A_78 : vector<1x16xf32> to vector<16xf32>
        %swap3A_80 = vector.shape_cast %max3A_76 : vector<16xf32> to vector<1x16xf32>
        tpu.vector_store %arg9[%swap3A, %swap3A_77], %swap3A_80 {strides = array<i32>} : memref<80x128xf32, #tpu.memory_space<vmem>>, vector<1x16xf32>,
        %get3A_81 = arith.index_cast %scan3A_65 : i32 to index
        %get3A_82 = arith.constant 16 : index
        %get3A_83 = tpu.vector_load %arg9[%get3A_81, %get3A_82] {strides = array<i32>} : memref<80x128xf32, #tpu.memory_space<vmem>>, vector<1x16xf32>,
        %get3A_84 = vector.shape_cast %get3A_83 : vector<1x16xf32> to vector<16xf32>
        %get3A_85 = arith.index_cast %scan3A_65 : i32 to index
        %get3A_86 = arith.constant 16 : index
        %get3A_87 = tpu.vector_load %arg10[%get3A_85, %get3A_86] {strides = array<i32>} : memref<80x128xf32, #tpu.memory_space<vmem>>, vector<1x16xf32>,
        %get3A_88 = vector.shape_cast %get3A_87 : vector<1x16xf32> to vector<16xf32>
        %add3A_89 = arith.addf %get3A_84, %get3A_88 : vector<16xf32>
        %max3A_90 = arith.constant 0.000000e+00 : f32
        %max3A_91 = vector.broadcast %max3A_90 : f32 to vector<16xf32>
        %max3A_92 = arith.maximumf %add3A_89, %max3A_91 : vector<16xf32>
        %swap3A_93 = arith.index_cast %scan3A_65 : i32 to index
        %swap3A_94 = arith.constant 16 : index
        %swap3A_95 = tpu.vector_load %arg9[%swap3A_93, %swap3A_94] {strides = array<i32>} : memref<80x128xf32, #tpu.memory_space<vmem>>, vector<1x16xf32>,
        %swap3A_96 = vector.shape_cast %swap3A_95 : vector<1x16xf32> to vector<16xf32>
        %swap3A_97 = vector.shape_cast %max3A_92 : vector<16xf32> to vector<1x16xf32>
        tpu.vector_store %arg9[%swap3A_93, %swap3A_94], %swap3A_97 {strides = array<i32>} : memref<80x128xf32, #tpu.memory_space<vmem>>, vector<1x16xf32>,
        %get3A_98 = arith.index_cast %scan3A_65 : i32 to index
        %get3A_99 = arith.constant 32 : index
        %get3A_100 = tpu.vector_load %arg9[%get3A_98, %get3A_99] {strides = array<i32>} : memref<80x128xf32, #tpu.memory_space<vmem>>, vector<1x16xf32>,
        %get3A_101 = vector.shape_cast %get3A_100 : vector<1x16xf32> to vector<16xf32>
        %get3A_102 = arith.index_cast %scan3A_65 : i32 to index
        %get3A_103 = arith.constant 32 : index
        %get3A_104 = tpu.vector_load %arg10[%get3A_102, %get3A_103] {strides = array<i32>} : memref<80x128xf32, #tpu.memory_space<vmem>>, vector<1x16xf32>,
        %get3A_105 = vector.shape_cast %get3A_104 : vector<1x16xf32> to vector<16xf32>
        %add3A_106 = arith.addf %get3A_101, %get3A_105 : vector<16xf32>
        %max3A_107 = arith.constant 0.000000e+00 : f32
        %max3A_108 = vector.broadcast %max3A_107 : f32 to vector<16xf32>
        %max3A_109 = arith.maximumf %add3A_106, %max3A_108 : vector<16xf32>
        %swap3A_110 = arith.index_cast %scan3A_65 : i32 to index
        %swap3A_111 = arith.constant 32 : index
        %swap3A_112 = tpu.vector_load %arg9[%swap3A_110, %swap3A_111] {strides = array<i32>} : memref<80x128xf32, #tpu.memory_space<vmem>>, vector<1x16xf32>,
        %swap3A_113 = vector.shape_cast %swap3A_112 : vector<1x16xf32> to vector<16xf32>
        %swap3A_114 = vector.shape_cast %max3A_109 : vector<16xf32> to vector<1x16xf32>
        tpu.vector_store %arg9[%swap3A_110, %swap3A_111], %swap3A_114 {strides = array<i32>} : memref<80x128xf32, #tpu.memory_space<vmem>>, vector<1x16xf32>,
        %get3A_115 = arith.index_cast %scan3A_65 : i32 to index
        %get3A_116 = arith.constant 48 : index
        %get3A_117 = tpu.vector_load %arg9[%get3A_115, %get3A_116] {strides = array<i32>} : memref<80x128xf32, #tpu.memory_space<vmem>>, vector<1x16xf32>,
        %get3A_118 = vector.shape_cast %get3A_117 : vector<1x16xf32> to vector<16xf32>
        %get3A_119 = arith.index_cast %scan3A_65 : i32 to index
        %get3A_120 = arith.constant 48 : index
        %get3A_121 = tpu.vector_load %arg10[%get3A_119, %get3A_120] {strides = array<i32>} : memref<80x128xf32, #tpu.memory_space<vmem>>, vector<1x16xf32>,
        %get3A_122 = vector.shape_cast %get3A_121 : vector<1x16xf32> to vector<16xf32>
        %add3A_123 = arith.addf %get3A_118, %get3A_122 : vector<16xf32>
        %max3A_124 = arith.constant 0.000000e+00 : f32
        %max3A_125 = vector.broadcast %max3A_124 : f32 to vector<16xf32>
        %max3A_126 = arith.maximumf %add3A_123, %max3A_125 : vector<16xf32>
        %swap3A_127 = arith.index_cast %scan3A_65 : i32 to index
        %swap3A_128 = arith.constant 48 : index
        %swap3A_129 = tpu.vector_load %arg9[%swap3A_127, %swap3A_128] {strides = array<i32>} : memref<80x128xf32, #tpu.memory_space<vmem>>, vector<1x16xf32>,
        %swap3A_130 = vector.shape_cast %swap3A_129 : vector<1x16xf32> to vector<16xf32>
        %swap3A_131 = vector.shape_cast %max3A_126 : vector<16xf32> to vector<1x16xf32>
        tpu.vector_store %arg9[%swap3A_127, %swap3A_128], %swap3A_131 {strides = array<i32>} : memref<80x128xf32, #tpu.memory_space<vmem>>, vector<1x16xf32>,
        %get3A_132 = arith.index_cast %scan3A_65 : i32 to index
        %get3A_133 = arith.constant 64 : index
        %get3A_134 = tpu.vector_load %arg9[%get3A_132, %get3A_133] {strides = array<i32>} : memref<80x128xf32, #tpu.memory_space<vmem>>, vector<1x16xf32>,
        %get3A_135 = vector.shape_cast %get3A_134 : vector<1x16xf32> to vector<16xf32>
        %get3A_136 = arith.index_cast %scan3A_65 : i32 to index
        %get3A_137 = arith.constant 64 : index
        %get3A_138 = tpu.vector_load %arg10[%get3A_136, %get3A_137] {strides = array<i32>} : memref<80x128xf32, #tpu.memory_space<vmem>>, vector<1x16xf32>,
        %get3A_139 = vector.shape_cast %get3A_138 : vector<1x16xf32> to vector<16xf32>
        %add3A_140 = arith.addf %get3A_135, %get3A_139 : vector<16xf32>
        %max3A_141 = arith.constant 0.000000e+00 : f32
        %max3A_142 = vector.broadcast %max3A_141 : f32 to vector<16xf32>
        %max3A_143 = arith.maximumf %add3A_140, %max3A_142 : vector<16xf32>
        %swap3A_144 = arith.index_cast %scan3A_65 : i32 to index
        %swap3A_145 = arith.constant 64 : index
        %swap3A_146 = tpu.vector_load %arg9[%swap3A_144, %swap3A_145] {strides = array<i32>} : memref<80x128xf32, #tpu.memory_space<vmem>>, vector<1x16xf32>,
        %swap3A_147 = vector.shape_cast %swap3A_146 : vector<1x16xf32> to vector<16xf32>
        %swap3A_148 = vector.shape_cast %max3A_143 : vector<16xf32> to vector<1x16xf32>
        tpu.vector_store %arg9[%swap3A_144, %swap3A_145], %swap3A_148 {strides = array<i32>} : memref<80x128xf32, #tpu.memory_space<vmem>>, vector<1x16xf32>,
        %get3A_149 = arith.index_cast %scan3A_65 : i32 to index
        %get3A_150 = arith.constant 80 : index
        %get3A_151 = tpu.vector_load %arg9[%get3A_149, %get3A_150] {strides = array<i32>} : memref<80x128xf32, #tpu.memory_space<vmem>>, vector<1x16xf32>,
        %get3A_152 = vector.shape_cast %get3A_151 : vector<1x16xf32> to vector<16xf32>
        %get3A_153 = arith.index_cast %scan3A_65 : i32 to index
        %get3A_154 = arith.constant 80 : index
        %get3A_155 = tpu.vector_load %arg10[%get3A_153, %get3A_154] {strides = array<i32>} : memref<80x128xf32, #tpu.memory_space<vmem>>, vector<1x16xf32>,
        %get3A_156 = vector.shape_cast %get3A_155 : vector<1x16xf32> to vector<16xf32>
        %add3A_157 = arith.addf %get3A_152, %get3A_156 : vector<16xf32>
        %max3A_158 = arith.constant 0.000000e+00 : f32
        %max3A_159 = vector.broadcast %max3A_158 : f32 to vector<16xf32>
        %max3A_160 = arith.maximumf %add3A_157, %max3A_159 : vector<16xf32>
        %swap3A_161 = arith.index_cast %scan3A_65 : i32 to index
        %swap3A_162 = arith.constant 80 : index
        %swap3A_163 = tpu.vector_load %arg9[%swap3A_161, %swap3A_162] {strides = array<i32>} : memref<80x128xf32, #tpu.memory_space<vmem>>, vector<1x16xf32>,
        %swap3A_164 = vector.shape_cast %swap3A_163 : vector<1x16xf32> to vector<16xf32>
        %swap3A_165 = vector.shape_cast %max3A_160 : vector<16xf32> to vector<1x16xf32>
        tpu.vector_store %arg9[%swap3A_161, %swap3A_162], %swap3A_165 {strides = array<i32>} : memref<80x128xf32, #tpu.memory_space<vmem>>, vector<1x16xf32>,
        %get3A_166 = arith.index_cast %scan3A_65 : i32 to index
        %get3A_167 = arith.constant 96 : index
        %get3A_168 = tpu.vector_load %arg9[%get3A_166, %get3A_167] {strides = array<i32>} : memref<80x128xf32, #tpu.memory_space<vmem>>, vector<1x16xf32>,
        %get3A_169 = vector.shape_cast %get3A_168 : vector<1x16xf32> to vector<16xf32>
        %get3A_170 = arith.index_cast %scan3A_65 : i32 to index
        %get3A_171 = arith.constant 96 : index
        %get3A_172 = tpu.vector_load %arg10[%get3A_170, %get3A_171] {strides = array<i32>} : memref<80x128xf32, #tpu.memory_space<vmem>>, vector<1x16xf32>,
        %get3A_173 = vector.shape_cast %get3A_172 : vector<1x16xf32> to vector<16xf32>
        %add3A_174 = arith.addf %get3A_169, %get3A_173 : vector<16xf32>
        %max3A_175 = arith.constant 0.000000e+00 : f32
        %max3A_176 = vector.broadcast %max3A_175 : f32 to vector<16xf32>
        %max3A_177 = arith.maximumf %add3A_174, %max3A_176 : vector<16xf32>
        %swap3A_178 = arith.index_cast %scan3A_65 : i32 to index
        %swap3A_179 = arith.constant 96 : index
        %swap3A_180 = tpu.vector_load %arg9[%swap3A_178, %swap3A_179] {strides = array<i32>} : memref<80x128xf32, #tpu.memory_space<vmem>>, vector<1x16xf32>,
        %swap3A_181 = vector.shape_cast %swap3A_180 : vector<1x16xf32> to vector<16xf32>
        %swap3A_182 = vector.shape_cast %max3A_177 : vector<16xf32> to vector<1x16xf32>
        tpu.vector_store %arg9[%swap3A_178, %swap3A_179], %swap3A_182 {strides = array<i32>} : memref<80x128xf32, #tpu.memory_space<vmem>>, vector<1x16xf32>,
        %get3A_183 = arith.index_cast %scan3A_65 : i32 to index
        %get3A_184 = arith.constant 112 : index
        %get3A_185 = tpu.vector_load %arg9[%get3A_183, %get3A_184] {strides = array<i32>} : memref<80x128xf32, #tpu.memory_space<vmem>>, vector<1x16xf32>,
        %get3A_186 = vector.shape_cast %get3A_185 : vector<1x16xf32> to vector<16xf32>
        %get3A_187 = arith.index_cast %scan3A_65 : i32 to index
        %get3A_188 = arith.constant 112 : index
        %get3A_189 = tpu.vector_load %arg10[%get3A_187, %get3A_188] {strides = array<i32>} : memref<80x128xf32, #tpu.memory_space<vmem>>, vector<1x16xf32>,
        %get3A_190 = vector.shape_cast %get3A_189 : vector<1x16xf32> to vector<16xf32>
        %add3A_191 = arith.addf %get3A_186, %get3A_190 : vector<16xf32>
        %max3A_192 = arith.constant 0.000000e+00 : f32
        %max3A_193 = vector.broadcast %max3A_192 : f32 to vector<16xf32>
        %max3A_194 = arith.maximumf %add3A_191, %max3A_193 : vector<16xf32>
        %swap3A_195 = arith.index_cast %scan3A_65 : i32 to index
        %swap3A_196 = arith.constant 112 : index
        %swap3A_197 = tpu.vector_load %arg9[%swap3A_195, %swap3A_196] {strides = array<i32>} : memref<80x128xf32, #tpu.memory_space<vmem>>, vector<1x16xf32>,
        %swap3A_198 = vector.shape_cast %swap3A_197 : vector<1x16xf32> to vector<16xf32>
        %swap3A_199 = vector.shape_cast %max3A_194 : vector<16xf32> to vector<1x16xf32>
        tpu.vector_store %arg9[%swap3A_195, %swap3A_196], %swap3A_199 {strides = array<i32>} : memref<80x128xf32, #tpu.memory_space<vmem>>, vector<1x16xf32>,
        %scan3A_200 = arith.constant 0 : i32
        scf.yield %scan3A_200 : i32
      }
      %scan3A_63 = arith.constant 80 : i32
      "tpu.region"() ({
        %run_scoped3A = tpu.sem_alloc : memref<!tpu.dma_semaphore, #tpu.memory_space<semaphore_mem>>
        %dma_start3A_65 = arith.constant 0 : i32
        %dma_start3A_66 = arith.constant 0 : i32
        %dma_start3A_67 = tpu.memref_slice %arg12[%dma_start3A_65, %dma_start3A_66] : memref<10000x128xf32, #tpu.memory_space<vmem_shared>> -> memref<10000x128xf32, #tpu.memory_space<vmem_shared>>
        tpu.enqueue_indirect_dma source(%arg9 : memref<80x128xf32, #tpu.memory_space<vmem>>) target(%dma_start3A_67 : memref<10000x128xf32, #tpu.memory_space<vmem_shared>>) offsets(%arg8 : memref<80xi32, #tpu.memory_space<vmem>>) semaphore(%run_scoped3A : memref<!tpu.dma_semaphore, #tpu.memory_space<semaphore_mem>>) {add = true}
        %dma_wait3A_68 = arith.constant 0 : i32
        %dma_wait3A_69 = arith.constant 0 : i32
        %dma_wait3A_70 = tpu.memref_slice %arg12[%dma_wait3A_68, %dma_wait3A_69] : memref<10000x128xf32, #tpu.memory_space<vmem_shared>> -> memref<10000x128xf32, #tpu.memory_space<vmem_shared>>
        tpu.wait_indirect_dma semaphore(%run_scoped3A : memref<!tpu.dma_semaphore, #tpu.memory_space<semaphore_mem>>) src(%arg9 : memref<80x128xf32, #tpu.memory_space<vmem>>) dst(%dma_wait3A_70 : memref<10000x128xf32, #tpu.memory_space<vmem_shared>>)
        tpu.yield
      }) : () -> ()
      %scan3A_64 = arith.constant 0 : i32
      scf.yield %scan3A_64 : i32
    }
    %scan3A_34 = arith.constant 125 : i32
    %barrier3A_35 = arith.constant 0 : index
    tpu.barrier barrier_id(%barrier3A_35)
    %mul3A_36 = arith.constant 625 : i32
    %mul3A_37 = arith.muli %arg1, %mul3A_36 : i32
    "tpu.region"() ({
      %run_scoped3A = tpu.sem_alloc : memref<!tpu.dma_semaphore, #tpu.memory_space<semaphore_mem>>
      %dma_start3A = arith.constant 0 : i32
      %dma_start3A_38 = arith.constant 0 : i32
      %dma_start3A_39 = tpu.memref_slice %arg6[%arg0, %arg1, %dma_start3A, %dma_start3A_38] : memref<2x16x625x128xf32, #tpu.memory_space<hbm>> -> memref<1x1x625x128xf32, #tpu.memory_space<hbm>>
      %dma_start3A_40 = tpu.memref_squeeze %dma_start3A_39 : memref<1x1x625x128xf32, #tpu.memory_space<hbm>> -> memref<625x128xf32, #tpu.memory_space<hbm>>
      %dma_start3A_41 = arith.constant 0 : i32
      %dma_start3A_42 = tpu.memref_slice %arg12[%mul3A_37, %dma_start3A_41] : memref<10000x128xf32, #tpu.memory_space<vmem_shared>> -> memref<625x128xf32, #tpu.memory_space<vmem_shared>>
      tpu.enqueue_dma source(%dma_start3A_42 : memref<625x128xf32, #tpu.memory_space<vmem_shared>>) target(%dma_start3A_40 : memref<625x128xf32, #tpu.memory_space<hbm>>) target_semaphore(%run_scoped3A : memref<!tpu.dma_semaphore, #tpu.memory_space<semaphore_mem>>)
      %dma_wait3A = arith.constant 0 : i32
      %dma_wait3A_43 = arith.constant 0 : i32
      %dma_wait3A_44 = tpu.memref_slice %arg6[%arg0, %arg1, %dma_wait3A, %dma_wait3A_43] : memref<2x16x625x128xf32, #tpu.memory_space<hbm>> -> memref<1x1x625x128xf32, #tpu.memory_space<hbm>>
      %dma_wait3A_45 = tpu.memref_squeeze %dma_wait3A_44 : memref<1x1x625x128xf32, #tpu.memory_space<hbm>> -> memref<625x128xf32, #tpu.memory_space<hbm>>
      %dma_wait3A_46 = arith.constant 0 : i32
      %dma_wait3A_47 = tpu.memref_slice %arg12[%mul3A_37, %dma_wait3A_46] : memref<10000x128xf32, #tpu.memory_space<vmem_shared>> -> memref<625x128xf32, #tpu.memory_space<vmem_shared>>
      tpu.wait_dma2 semaphore(%run_scoped3A : memref<!tpu.dma_semaphore, #tpu.memory_space<semaphore_mem>>) src(%dma_wait3A_47 : memref<625x128xf32, #tpu.memory_space<vmem_shared>>) dst(%dma_wait3A_45 : memref<625x128xf32, #tpu.memory_space<hbm>>)
      tpu.yield
    }) : () -> ()
    return
  }
}

#map = affine_map<(d0, d1) -> (0, 0)>
#map1 = affine_map<(d0, d1) -> (0)>
#map2 = affine_map<(d0, d1) -> (0, 0, 0, 0)>
module attributes {stable_mosaic.version = 14 : i64} {
  func.func @k(%arg0: i32, %arg1: i32, %arg2: memref<10000x128xf32, #tpu.memory_space<hbm>>, %arg3: memref<320000x128xf32, #tpu.memory_space<hbm>>, %arg4: memref<320000xi32, #tpu.memory_space<hbm>>, %arg5: memref<320000xi32, #tpu.memory_space<hbm>>, %arg6: memref<2x16x625x128xf32, #tpu.memory_space<hbm>>, %arg7: memref<80xi32, #tpu.memory_space<vmem>>, %arg8: memref<80xi32, #tpu.memory_space<vmem>>, %arg9: memref<80x128xf32, #tpu.memory_space<vmem>>, %arg10: memref<80x128xf32, #tpu.memory_space<vmem>>, %arg11: memref<125x128xf32, #tpu.memory_space<vmem>>, %arg12: memref<10000x128xf32, #tpu.memory_space<vmem_shared>>, %arg13: memref<!tpu.dma_semaphore, #tpu.memory_space<semaphore_mem>>, %arg14: memref<!tpu.dma_semaphore, #tpu.memory_space<semaphore_mem>>) attributes {dimension_semantics = [#tpu.dimension_semantics<core_parallel>, #tpu.dimension_semantics<subcore_parallel>], iteration_bounds = array<i64: 2, 16>, scalar_prefetch = 0 : i64, scratch_operands = 8 : i64, tpu.core_type = #tpu.core_type<sc_vector_subcore>, window_params = [{transform_indices = #map}, {transform_indices = #map}, {transform_indices = #map1}, {transform_indices = #map1}, {transform_indices = #map2}]} {
    %mul3A = arith.constant 2 : i32
    %mul3A_0 = arith.muli %arg1, %mul3A : i32
    %add3A = arith.addi %mul3A_0, %arg0 : i32
    %broadcast_in_dim3A = arith.constant 0.000000e+00 : f32
    %broadcast_in_dim3A_1 = vector.broadcast %broadcast_in_dim3A : f32 to vector<16xf32>
    %scan3A = arith.constant 0 : i32
    %scan3A_2 = arith.constant 0 : i32
    %scan3A_3 = arith.constant 125 : i32
    %scan3A_4 = arith.addi %scan3A_2, %scan3A_3 : i32
    %scan3A_5 = arith.constant 1 : i32
    %scan3A_6 = scf.for %scan3A_38 = %scan3A_2 to %scan3A_4 step %scan3A_5 iter_args(%scan3A_39 = %scan3A) -> (i32)  : i32 {
      %swap3A = arith.index_cast %scan3A_38 : i32 to index
      %swap3A_40 = arith.constant 0 : index
      %swap3A_41 = tpu.vector_load %arg11[%swap3A, %swap3A_40] {strides = array<i32>} : memref<125x128xf32, #tpu.memory_space<vmem>>, vector<1x16xf32>,
      %swap3A_42 = vector.shape_cast %swap3A_41 : vector<1x16xf32> to vector<16xf32>
      %swap3A_43 = vector.shape_cast %broadcast_in_dim3A_1 : vector<16xf32> to vector<1x16xf32>
      tpu.vector_store %arg11[%swap3A, %swap3A_40], %swap3A_43 {strides = array<i32>} : memref<125x128xf32, #tpu.memory_space<vmem>>, vector<1x16xf32>,
      %swap3A_44 = arith.index_cast %scan3A_38 : i32 to index
      %swap3A_45 = arith.constant 16 : index
      %swap3A_46 = tpu.vector_load %arg11[%swap3A_44, %swap3A_45] {strides = array<i32>} : memref<125x128xf32, #tpu.memory_space<vmem>>, vector<1x16xf32>,
      %swap3A_47 = vector.shape_cast %swap3A_46 : vector<1x16xf32> to vector<16xf32>
      %swap3A_48 = vector.shape_cast %broadcast_in_dim3A_1 : vector<16xf32> to vector<1x16xf32>
      tpu.vector_store %arg11[%swap3A_44, %swap3A_45], %swap3A_48 {strides = array<i32>} : memref<125x128xf32, #tpu.memory_space<vmem>>, vector<1x16xf32>,
      %swap3A_49 = arith.index_cast %scan3A_38 : i32 to index
      %swap3A_50 = arith.constant 32 : index
      %swap3A_51 = tpu.vector_load %arg11[%swap3A_49, %swap3A_50] {strides = array<i32>} : memref<125x128xf32, #tpu.memory_space<vmem>>, vector<1x16xf32>,
      %swap3A_52 = vector.shape_cast %swap3A_51 : vector<1x16xf32> to vector<16xf32>
      %swap3A_53 = vector.shape_cast %broadcast_in_dim3A_1 : vector<16xf32> to vector<1x16xf32>
      tpu.vector_store %arg11[%swap3A_49, %swap3A_50], %swap3A_53 {strides = array<i32>} : memref<125x128xf32, #tpu.memory_space<vmem>>, vector<1x16xf32>,
      %swap3A_54 = arith.index_cast %scan3A_38 : i32 to index
      %swap3A_55 = arith.constant 48 : index
      %swap3A_56 = tpu.vector_load %arg11[%swap3A_54, %swap3A_55] {strides = array<i32>} : memref<125x128xf32, #tpu.memory_space<vmem>>, vector<1x16xf32>,
      %swap3A_57 = vector.shape_cast %swap3A_56 : vector<1x16xf32> to vector<16xf32>
      %swap3A_58 = vector.shape_cast %broadcast_in_dim3A_1 : vector<16xf32> to vector<1x16xf32>
      tpu.vector_store %arg11[%swap3A_54, %swap3A_55], %swap3A_58 {strides = array<i32>} : memref<125x128xf32, #tpu.memory_space<vmem>>, vector<1x16xf32>,
      %swap3A_59 = arith.index_cast %scan3A_38 : i32 to index
      %swap3A_60 = arith.constant 64 : index
      %swap3A_61 = tpu.vector_load %arg11[%swap3A_59, %swap3A_60] {strides = array<i32>} : memref<125x128xf32, #tpu.memory_space<vmem>>, vector<1x16xf32>,
      %swap3A_62 = vector.shape_cast %swap3A_61 : vector<1x16xf32> to vector<16xf32>
      %swap3A_63 = vector.shape_cast %broadcast_in_dim3A_1 : vector<16xf32> to vector<1x16xf32>
      tpu.vector_store %arg11[%swap3A_59, %swap3A_60], %swap3A_63 {strides = array<i32>} : memref<125x128xf32, #tpu.memory_space<vmem>>, vector<1x16xf32>,
      %swap3A_64 = arith.index_cast %scan3A_38 : i32 to index
      %swap3A_65 = arith.constant 80 : index
      %swap3A_66 = tpu.vector_load %arg11[%swap3A_64, %swap3A_65] {strides = array<i32>} : memref<125x128xf32, #tpu.memory_space<vmem>>, vector<1x16xf32>,
      %swap3A_67 = vector.shape_cast %swap3A_66 : vector<1x16xf32> to vector<16xf32>
      %swap3A_68 = vector.shape_cast %broadcast_in_dim3A_1 : vector<16xf32> to vector<1x16xf32>
      tpu.vector_store %arg11[%swap3A_64, %swap3A_65], %swap3A_68 {strides = array<i32>} : memref<125x128xf32, #tpu.memory_space<vmem>>, vector<1x16xf32>,
      %swap3A_69 = arith.index_cast %scan3A_38 : i32 to index
      %swap3A_70 = arith.constant 96 : index
      %swap3A_71 = tpu.vector_load %arg11[%swap3A_69, %swap3A_70] {strides = array<i32>} : memref<125x128xf32, #tpu.memory_space<vmem>>, vector<1x16xf32>,
      %swap3A_72 = vector.shape_cast %swap3A_71 : vector<1x16xf32> to vector<16xf32>
      %swap3A_73 = vector.shape_cast %broadcast_in_dim3A_1 : vector<16xf32> to vector<1x16xf32>
      tpu.vector_store %arg11[%swap3A_69, %swap3A_70], %swap3A_73 {strides = array<i32>} : memref<125x128xf32, #tpu.memory_space<vmem>>, vector<1x16xf32>,
      %swap3A_74 = arith.index_cast %scan3A_38 : i32 to index
      %swap3A_75 = arith.constant 112 : index
      %swap3A_76 = tpu.vector_load %arg11[%swap3A_74, %swap3A_75] {strides = array<i32>} : memref<125x128xf32, #tpu.memory_space<vmem>>, vector<1x16xf32>,
      %swap3A_77 = vector.shape_cast %swap3A_76 : vector<1x16xf32> to vector<16xf32>
      %swap3A_78 = vector.shape_cast %broadcast_in_dim3A_1 : vector<16xf32> to vector<1x16xf32>
      tpu.vector_store %arg11[%swap3A_74, %swap3A_75], %swap3A_78 {strides = array<i32>} : memref<125x128xf32, #tpu.memory_space<vmem>>, vector<1x16xf32>,
      %scan3A_79 = arith.constant 0 : i32
      scf.yield %scan3A_79 : i32
    }
    %scan3A_7 = arith.constant 125 : i32
    %mul3A_8 = arith.constant 625 : i32
    %mul3A_9 = arith.muli %arg1, %mul3A_8 : i32
    %add3A_10 = arith.constant 0 : i32
    %add3A_11 = arith.addi %mul3A_9, %add3A_10 : i32
    "tpu.region"() ({
      %run_scoped3A = tpu.sem_alloc : memref<!tpu.dma_semaphore, #tpu.memory_space<semaphore_mem>>
      %dma_start3A = arith.constant 0 : i32
      %dma_start3A_38 = tpu.memref_slice %arg12[%add3A_11, %dma_start3A] : memref<10000x128xf32, #tpu.memory_space<vmem_shared>> -> memref<125x128xf32, #tpu.memory_space<vmem_shared>>
      %dma_start3A_39 = arith.constant 0 : i32
      %dma_start3A_40 = tpu.memref_slice %arg12[%add3A_11, %dma_start3A_39] : memref<10000x128xf32, #tpu.memory_space<vmem_shared>> -> memref<125x128xf32, #tpu.memory_space<vmem_shared>>
      tpu.enqueue_dma source(%arg11 : memref<125x128xf32, #tpu.memory_space<vmem>>) target(%dma_start3A_40 : memref<125x128xf32, #tpu.memory_space<vmem_shared>>) target_semaphore(%run_scoped3A : memref<!tpu.dma_semaphore, #tpu.memory_space<semaphore_mem>>)
      %dma_wait3A = arith.constant 0 : i32
      %dma_wait3A_41 = tpu.memref_slice %arg12[%add3A_11, %dma_wait3A] : memref<10000x128xf32, #tpu.memory_space<vmem_shared>> -> memref<125x128xf32, #tpu.memory_space<vmem_shared>>
      %dma_wait3A_42 = arith.constant 0 : i32
      %dma_wait3A_43 = tpu.memref_slice %arg12[%add3A_11, %dma_wait3A_42] : memref<10000x128xf32, #tpu.memory_space<vmem_shared>> -> memref<125x128xf32, #tpu.memory_space<vmem_shared>>
      tpu.wait_dma2 semaphore(%run_scoped3A : memref<!tpu.dma_semaphore, #tpu.memory_space<semaphore_mem>>) src(%arg11 : memref<125x128xf32, #tpu.memory_space<vmem>>) dst(%dma_wait3A_43 : memref<125x128xf32, #tpu.memory_space<vmem_shared>>)
      tpu.yield
    }) : () -> ()
    %mul3A_12 = arith.constant 625 : i32
    %mul3A_13 = arith.muli %arg1, %mul3A_12 : i32
    %add3A_14 = arith.constant 125 : i32
    %add3A_15 = arith.addi %mul3A_13, %add3A_14 : i32
    "tpu.region"() ({
      %run_scoped3A = tpu.sem_alloc : memref<!tpu.dma_semaphore, #tpu.memory_space<semaphore_mem>>
      %dma_start3A = arith.constant 0 : i32
      %dma_start3A_38 = tpu.memref_slice %arg12[%add3A_15, %dma_start3A] : memref<10000x128xf32, #tpu.memory_space<vmem_shared>> -> memref<125x128xf32, #tpu.memory_space<vmem_shared>>
      %dma_start3A_39 = arith.constant 0 : i32
      %dma_start3A_40 = tpu.memref_slice %arg12[%add3A_15, %dma_start3A_39] : memref<10000x128xf32, #tpu.memory_space<vmem_shared>> -> memref<125x128xf32, #tpu.memory_space<vmem_shared>>
      tpu.enqueue_dma source(%arg11 : memref<125x128xf32, #tpu.memory_space<vmem>>) target(%dma_start3A_40 : memref<125x128xf32, #tpu.memory_space<vmem_shared>>) target_semaphore(%run_scoped3A : memref<!tpu.dma_semaphore, #tpu.memory_space<semaphore_mem>>)
      %dma_wait3A = arith.constant 0 : i32
      %dma_wait3A_41 = tpu.memref_slice %arg12[%add3A_15, %dma_wait3A] : memref<10000x128xf32, #tpu.memory_space<vmem_shared>> -> memref<125x128xf32, #tpu.memory_space<vmem_shared>>
      %dma_wait3A_42 = arith.constant 0 : i32
      %dma_wait3A_43 = tpu.memref_slice %arg12[%add3A_15, %dma_wait3A_42] : memref<10000x128xf32, #tpu.memory_space<vmem_shared>> -> memref<125x128xf32, #tpu.memory_space<vmem_shared>>
      tpu.wait_dma2 semaphore(%run_scoped3A : memref<!tpu.dma_semaphore, #tpu.memory_space<semaphore_mem>>) src(%arg11 : memref<125x128xf32, #tpu.memory_space<vmem>>) dst(%dma_wait3A_43 : memref<125x128xf32, #tpu.memory_space<vmem_shared>>)
      tpu.yield
    }) : () -> ()
    %mul3A_16 = arith.constant 625 : i32
    %mul3A_17 = arith.muli %arg1, %mul3A_16 : i32
    %add3A_18 = arith.constant 250 : i32
    %add3A_19 = arith.addi %mul3A_17, %add3A_18 : i32
    "tpu.region"() ({
      %run_scoped3A = tpu.sem_alloc : memref<!tpu.dma_semaphore, #tpu.memory_space<semaphore_mem>>
      %dma_start3A = arith.constant 0 : i32
      %dma_start3A_38 = tpu.memref_slice %arg12[%add3A_19, %dma_start3A] : memref<10000x128xf32, #tpu.memory_space<vmem_shared>> -> memref<125x128xf32, #tpu.memory_space<vmem_shared>>
      %dma_start3A_39 = arith.constant 0 : i32
      %dma_start3A_40 = tpu.memref_slice %arg12[%add3A_19, %dma_start3A_39] : memref<10000x128xf32, #tpu.memory_space<vmem_shared>> -> memref<125x128xf32, #tpu.memory_space<vmem_shared>>
      tpu.enqueue_dma source(%arg11 : memref<125x128xf32, #tpu.memory_space<vmem>>) target(%dma_start3A_40 : memref<125x128xf32, #tpu.memory_space<vmem_shared>>) target_semaphore(%run_scoped3A : memref<!tpu.dma_semaphore, #tpu.memory_space<semaphore_mem>>)
      %dma_wait3A = arith.constant 0 : i32
      %dma_wait3A_41 = tpu.memref_slice %arg12[%add3A_19, %dma_wait3A] : memref<10000x128xf32, #tpu.memory_space<vmem_shared>> -> memref<125x128xf32, #tpu.memory_space<vmem_shared>>
      %dma_wait3A_42 = arith.constant 0 : i32
      %dma_wait3A_43 = tpu.memref_slice %arg12[%add3A_19, %dma_wait3A_42] : memref<10000x128xf32, #tpu.memory_space<vmem_shared>> -> memref<125x128xf32, #tpu.memory_space<vmem_shared>>
      tpu.wait_dma2 semaphore(%run_scoped3A : memref<!tpu.dma_semaphore, #tpu.memory_space<semaphore_mem>>) src(%arg11 : memref<125x128xf32, #tpu.memory_space<vmem>>) dst(%dma_wait3A_43 : memref<125x128xf32, #tpu.memory_space<vmem_shared>>)
      tpu.yield
    }) : () -> ()
    %mul3A_20 = arith.constant 625 : i32
    %mul3A_21 = arith.muli %arg1, %mul3A_20 : i32
    %add3A_22 = arith.constant 375 : i32
    %add3A_23 = arith.addi %mul3A_21, %add3A_22 : i32
    "tpu.region"() ({
      %run_scoped3A = tpu.sem_alloc : memref<!tpu.dma_semaphore, #tpu.memory_space<semaphore_mem>>
      %dma_start3A = arith.constant 0 : i32
      %dma_start3A_38 = tpu.memref_slice %arg12[%add3A_23, %dma_start3A] : memref<10000x128xf32, #tpu.memory_space<vmem_shared>> -> memref<125x128xf32, #tpu.memory_space<vmem_shared>>
      %dma_start3A_39 = arith.constant 0 : i32
      %dma_start3A_40 = tpu.memref_slice %arg12[%add3A_23, %dma_start3A_39] : memref<10000x128xf32, #tpu.memory_space<vmem_shared>> -> memref<125x128xf32, #tpu.memory_space<vmem_shared>>
      tpu.enqueue_dma source(%arg11 : memref<125x128xf32, #tpu.memory_space<vmem>>) target(%dma_start3A_40 : memref<125x128xf32, #tpu.memory_space<vmem_shared>>) target_semaphore(%run_scoped3A : memref<!tpu.dma_semaphore, #tpu.memory_space<semaphore_mem>>)
      %dma_wait3A = arith.constant 0 : i32
      %dma_wait3A_41 = tpu.memref_slice %arg12[%add3A_23, %dma_wait3A] : memref<10000x128xf32, #tpu.memory_space<vmem_shared>> -> memref<125x128xf32, #tpu.memory_space<vmem_shared>>
      %dma_wait3A_42 = arith.constant 0 : i32
      %dma_wait3A_43 = tpu.memref_slice %arg12[%add3A_23, %dma_wait3A_42] : memref<10000x128xf32, #tpu.memory_space<vmem_shared>> -> memref<125x128xf32, #tpu.memory_space<vmem_shared>>
      tpu.wait_dma2 semaphore(%run_scoped3A : memref<!tpu.dma_semaphore, #tpu.memory_space<semaphore_mem>>) src(%arg11 : memref<125x128xf32, #tpu.memory_space<vmem>>) dst(%dma_wait3A_43 : memref<125x128xf32, #tpu.memory_space<vmem_shared>>)
      tpu.yield
    }) : () -> ()
    %mul3A_24 = arith.constant 625 : i32
    %mul3A_25 = arith.muli %arg1, %mul3A_24 : i32
    %add3A_26 = arith.constant 500 : i32
    %add3A_27 = arith.addi %mul3A_25, %add3A_26 : i32
    "tpu.region"() ({
      %run_scoped3A = tpu.sem_alloc : memref<!tpu.dma_semaphore, #tpu.memory_space<semaphore_mem>>
      %dma_start3A = arith.constant 0 : i32
      %dma_start3A_38 = tpu.memref_slice %arg12[%add3A_27, %dma_start3A] : memref<10000x128xf32, #tpu.memory_space<vmem_shared>> -> memref<125x128xf32, #tpu.memory_space<vmem_shared>>
      %dma_start3A_39 = arith.constant 0 : i32
      %dma_start3A_40 = tpu.memref_slice %arg12[%add3A_27, %dma_start3A_39] : memref<10000x128xf32, #tpu.memory_space<vmem_shared>> -> memref<125x128xf32, #tpu.memory_space<vmem_shared>>
      tpu.enqueue_dma source(%arg11 : memref<125x128xf32, #tpu.memory_space<vmem>>) target(%dma_start3A_40 : memref<125x128xf32, #tpu.memory_space<vmem_shared>>) target_semaphore(%run_scoped3A : memref<!tpu.dma_semaphore, #tpu.memory_space<semaphore_mem>>)
      %dma_wait3A = arith.constant 0 : i32
      %dma_wait3A_41 = tpu.memref_slice %arg12[%add3A_27, %dma_wait3A] : memref<10000x128xf32, #tpu.memory_space<vmem_shared>> -> memref<125x128xf32, #tpu.memory_space<vmem_shared>>
      %dma_wait3A_42 = arith.constant 0 : i32
      %dma_wait3A_43 = tpu.memref_slice %arg12[%add3A_27, %dma_wait3A_42] : memref<10000x128xf32, #tpu.memory_space<vmem_shared>> -> memref<125x128xf32, #tpu.memory_space<vmem_shared>>
      tpu.wait_dma2 semaphore(%run_scoped3A : memref<!tpu.dma_semaphore, #tpu.memory_space<semaphore_mem>>) src(%arg11 : memref<125x128xf32, #tpu.memory_space<vmem>>) dst(%dma_wait3A_43 : memref<125x128xf32, #tpu.memory_space<vmem_shared>>)
      tpu.yield
    }) : () -> ()
    %barrier3A = arith.constant 0 : index
    tpu.barrier barrier_id(%barrier3A)
    %scan3A_28 = arith.constant 0 : i32
    %scan3A_29 = arith.constant 0 : i32
    %scan3A_30 = arith.constant 125 : i32
    %scan3A_31 = arith.addi %scan3A_29, %scan3A_30 : i32
    %scan3A_32 = arith.constant 1 : i32
    %scan3A_33 = scf.for %scan3A_38 = %scan3A_29 to %scan3A_31 step %scan3A_32 iter_args(%scan3A_39 = %scan3A_28) -> (i32)  : i32 {
      %mul3A_40 = arith.constant 10000 : i32
      %mul3A_41 = arith.muli %add3A, %mul3A_40 : i32
      %mul3A_42 = arith.constant 80 : i32
      %mul3A_43 = arith.muli %scan3A_38, %mul3A_42 : i32
      %add3A_44 = arith.addi %mul3A_41, %mul3A_43 : i32
      "tpu.region"() ({
        %run_scoped3A = tpu.sem_alloc : memref<!tpu.dma_semaphore, #tpu.memory_space<semaphore_mem>>
        %dma_start3A_65 = tpu.memref_slice %arg4[%add3A_44] : memref<320000xi32, #tpu.memory_space<hbm>> -> memref<80xi32, #tpu.memory_space<hbm>>
        %dma_start3A_66 = tpu.memref_slice %arg4[%add3A_44] : memref<320000xi32, #tpu.memory_space<hbm>> -> memref<80xi32, #tpu.memory_space<hbm>>
        tpu.enqueue_dma source(%dma_start3A_66 : memref<80xi32, #tpu.memory_space<hbm>>) target(%arg7 : memref<80xi32, #tpu.memory_space<vmem>>) target_semaphore(%run_scoped3A : memref<!tpu.dma_semaphore, #tpu.memory_space<semaphore_mem>>)
        %dma_wait3A_67 = tpu.memref_slice %arg4[%add3A_44] : memref<320000xi32, #tpu.memory_space<hbm>> -> memref<80xi32, #tpu.memory_space<hbm>>
        %dma_wait3A_68 = tpu.memref_slice %arg4[%add3A_44] : memref<320000xi32, #tpu.memory_space<hbm>> -> memref<80xi32, #tpu.memory_space<hbm>>
        tpu.wait_dma2 semaphore(%run_scoped3A : memref<!tpu.dma_semaphore, #tpu.memory_space<semaphore_mem>>) src(%dma_wait3A_68 : memref<80xi32, #tpu.memory_space<hbm>>) dst(%arg7 : memref<80xi32, #tpu.memory_space<vmem>>)
        tpu.yield
      }) : () -> ()
      "tpu.region"() ({
        %run_scoped3A = tpu.sem_alloc : memref<!tpu.dma_semaphore, #tpu.memory_space<semaphore_mem>>
        %dma_start3A_65 = tpu.memref_slice %arg5[%add3A_44] : memref<320000xi32, #tpu.memory_space<hbm>> -> memref<80xi32, #tpu.memory_space<hbm>>
        %dma_start3A_66 = tpu.memref_slice %arg5[%add3A_44] : memref<320000xi32, #tpu.memory_space<hbm>> -> memref<80xi32, #tpu.memory_space<hbm>>
        tpu.enqueue_dma source(%dma_start3A_66 : memref<80xi32, #tpu.memory_space<hbm>>) target(%arg8 : memref<80xi32, #tpu.memory_space<vmem>>) target_semaphore(%run_scoped3A : memref<!tpu.dma_semaphore, #tpu.memory_space<semaphore_mem>>)
        %dma_wait3A_67 = tpu.memref_slice %arg5[%add3A_44] : memref<320000xi32, #tpu.memory_space<hbm>> -> memref<80xi32, #tpu.memory_space<hbm>>
        %dma_wait3A_68 = tpu.memref_slice %arg5[%add3A_44] : memref<320000xi32, #tpu.memory_space<hbm>> -> memref<80xi32, #tpu.memory_space<hbm>>
        tpu.wait_dma2 semaphore(%run_scoped3A : memref<!tpu.dma_semaphore, #tpu.memory_space<semaphore_mem>>) src(%dma_wait3A_68 : memref<80xi32, #tpu.memory_space<hbm>>) dst(%arg8 : memref<80xi32, #tpu.memory_space<vmem>>)
        tpu.yield
      }) : () -> ()
      %dma_start3A = arith.constant 0 : i32
      %dma_start3A_45 = arith.constant 0 : i32
      %dma_start3A_46 = tpu.memref_slice %arg2[%dma_start3A, %dma_start3A_45] : memref<10000x128xf32, #tpu.memory_space<hbm>> -> memref<10000x128xf32, #tpu.memory_space<hbm>>
      tpu.enqueue_indirect_dma source(%dma_start3A_46 : memref<10000x128xf32, #tpu.memory_space<hbm>>) target(%arg9 : memref<80x128xf32, #tpu.memory_space<vmem>>) offsets(%arg7 : memref<80xi32, #tpu.memory_space<vmem>>) semaphore(%arg13 : memref<!tpu.dma_semaphore, #tpu.memory_space<semaphore_mem>>)
      %dma_start3A_47 = arith.constant 0 : i32
      %dma_start3A_48 = tpu.memref_slice %arg3[%add3A_44, %dma_start3A_47] : memref<320000x128xf32, #tpu.memory_space<hbm>> -> memref<80x128xf32, #tpu.memory_space<hbm>>
      %dma_start3A_49 = arith.constant 0 : i32
      %dma_start3A_50 = tpu.memref_slice %arg3[%add3A_44, %dma_start3A_49] : memref<320000x128xf32, #tpu.memory_space<hbm>> -> memref<80x128xf32, #tpu.memory_space<hbm>>
      tpu.enqueue_dma source(%dma_start3A_50 : memref<80x128xf32, #tpu.memory_space<hbm>>) target(%arg10 : memref<80x128xf32, #tpu.memory_space<vmem>>) target_semaphore(%arg14 : memref<!tpu.dma_semaphore, #tpu.memory_space<semaphore_mem>>)
      %dma_wait3A = arith.constant 0 : i32
      %dma_wait3A_51 = arith.constant 0 : i32
      %dma_wait3A_52 = tpu.memref_slice %arg2[%dma_wait3A, %dma_wait3A_51] : memref<10000x128xf32, #tpu.memory_space<hbm>> -> memref<10000x128xf32, #tpu.memory_space<hbm>>
      tpu.wait_indirect_dma semaphore(%arg13 : memref<!tpu.dma_semaphore, #tpu.memory_space<semaphore_mem>>) src(%dma_wait3A_52 : memref<10000x128xf32, #tpu.memory_space<hbm>>) dst(%arg9 : memref<80x128xf32, #tpu.memory_space<vmem>>)
      %dma_wait3A_53 = arith.constant 0 : i32
      %dma_wait3A_54 = tpu.memref_slice %arg3[%add3A_44, %dma_wait3A_53] : memref<320000x128xf32, #tpu.memory_space<hbm>> -> memref<80x128xf32, #tpu.memory_space<hbm>>
      %dma_wait3A_55 = arith.constant 0 : i32
      %dma_wait3A_56 = tpu.memref_slice %arg3[%add3A_44, %dma_wait3A_55] : memref<320000x128xf32, #tpu.memory_space<hbm>> -> memref<80x128xf32, #tpu.memory_space<hbm>>
      tpu.wait_dma2 semaphore(%arg14 : memref<!tpu.dma_semaphore, #tpu.memory_space<semaphore_mem>>) src(%dma_wait3A_56 : memref<80x128xf32, #tpu.memory_space<hbm>>) dst(%arg10 : memref<80x128xf32, #tpu.memory_space<vmem>>)
      %scan3A_57 = arith.constant 0 : i32
      %scan3A_58 = arith.constant 0 : i32
      %scan3A_59 = arith.constant 80 : i32
      %scan3A_60 = arith.addi %scan3A_58, %scan3A_59 : i32
      %scan3A_61 = arith.constant 1 : i32
      %scan3A_62 = scf.for %scan3A_65 = %scan3A_58 to %scan3A_60 step %scan3A_61 iter_args(%scan3A_66 = %scan3A_57) -> (i32)  : i32 {
        %get3A = arith.index_cast %scan3A_65 : i32 to index
        %get3A_67 = arith.constant 0 : index
        %get3A_68 = tpu.vector_load %arg9[%get3A, %get3A_67] {strides = array<i32>} : memref<80x128xf32, #tpu.memory_space<vmem>>, vector<1x16xf32>,
        %get3A_69 = vector.shape_cast %get3A_68 : vector<1x16xf32> to vector<16xf32>
        %get3A_70 = arith.index_cast %scan3A_65 : i32 to index
        %get3A_71 = arith.constant 0 : index
        %get3A_72 = tpu.vector_load %arg10[%get3A_70, %get3A_71] {strides = array<i32>} : memref<80x128xf32, #tpu.memory_space<vmem>>, vector<1x16xf32>,
        %get3A_73 = vector.shape_cast %get3A_72 : vector<1x16xf32> to vector<16xf32>
        %add3A_74 = arith.addf %get3A_69, %get3A_73 : vector<16xf32>
        %max3A = arith.constant 0.000000e+00 : f32
        %max3A_75 = vector.broadcast %max3A : f32 to vector<16xf32>
        %max3A_76 = arith.maximumf %add3A_74, %max3A_75 : vector<16xf32>
        %swap3A = arith.index_cast %scan3A_65 : i32 to index
        %swap3A_77 = arith.constant 0 : index
        %swap3A_78 = tpu.vector_load %arg9[%swap3A, %swap3A_77] {strides = array<i32>} : memref<80x128xf32, #tpu.memory_space<vmem>>, vector<1x16xf32>,
        %swap3A_79 = vector.shape_cast %swap3A_78 : vector<1x16xf32> to vector<16xf32>
        %swap3A_80 = vector.shape_cast %max3A_76 : vector<16xf32> to vector<1x16xf32>
        tpu.vector_store %arg9[%swap3A, %swap3A_77], %swap3A_80 {strides = array<i32>} : memref<80x128xf32, #tpu.memory_space<vmem>>, vector<1x16xf32>,
        %get3A_81 = arith.index_cast %scan3A_65 : i32 to index
        %get3A_82 = arith.constant 16 : index
        %get3A_83 = tpu.vector_load %arg9[%get3A_81, %get3A_82] {strides = array<i32>} : memref<80x128xf32, #tpu.memory_space<vmem>>, vector<1x16xf32>,
        %get3A_84 = vector.shape_cast %get3A_83 : vector<1x16xf32> to vector<16xf32>
        %get3A_85 = arith.index_cast %scan3A_65 : i32 to index
        %get3A_86 = arith.constant 16 : index
        %get3A_87 = tpu.vector_load %arg10[%get3A_85, %get3A_86] {strides = array<i32>} : memref<80x128xf32, #tpu.memory_space<vmem>>, vector<1x16xf32>,
        %get3A_88 = vector.shape_cast %get3A_87 : vector<1x16xf32> to vector<16xf32>
        %add3A_89 = arith.addf %get3A_84, %get3A_88 : vector<16xf32>
        %max3A_90 = arith.constant 0.000000e+00 : f32
        %max3A_91 = vector.broadcast %max3A_90 : f32 to vector<16xf32>
        %max3A_92 = arith.maximumf %add3A_89, %max3A_91 : vector<16xf32>
        %swap3A_93 = arith.index_cast %scan3A_65 : i32 to index
        %swap3A_94 = arith.constant 16 : index
        %swap3A_95 = tpu.vector_load %arg9[%swap3A_93, %swap3A_94] {strides = array<i32>} : memref<80x128xf32, #tpu.memory_space<vmem>>, vector<1x16xf32>,
        %swap3A_96 = vector.shape_cast %swap3A_95 : vector<1x16xf32> to vector<16xf32>
        %swap3A_97 = vector.shape_cast %max3A_92 : vector<16xf32> to vector<1x16xf32>
        tpu.vector_store %arg9[%swap3A_93, %swap3A_94], %swap3A_97 {strides = array<i32>} : memref<80x128xf32, #tpu.memory_space<vmem>>, vector<1x16xf32>,
        %get3A_98 = arith.index_cast %scan3A_65 : i32 to index
        %get3A_99 = arith.constant 32 : index
        %get3A_100 = tpu.vector_load %arg9[%get3A_98, %get3A_99] {strides = array<i32>} : memref<80x128xf32, #tpu.memory_space<vmem>>, vector<1x16xf32>,
        %get3A_101 = vector.shape_cast %get3A_100 : vector<1x16xf32> to vector<16xf32>
        %get3A_102 = arith.index_cast %scan3A_65 : i32 to index
        %get3A_103 = arith.constant 32 : index
        %get3A_104 = tpu.vector_load %arg10[%get3A_102, %get3A_103] {strides = array<i32>} : memref<80x128xf32, #tpu.memory_space<vmem>>, vector<1x16xf32>,
        %get3A_105 = vector.shape_cast %get3A_104 : vector<1x16xf32> to vector<16xf32>
        %add3A_106 = arith.addf %get3A_101, %get3A_105 : vector<16xf32>
        %max3A_107 = arith.constant 0.000000e+00 : f32
        %max3A_108 = vector.broadcast %max3A_107 : f32 to vector<16xf32>
        %max3A_109 = arith.maximumf %add3A_106, %max3A_108 : vector<16xf32>
        %swap3A_110 = arith.index_cast %scan3A_65 : i32 to index
        %swap3A_111 = arith.constant 32 : index
        %swap3A_112 = tpu.vector_load %arg9[%swap3A_110, %swap3A_111] {strides = array<i32>} : memref<80x128xf32, #tpu.memory_space<vmem>>, vector<1x16xf32>,
        %swap3A_113 = vector.shape_cast %swap3A_112 : vector<1x16xf32> to vector<16xf32>
        %swap3A_114 = vector.shape_cast %max3A_109 : vector<16xf32> to vector<1x16xf32>
        tpu.vector_store %arg9[%swap3A_110, %swap3A_111], %swap3A_114 {strides = array<i32>} : memref<80x128xf32, #tpu.memory_space<vmem>>, vector<1x16xf32>,
        %get3A_115 = arith.index_cast %scan3A_65 : i32 to index
        %get3A_116 = arith.constant 48 : index
        %get3A_117 = tpu.vector_load %arg9[%get3A_115, %get3A_116] {strides = array<i32>} : memref<80x128xf32, #tpu.memory_space<vmem>>, vector<1x16xf32>,
        %get3A_118 = vector.shape_cast %get3A_117 : vector<1x16xf32> to vector<16xf32>
        %get3A_119 = arith.index_cast %scan3A_65 : i32 to index
        %get3A_120 = arith.constant 48 : index
        %get3A_121 = tpu.vector_load %arg10[%get3A_119, %get3A_120] {strides = array<i32>} : memref<80x128xf32, #tpu.memory_space<vmem>>, vector<1x16xf32>,
        %get3A_122 = vector.shape_cast %get3A_121 : vector<1x16xf32> to vector<16xf32>
        %add3A_123 = arith.addf %get3A_118, %get3A_122 : vector<16xf32>
        %max3A_124 = arith.constant 0.000000e+00 : f32
        %max3A_125 = vector.broadcast %max3A_124 : f32 to vector<16xf32>
        %max3A_126 = arith.maximumf %add3A_123, %max3A_125 : vector<16xf32>
        %swap3A_127 = arith.index_cast %scan3A_65 : i32 to index
        %swap3A_128 = arith.constant 48 : index
        %swap3A_129 = tpu.vector_load %arg9[%swap3A_127, %swap3A_128] {strides = array<i32>} : memref<80x128xf32, #tpu.memory_space<vmem>>, vector<1x16xf32>,
        %swap3A_130 = vector.shape_cast %swap3A_129 : vector<1x16xf32> to vector<16xf32>
        %swap3A_131 = vector.shape_cast %max3A_126 : vector<16xf32> to vector<1x16xf32>
        tpu.vector_store %arg9[%swap3A_127, %swap3A_128], %swap3A_131 {strides = array<i32>} : memref<80x128xf32, #tpu.memory_space<vmem>>, vector<1x16xf32>,
        %get3A_132 = arith.index_cast %scan3A_65 : i32 to index
        %get3A_133 = arith.constant 64 : index
        %get3A_134 = tpu.vector_load %arg9[%get3A_132, %get3A_133] {strides = array<i32>} : memref<80x128xf32, #tpu.memory_space<vmem>>, vector<1x16xf32>,
        %get3A_135 = vector.shape_cast %get3A_134 : vector<1x16xf32> to vector<16xf32>
        %get3A_136 = arith.index_cast %scan3A_65 : i32 to index
        %get3A_137 = arith.constant 64 : index
        %get3A_138 = tpu.vector_load %arg10[%get3A_136, %get3A_137] {strides = array<i32>} : memref<80x128xf32, #tpu.memory_space<vmem>>, vector<1x16xf32>,
        %get3A_139 = vector.shape_cast %get3A_138 : vector<1x16xf32> to vector<16xf32>
        %add3A_140 = arith.addf %get3A_135, %get3A_139 : vector<16xf32>
        %max3A_141 = arith.constant 0.000000e+00 : f32
        %max3A_142 = vector.broadcast %max3A_141 : f32 to vector<16xf32>
        %max3A_143 = arith.maximumf %add3A_140, %max3A_142 : vector<16xf32>
        %swap3A_144 = arith.index_cast %scan3A_65 : i32 to index
        %swap3A_145 = arith.constant 64 : index
        %swap3A_146 = tpu.vector_load %arg9[%swap3A_144, %swap3A_145] {strides = array<i32>} : memref<80x128xf32, #tpu.memory_space<vmem>>, vector<1x16xf32>,
        %swap3A_147 = vector.shape_cast %swap3A_146 : vector<1x16xf32> to vector<16xf32>
        %swap3A_148 = vector.shape_cast %max3A_143 : vector<16xf32> to vector<1x16xf32>
        tpu.vector_store %arg9[%swap3A_144, %swap3A_145], %swap3A_148 {strides = array<i32>} : memref<80x128xf32, #tpu.memory_space<vmem>>, vector<1x16xf32>,
        %get3A_149 = arith.index_cast %scan3A_65 : i32 to index
        %get3A_150 = arith.constant 80 : index
        %get3A_151 = tpu.vector_load %arg9[%get3A_149, %get3A_150] {strides = array<i32>} : memref<80x128xf32, #tpu.memory_space<vmem>>, vector<1x16xf32>,
        %get3A_152 = vector.shape_cast %get3A_151 : vector<1x16xf32> to vector<16xf32>
        %get3A_153 = arith.index_cast %scan3A_65 : i32 to index
        %get3A_154 = arith.constant 80 : index
        %get3A_155 = tpu.vector_load %arg10[%get3A_153, %get3A_154] {strides = array<i32>} : memref<80x128xf32, #tpu.memory_space<vmem>>, vector<1x16xf32>,
        %get3A_156 = vector.shape_cast %get3A_155 : vector<1x16xf32> to vector<16xf32>
        %add3A_157 = arith.addf %get3A_152, %get3A_156 : vector<16xf32>
        %max3A_158 = arith.constant 0.000000e+00 : f32
        %max3A_159 = vector.broadcast %max3A_158 : f32 to vector<16xf32>
        %max3A_160 = arith.maximumf %add3A_157, %max3A_159 : vector<16xf32>
        %swap3A_161 = arith.index_cast %scan3A_65 : i32 to index
        %swap3A_162 = arith.constant 80 : index
        %swap3A_163 = tpu.vector_load %arg9[%swap3A_161, %swap3A_162] {strides = array<i32>} : memref<80x128xf32, #tpu.memory_space<vmem>>, vector<1x16xf32>,
        %swap3A_164 = vector.shape_cast %swap3A_163 : vector<1x16xf32> to vector<16xf32>
        %swap3A_165 = vector.shape_cast %max3A_160 : vector<16xf32> to vector<1x16xf32>
        tpu.vector_store %arg9[%swap3A_161, %swap3A_162], %swap3A_165 {strides = array<i32>} : memref<80x128xf32, #tpu.memory_space<vmem>>, vector<1x16xf32>,
        %get3A_166 = arith.index_cast %scan3A_65 : i32 to index
        %get3A_167 = arith.constant 96 : index
        %get3A_168 = tpu.vector_load %arg9[%get3A_166, %get3A_167] {strides = array<i32>} : memref<80x128xf32, #tpu.memory_space<vmem>>, vector<1x16xf32>,
        %get3A_169 = vector.shape_cast %get3A_168 : vector<1x16xf32> to vector<16xf32>
        %get3A_170 = arith.index_cast %scan3A_65 : i32 to index
        %get3A_171 = arith.constant 96 : index
        %get3A_172 = tpu.vector_load %arg10[%get3A_170, %get3A_171] {strides = array<i32>} : memref<80x128xf32, #tpu.memory_space<vmem>>, vector<1x16xf32>,
        %get3A_173 = vector.shape_cast %get3A_172 : vector<1x16xf32> to vector<16xf32>
        %add3A_174 = arith.addf %get3A_169, %get3A_173 : vector<16xf32>
        %max3A_175 = arith.constant 0.000000e+00 : f32
        %max3A_176 = vector.broadcast %max3A_175 : f32 to vector<16xf32>
        %max3A_177 = arith.maximumf %add3A_174, %max3A_176 : vector<16xf32>
        %swap3A_178 = arith.index_cast %scan3A_65 : i32 to index
        %swap3A_179 = arith.constant 96 : index
        %swap3A_180 = tpu.vector_load %arg9[%swap3A_178, %swap3A_179] {strides = array<i32>} : memref<80x128xf32, #tpu.memory_space<vmem>>, vector<1x16xf32>,
        %swap3A_181 = vector.shape_cast %swap3A_180 : vector<1x16xf32> to vector<16xf32>
        %swap3A_182 = vector.shape_cast %max3A_177 : vector<16xf32> to vector<1x16xf32>
        tpu.vector_store %arg9[%swap3A_178, %swap3A_179], %swap3A_182 {strides = array<i32>} : memref<80x128xf32, #tpu.memory_space<vmem>>, vector<1x16xf32>,
        %get3A_183 = arith.index_cast %scan3A_65 : i32 to index
        %get3A_184 = arith.constant 112 : index
        %get3A_185 = tpu.vector_load %arg9[%get3A_183, %get3A_184] {strides = array<i32>} : memref<80x128xf32, #tpu.memory_space<vmem>>, vector<1x16xf32>,
        %get3A_186 = vector.shape_cast %get3A_185 : vector<1x16xf32> to vector<16xf32>
        %get3A_187 = arith.index_cast %scan3A_65 : i32 to index
        %get3A_188 = arith.constant 112 : index
        %get3A_189 = tpu.vector_load %arg10[%get3A_187, %get3A_188] {strides = array<i32>} : memref<80x128xf32, #tpu.memory_space<vmem>>, vector<1x16xf32>,
        %get3A_190 = vector.shape_cast %get3A_189 : vector<1x16xf32> to vector<16xf32>
        %add3A_191 = arith.addf %get3A_186, %get3A_190 : vector<16xf32>
        %max3A_192 = arith.constant 0.000000e+00 : f32
        %max3A_193 = vector.broadcast %max3A_192 : f32 to vector<16xf32>
        %max3A_194 = arith.maximumf %add3A_191, %max3A_193 : vector<16xf32>
        %swap3A_195 = arith.index_cast %scan3A_65 : i32 to index
        %swap3A_196 = arith.constant 112 : index
        %swap3A_197 = tpu.vector_load %arg9[%swap3A_195, %swap3A_196] {strides = array<i32>} : memref<80x128xf32, #tpu.memory_space<vmem>>, vector<1x16xf32>,
        %swap3A_198 = vector.shape_cast %swap3A_197 : vector<1x16xf32> to vector<16xf32>
        %swap3A_199 = vector.shape_cast %max3A_194 : vector<16xf32> to vector<1x16xf32>
        tpu.vector_store %arg9[%swap3A_195, %swap3A_196], %swap3A_199 {strides = array<i32>} : memref<80x128xf32, #tpu.memory_space<vmem>>, vector<1x16xf32>,
        %scan3A_200 = arith.constant 0 : i32
        scf.yield %scan3A_200 : i32
      }
      %scan3A_63 = arith.constant 80 : i32
      "tpu.region"() ({
        %run_scoped3A = tpu.sem_alloc : memref<!tpu.dma_semaphore, #tpu.memory_space<semaphore_mem>>
        %dma_start3A_65 = arith.constant 0 : i32
        %dma_start3A_66 = arith.constant 0 : i32
        %dma_start3A_67 = tpu.memref_slice %arg12[%dma_start3A_65, %dma_start3A_66] : memref<10000x128xf32, #tpu.memory_space<vmem_shared>> -> memref<10000x128xf32, #tpu.memory_space<vmem_shared>>
        tpu.enqueue_indirect_dma source(%arg9 : memref<80x128xf32, #tpu.memory_space<vmem>>) target(%dma_start3A_67 : memref<10000x128xf32, #tpu.memory_space<vmem_shared>>) offsets(%arg8 : memref<80xi32, #tpu.memory_space<vmem>>) semaphore(%run_scoped3A : memref<!tpu.dma_semaphore, #tpu.memory_space<semaphore_mem>>) {add = true}
        %dma_wait3A_68 = arith.constant 0 : i32
        %dma_wait3A_69 = arith.constant 0 : i32
        %dma_wait3A_70 = tpu.memref_slice %arg12[%dma_wait3A_68, %dma_wait3A_69] : memref<10000x128xf32, #tpu.memory_space<vmem_shared>> -> memref<10000x128xf32, #tpu.memory_space<vmem_shared>>
        tpu.wait_indirect_dma semaphore(%run_scoped3A : memref<!tpu.dma_semaphore, #tpu.memory_space<semaphore_mem>>) src(%arg9 : memref<80x128xf32, #tpu.memory_space<vmem>>) dst(%dma_wait3A_70 : memref<10000x128xf32, #tpu.memory_space<vmem_shared>>)
        tpu.yield
      }) : () -> ()
      %scan3A_64 = arith.constant 0 : i32
      scf.yield %scan3A_64 : i32
    }
    %scan3A_34 = arith.constant 125 : i32
    %barrier3A_35 = arith.constant 0 : index
    tpu.barrier barrier_id(%barrier3A_35)
    %mul3A_36 = arith.constant 625 : i32
    %mul3A_37 = arith.muli %arg1, %mul3A_36 : i32
    "tpu.region"() ({
      %run_scoped3A = tpu.sem_alloc : memref<!tpu.dma_semaphore, #tpu.memory_space<semaphore_mem>>
      %dma_start3A = arith.constant 0 : i32
      %dma_start3A_38 = arith.constant 0 : i32
      %dma_start3A_39 = tpu.memref_slice %arg6[%arg0, %arg1, %dma_start3A, %dma_start3A_38] : memref<2x16x625x128xf32, #tpu.memory_space<hbm>> -> memref<1x1x625x128xf32, #tpu.memory_space<hbm>>
      %dma_start3A_40 = tpu.memref_squeeze %dma_start3A_39 : memref<1x1x625x128xf32, #tpu.memory_space<hbm>> -> memref<625x128xf32, #tpu.memory_space<hbm>>
      %dma_start3A_41 = arith.constant 0 : i32
      %dma_start3A_42 = tpu.memref_slice %arg12[%mul3A_37, %dma_start3A_41] : memref<10000x128xf32, #tpu.memory_space<vmem_shared>> -> memref<625x128xf32, #tpu.memory_space<vmem_shared>>
      tpu.enqueue_dma source(%dma_start3A_42 : memref<625x128xf32, #tpu.memory_space<vmem_shared>>) target(%dma_start3A_40 : memref<625x128xf32, #tpu.memory_space<hbm>>) target_semaphore(%run_scoped3A : memref<!tpu.dma_semaphore, #tpu.memory_space<semaphore_mem>>)
      %dma_wait3A = arith.constant 0 : i32
      %dma_wait3A_43 = arith.constant 0 : i32
      %dma_wait3A_44 = tpu.memref_slice %arg6[%arg0, %arg1, %dma_wait3A, %dma_wait3A_43] : memref<2x16x625x128xf32, #tpu.memory_space<hbm>> -> memref<1x1x625x128xf32, #tpu.memory_space<hbm>>
      %dma_wait3A_45 = tpu.memref_squeeze %dma_wait3A_44 : memref<1x1x625x128xf32, #tpu.memory_space<hbm>> -> memref<625x128xf32, #tpu.memory_space<hbm>>
      %dma_wait3A_46 = arith.constant 0 : i32
      %dma_wait3A_47 = tpu.memref_slice %arg12[%mul3A_37, %dma_wait3A_46] : memref<10000x128xf32, #tpu.memory_space<vmem_shared>> -> memref<625x128xf32, #tpu.memory_space<vmem_shared>>
      tpu.wait_dma2 semaphore(%run_scoped3A : memref<!tpu.dma_semaphore, #tpu.memory_space<semaphore_mem>>) src(%dma_wait3A_47 : memref<625x128xf32, #tpu.memory_space<vmem_shared>>) dst(%dma_wait3A_45 : memref<625x128xf32, #tpu.memory_space<hbm>>)
      tpu.yield
    }) : () -> ()
    return
  }
}

#map = affine_map<(d0, d1) -> (0, 0)>
#map1 = affine_map<(d0, d1) -> (0)>
#map2 = affine_map<(d0, d1) -> (0, 0, 0, 0)>
module attributes {stable_mosaic.version = 14 : i64} {
  func.func @k(%arg0: i32, %arg1: i32, %arg2: memref<10000x128xf32, #tpu.memory_space<hbm>>, %arg3: memref<320000x128xf32, #tpu.memory_space<hbm>>, %arg4: memref<320000xi32, #tpu.memory_space<hbm>>, %arg5: memref<320000xi32, #tpu.memory_space<hbm>>, %arg6: memref<2x16x625x128xf32, #tpu.memory_space<hbm>>, %arg7: memref<80xi32, #tpu.memory_space<vmem>>, %arg8: memref<80xi32, #tpu.memory_space<vmem>>, %arg9: memref<80x128xf32, #tpu.memory_space<vmem>>, %arg10: memref<80x128xf32, #tpu.memory_space<vmem>>, %arg11: memref<125x128xf32, #tpu.memory_space<vmem>>, %arg12: memref<10000x128xf32, #tpu.memory_space<vmem_shared>>, %arg13: memref<!tpu.dma_semaphore, #tpu.memory_space<semaphore_mem>>, %arg14: memref<!tpu.dma_semaphore, #tpu.memory_space<semaphore_mem>>) attributes {dimension_semantics = [#tpu.dimension_semantics<core_parallel>, #tpu.dimension_semantics<subcore_parallel>], iteration_bounds = array<i64: 2, 16>, scalar_prefetch = 0 : i64, scratch_operands = 8 : i64, tpu.core_type = #tpu.core_type<sc_vector_subcore>, window_params = [{transform_indices = #map}, {transform_indices = #map}, {transform_indices = #map1}, {transform_indices = #map1}, {transform_indices = #map2}]} {
    %mul3A = arith.constant 2 : i32
    %mul3A_0 = arith.muli %arg1, %mul3A : i32
    %add3A = arith.addi %mul3A_0, %arg0 : i32
    %broadcast_in_dim3A = arith.constant 0.000000e+00 : f32
    %broadcast_in_dim3A_1 = vector.broadcast %broadcast_in_dim3A : f32 to vector<16xf32>
    %scan3A = arith.constant 0 : i32
    %scan3A_2 = arith.constant 0 : i32
    %scan3A_3 = arith.constant 125 : i32
    %scan3A_4 = arith.addi %scan3A_2, %scan3A_3 : i32
    %scan3A_5 = arith.constant 1 : i32
    %scan3A_6 = scf.for %scan3A_38 = %scan3A_2 to %scan3A_4 step %scan3A_5 iter_args(%scan3A_39 = %scan3A) -> (i32)  : i32 {
      %swap3A = arith.index_cast %scan3A_38 : i32 to index
      %swap3A_40 = arith.constant 0 : index
      %swap3A_41 = tpu.vector_load %arg11[%swap3A, %swap3A_40] {strides = array<i32>} : memref<125x128xf32, #tpu.memory_space<vmem>>, vector<1x16xf32>,
      %swap3A_42 = vector.shape_cast %swap3A_41 : vector<1x16xf32> to vector<16xf32>
      %swap3A_43 = vector.shape_cast %broadcast_in_dim3A_1 : vector<16xf32> to vector<1x16xf32>
      tpu.vector_store %arg11[%swap3A, %swap3A_40], %swap3A_43 {strides = array<i32>} : memref<125x128xf32, #tpu.memory_space<vmem>>, vector<1x16xf32>,
      %swap3A_44 = arith.index_cast %scan3A_38 : i32 to index
      %swap3A_45 = arith.constant 16 : index
      %swap3A_46 = tpu.vector_load %arg11[%swap3A_44, %swap3A_45] {strides = array<i32>} : memref<125x128xf32, #tpu.memory_space<vmem>>, vector<1x16xf32>,
      %swap3A_47 = vector.shape_cast %swap3A_46 : vector<1x16xf32> to vector<16xf32>
      %swap3A_48 = vector.shape_cast %broadcast_in_dim3A_1 : vector<16xf32> to vector<1x16xf32>
      tpu.vector_store %arg11[%swap3A_44, %swap3A_45], %swap3A_48 {strides = array<i32>} : memref<125x128xf32, #tpu.memory_space<vmem>>, vector<1x16xf32>,
      %swap3A_49 = arith.index_cast %scan3A_38 : i32 to index
      %swap3A_50 = arith.constant 32 : index
      %swap3A_51 = tpu.vector_load %arg11[%swap3A_49, %swap3A_50] {strides = array<i32>} : memref<125x128xf32, #tpu.memory_space<vmem>>, vector<1x16xf32>,
      %swap3A_52 = vector.shape_cast %swap3A_51 : vector<1x16xf32> to vector<16xf32>
      %swap3A_53 = vector.shape_cast %broadcast_in_dim3A_1 : vector<16xf32> to vector<1x16xf32>
      tpu.vector_store %arg11[%swap3A_49, %swap3A_50], %swap3A_53 {strides = array<i32>} : memref<125x128xf32, #tpu.memory_space<vmem>>, vector<1x16xf32>,
      %swap3A_54 = arith.index_cast %scan3A_38 : i32 to index
      %swap3A_55 = arith.constant 48 : index
      %swap3A_56 = tpu.vector_load %arg11[%swap3A_54, %swap3A_55] {strides = array<i32>} : memref<125x128xf32, #tpu.memory_space<vmem>>, vector<1x16xf32>,
      %swap3A_57 = vector.shape_cast %swap3A_56 : vector<1x16xf32> to vector<16xf32>
      %swap3A_58 = vector.shape_cast %broadcast_in_dim3A_1 : vector<16xf32> to vector<1x16xf32>
      tpu.vector_store %arg11[%swap3A_54, %swap3A_55], %swap3A_58 {strides = array<i32>} : memref<125x128xf32, #tpu.memory_space<vmem>>, vector<1x16xf32>,
      %swap3A_59 = arith.index_cast %scan3A_38 : i32 to index
      %swap3A_60 = arith.constant 64 : index
      %swap3A_61 = tpu.vector_load %arg11[%swap3A_59, %swap3A_60] {strides = array<i32>} : memref<125x128xf32, #tpu.memory_space<vmem>>, vector<1x16xf32>,
      %swap3A_62 = vector.shape_cast %swap3A_61 : vector<1x16xf32> to vector<16xf32>
      %swap3A_63 = vector.shape_cast %broadcast_in_dim3A_1 : vector<16xf32> to vector<1x16xf32>
      tpu.vector_store %arg11[%swap3A_59, %swap3A_60], %swap3A_63 {strides = array<i32>} : memref<125x128xf32, #tpu.memory_space<vmem>>, vector<1x16xf32>,
      %swap3A_64 = arith.index_cast %scan3A_38 : i32 to index
      %swap3A_65 = arith.constant 80 : index
      %swap3A_66 = tpu.vector_load %arg11[%swap3A_64, %swap3A_65] {strides = array<i32>} : memref<125x128xf32, #tpu.memory_space<vmem>>, vector<1x16xf32>,
      %swap3A_67 = vector.shape_cast %swap3A_66 : vector<1x16xf32> to vector<16xf32>
      %swap3A_68 = vector.shape_cast %broadcast_in_dim3A_1 : vector<16xf32> to vector<1x16xf32>
      tpu.vector_store %arg11[%swap3A_64, %swap3A_65], %swap3A_68 {strides = array<i32>} : memref<125x128xf32, #tpu.memory_space<vmem>>, vector<1x16xf32>,
      %swap3A_69 = arith.index_cast %scan3A_38 : i32 to index
      %swap3A_70 = arith.constant 96 : index
      %swap3A_71 = tpu.vector_load %arg11[%swap3A_69, %swap3A_70] {strides = array<i32>} : memref<125x128xf32, #tpu.memory_space<vmem>>, vector<1x16xf32>,
      %swap3A_72 = vector.shape_cast %swap3A_71 : vector<1x16xf32> to vector<16xf32>
      %swap3A_73 = vector.shape_cast %broadcast_in_dim3A_1 : vector<16xf32> to vector<1x16xf32>
      tpu.vector_store %arg11[%swap3A_69, %swap3A_70], %swap3A_73 {strides = array<i32>} : memref<125x128xf32, #tpu.memory_space<vmem>>, vector<1x16xf32>,
      %swap3A_74 = arith.index_cast %scan3A_38 : i32 to index
      %swap3A_75 = arith.constant 112 : index
      %swap3A_76 = tpu.vector_load %arg11[%swap3A_74, %swap3A_75] {strides = array<i32>} : memref<125x128xf32, #tpu.memory_space<vmem>>, vector<1x16xf32>,
      %swap3A_77 = vector.shape_cast %swap3A_76 : vector<1x16xf32> to vector<16xf32>
      %swap3A_78 = vector.shape_cast %broadcast_in_dim3A_1 : vector<16xf32> to vector<1x16xf32>
      tpu.vector_store %arg11[%swap3A_74, %swap3A_75], %swap3A_78 {strides = array<i32>} : memref<125x128xf32, #tpu.memory_space<vmem>>, vector<1x16xf32>,
      %scan3A_79 = arith.constant 0 : i32
      scf.yield %scan3A_79 : i32
    }
    %scan3A_7 = arith.constant 125 : i32
    %mul3A_8 = arith.constant 625 : i32
    %mul3A_9 = arith.muli %arg1, %mul3A_8 : i32
    %add3A_10 = arith.constant 0 : i32
    %add3A_11 = arith.addi %mul3A_9, %add3A_10 : i32
    "tpu.region"() ({
      %run_scoped3A = tpu.sem_alloc : memref<!tpu.dma_semaphore, #tpu.memory_space<semaphore_mem>>
      %dma_start3A = arith.constant 0 : i32
      %dma_start3A_38 = tpu.memref_slice %arg12[%add3A_11, %dma_start3A] : memref<10000x128xf32, #tpu.memory_space<vmem_shared>> -> memref<125x128xf32, #tpu.memory_space<vmem_shared>>
      %dma_start3A_39 = arith.constant 0 : i32
      %dma_start3A_40 = tpu.memref_slice %arg12[%add3A_11, %dma_start3A_39] : memref<10000x128xf32, #tpu.memory_space<vmem_shared>> -> memref<125x128xf32, #tpu.memory_space<vmem_shared>>
      tpu.enqueue_dma source(%arg11 : memref<125x128xf32, #tpu.memory_space<vmem>>) target(%dma_start3A_40 : memref<125x128xf32, #tpu.memory_space<vmem_shared>>) target_semaphore(%run_scoped3A : memref<!tpu.dma_semaphore, #tpu.memory_space<semaphore_mem>>)
      %dma_wait3A = arith.constant 0 : i32
      %dma_wait3A_41 = tpu.memref_slice %arg12[%add3A_11, %dma_wait3A] : memref<10000x128xf32, #tpu.memory_space<vmem_shared>> -> memref<125x128xf32, #tpu.memory_space<vmem_shared>>
      %dma_wait3A_42 = arith.constant 0 : i32
      %dma_wait3A_43 = tpu.memref_slice %arg12[%add3A_11, %dma_wait3A_42] : memref<10000x128xf32, #tpu.memory_space<vmem_shared>> -> memref<125x128xf32, #tpu.memory_space<vmem_shared>>
      tpu.wait_dma2 semaphore(%run_scoped3A : memref<!tpu.dma_semaphore, #tpu.memory_space<semaphore_mem>>) src(%arg11 : memref<125x128xf32, #tpu.memory_space<vmem>>) dst(%dma_wait3A_43 : memref<125x128xf32, #tpu.memory_space<vmem_shared>>)
      tpu.yield
    }) : () -> ()
    %mul3A_12 = arith.constant 625 : i32
    %mul3A_13 = arith.muli %arg1, %mul3A_12 : i32
    %add3A_14 = arith.constant 125 : i32
    %add3A_15 = arith.addi %mul3A_13, %add3A_14 : i32
    "tpu.region"() ({
      %run_scoped3A = tpu.sem_alloc : memref<!tpu.dma_semaphore, #tpu.memory_space<semaphore_mem>>
      %dma_start3A = arith.constant 0 : i32
      %dma_start3A_38 = tpu.memref_slice %arg12[%add3A_15, %dma_start3A] : memref<10000x128xf32, #tpu.memory_space<vmem_shared>> -> memref<125x128xf32, #tpu.memory_space<vmem_shared>>
      %dma_start3A_39 = arith.constant 0 : i32
      %dma_start3A_40 = tpu.memref_slice %arg12[%add3A_15, %dma_start3A_39] : memref<10000x128xf32, #tpu.memory_space<vmem_shared>> -> memref<125x128xf32, #tpu.memory_space<vmem_shared>>
      tpu.enqueue_dma source(%arg11 : memref<125x128xf32, #tpu.memory_space<vmem>>) target(%dma_start3A_40 : memref<125x128xf32, #tpu.memory_space<vmem_shared>>) target_semaphore(%run_scoped3A : memref<!tpu.dma_semaphore, #tpu.memory_space<semaphore_mem>>)
      %dma_wait3A = arith.constant 0 : i32
      %dma_wait3A_41 = tpu.memref_slice %arg12[%add3A_15, %dma_wait3A] : memref<10000x128xf32, #tpu.memory_space<vmem_shared>> -> memref<125x128xf32, #tpu.memory_space<vmem_shared>>
      %dma_wait3A_42 = arith.constant 0 : i32
      %dma_wait3A_43 = tpu.memref_slice %arg12[%add3A_15, %dma_wait3A_42] : memref<10000x128xf32, #tpu.memory_space<vmem_shared>> -> memref<125x128xf32, #tpu.memory_space<vmem_shared>>
      tpu.wait_dma2 semaphore(%run_scoped3A : memref<!tpu.dma_semaphore, #tpu.memory_space<semaphore_mem>>) src(%arg11 : memref<125x128xf32, #tpu.memory_space<vmem>>) dst(%dma_wait3A_43 : memref<125x128xf32, #tpu.memory_space<vmem_shared>>)
      tpu.yield
    }) : () -> ()
    %mul3A_16 = arith.constant 625 : i32
    %mul3A_17 = arith.muli %arg1, %mul3A_16 : i32
    %add3A_18 = arith.constant 250 : i32
    %add3A_19 = arith.addi %mul3A_17, %add3A_18 : i32
    "tpu.region"() ({
      %run_scoped3A = tpu.sem_alloc : memref<!tpu.dma_semaphore, #tpu.memory_space<semaphore_mem>>
      %dma_start3A = arith.constant 0 : i32
      %dma_start3A_38 = tpu.memref_slice %arg12[%add3A_19, %dma_start3A] : memref<10000x128xf32, #tpu.memory_space<vmem_shared>> -> memref<125x128xf32, #tpu.memory_space<vmem_shared>>
      %dma_start3A_39 = arith.constant 0 : i32
      %dma_start3A_40 = tpu.memref_slice %arg12[%add3A_19, %dma_start3A_39] : memref<10000x128xf32, #tpu.memory_space<vmem_shared>> -> memref<125x128xf32, #tpu.memory_space<vmem_shared>>
      tpu.enqueue_dma source(%arg11 : memref<125x128xf32, #tpu.memory_space<vmem>>) target(%dma_start3A_40 : memref<125x128xf32, #tpu.memory_space<vmem_shared>>) target_semaphore(%run_scoped3A : memref<!tpu.dma_semaphore, #tpu.memory_space<semaphore_mem>>)
      %dma_wait3A = arith.constant 0 : i32
      %dma_wait3A_41 = tpu.memref_slice %arg12[%add3A_19, %dma_wait3A] : memref<10000x128xf32, #tpu.memory_space<vmem_shared>> -> memref<125x128xf32, #tpu.memory_space<vmem_shared>>
      %dma_wait3A_42 = arith.constant 0 : i32
      %dma_wait3A_43 = tpu.memref_slice %arg12[%add3A_19, %dma_wait3A_42] : memref<10000x128xf32, #tpu.memory_space<vmem_shared>> -> memref<125x128xf32, #tpu.memory_space<vmem_shared>>
      tpu.wait_dma2 semaphore(%run_scoped3A : memref<!tpu.dma_semaphore, #tpu.memory_space<semaphore_mem>>) src(%arg11 : memref<125x128xf32, #tpu.memory_space<vmem>>) dst(%dma_wait3A_43 : memref<125x128xf32, #tpu.memory_space<vmem_shared>>)
      tpu.yield
    }) : () -> ()
    %mul3A_20 = arith.constant 625 : i32
    %mul3A_21 = arith.muli %arg1, %mul3A_20 : i32
    %add3A_22 = arith.constant 375 : i32
    %add3A_23 = arith.addi %mul3A_21, %add3A_22 : i32
    "tpu.region"() ({
      %run_scoped3A = tpu.sem_alloc : memref<!tpu.dma_semaphore, #tpu.memory_space<semaphore_mem>>
      %dma_start3A = arith.constant 0 : i32
      %dma_start3A_38 = tpu.memref_slice %arg12[%add3A_23, %dma_start3A] : memref<10000x128xf32, #tpu.memory_space<vmem_shared>> -> memref<125x128xf32, #tpu.memory_space<vmem_shared>>
      %dma_start3A_39 = arith.constant 0 : i32
      %dma_start3A_40 = tpu.memref_slice %arg12[%add3A_23, %dma_start3A_39] : memref<10000x128xf32, #tpu.memory_space<vmem_shared>> -> memref<125x128xf32, #tpu.memory_space<vmem_shared>>
      tpu.enqueue_dma source(%arg11 : memref<125x128xf32, #tpu.memory_space<vmem>>) target(%dma_start3A_40 : memref<125x128xf32, #tpu.memory_space<vmem_shared>>) target_semaphore(%run_scoped3A : memref<!tpu.dma_semaphore, #tpu.memory_space<semaphore_mem>>)
      %dma_wait3A = arith.constant 0 : i32
      %dma_wait3A_41 = tpu.memref_slice %arg12[%add3A_23, %dma_wait3A] : memref<10000x128xf32, #tpu.memory_space<vmem_shared>> -> memref<125x128xf32, #tpu.memory_space<vmem_shared>>
      %dma_wait3A_42 = arith.constant 0 : i32
      %dma_wait3A_43 = tpu.memref_slice %arg12[%add3A_23, %dma_wait3A_42] : memref<10000x128xf32, #tpu.memory_space<vmem_shared>> -> memref<125x128xf32, #tpu.memory_space<vmem_shared>>
      tpu.wait_dma2 semaphore(%run_scoped3A : memref<!tpu.dma_semaphore, #tpu.memory_space<semaphore_mem>>) src(%arg11 : memref<125x128xf32, #tpu.memory_space<vmem>>) dst(%dma_wait3A_43 : memref<125x128xf32, #tpu.memory_space<vmem_shared>>)
      tpu.yield
    }) : () -> ()
    %mul3A_24 = arith.constant 625 : i32
    %mul3A_25 = arith.muli %arg1, %mul3A_24 : i32
    %add3A_26 = arith.constant 500 : i32
    %add3A_27 = arith.addi %mul3A_25, %add3A_26 : i32
    "tpu.region"() ({
      %run_scoped3A = tpu.sem_alloc : memref<!tpu.dma_semaphore, #tpu.memory_space<semaphore_mem>>
      %dma_start3A = arith.constant 0 : i32
      %dma_start3A_38 = tpu.memref_slice %arg12[%add3A_27, %dma_start3A] : memref<10000x128xf32, #tpu.memory_space<vmem_shared>> -> memref<125x128xf32, #tpu.memory_space<vmem_shared>>
      %dma_start3A_39 = arith.constant 0 : i32
      %dma_start3A_40 = tpu.memref_slice %arg12[%add3A_27, %dma_start3A_39] : memref<10000x128xf32, #tpu.memory_space<vmem_shared>> -> memref<125x128xf32, #tpu.memory_space<vmem_shared>>
      tpu.enqueue_dma source(%arg11 : memref<125x128xf32, #tpu.memory_space<vmem>>) target(%dma_start3A_40 : memref<125x128xf32, #tpu.memory_space<vmem_shared>>) target_semaphore(%run_scoped3A : memref<!tpu.dma_semaphore, #tpu.memory_space<semaphore_mem>>)
      %dma_wait3A = arith.constant 0 : i32
      %dma_wait3A_41 = tpu.memref_slice %arg12[%add3A_27, %dma_wait3A] : memref<10000x128xf32, #tpu.memory_space<vmem_shared>> -> memref<125x128xf32, #tpu.memory_space<vmem_shared>>
      %dma_wait3A_42 = arith.constant 0 : i32
      %dma_wait3A_43 = tpu.memref_slice %arg12[%add3A_27, %dma_wait3A_42] : memref<10000x128xf32, #tpu.memory_space<vmem_shared>> -> memref<125x128xf32, #tpu.memory_space<vmem_shared>>
      tpu.wait_dma2 semaphore(%run_scoped3A : memref<!tpu.dma_semaphore, #tpu.memory_space<semaphore_mem>>) src(%arg11 : memref<125x128xf32, #tpu.memory_space<vmem>>) dst(%dma_wait3A_43 : memref<125x128xf32, #tpu.memory_space<vmem_shared>>)
      tpu.yield
    }) : () -> ()
    %barrier3A = arith.constant 0 : index
    tpu.barrier barrier_id(%barrier3A)
    %scan3A_28 = arith.constant 0 : i32
    %scan3A_29 = arith.constant 0 : i32
    %scan3A_30 = arith.constant 125 : i32
    %scan3A_31 = arith.addi %scan3A_29, %scan3A_30 : i32
    %scan3A_32 = arith.constant 1 : i32
    %scan3A_33 = scf.for %scan3A_38 = %scan3A_29 to %scan3A_31 step %scan3A_32 iter_args(%scan3A_39 = %scan3A_28) -> (i32)  : i32 {
      %mul3A_40 = arith.constant 10000 : i32
      %mul3A_41 = arith.muli %add3A, %mul3A_40 : i32
      %mul3A_42 = arith.constant 80 : i32
      %mul3A_43 = arith.muli %scan3A_38, %mul3A_42 : i32
      %add3A_44 = arith.addi %mul3A_41, %mul3A_43 : i32
      "tpu.region"() ({
        %run_scoped3A = tpu.sem_alloc : memref<!tpu.dma_semaphore, #tpu.memory_space<semaphore_mem>>
        %dma_start3A_65 = tpu.memref_slice %arg4[%add3A_44] : memref<320000xi32, #tpu.memory_space<hbm>> -> memref<80xi32, #tpu.memory_space<hbm>>
        %dma_start3A_66 = tpu.memref_slice %arg4[%add3A_44] : memref<320000xi32, #tpu.memory_space<hbm>> -> memref<80xi32, #tpu.memory_space<hbm>>
        tpu.enqueue_dma source(%dma_start3A_66 : memref<80xi32, #tpu.memory_space<hbm>>) target(%arg7 : memref<80xi32, #tpu.memory_space<vmem>>) target_semaphore(%run_scoped3A : memref<!tpu.dma_semaphore, #tpu.memory_space<semaphore_mem>>)
        %dma_wait3A_67 = tpu.memref_slice %arg4[%add3A_44] : memref<320000xi32, #tpu.memory_space<hbm>> -> memref<80xi32, #tpu.memory_space<hbm>>
        %dma_wait3A_68 = tpu.memref_slice %arg4[%add3A_44] : memref<320000xi32, #tpu.memory_space<hbm>> -> memref<80xi32, #tpu.memory_space<hbm>>
        tpu.wait_dma2 semaphore(%run_scoped3A : memref<!tpu.dma_semaphore, #tpu.memory_space<semaphore_mem>>) src(%dma_wait3A_68 : memref<80xi32, #tpu.memory_space<hbm>>) dst(%arg7 : memref<80xi32, #tpu.memory_space<vmem>>)
        tpu.yield
      }) : () -> ()
      "tpu.region"() ({
        %run_scoped3A = tpu.sem_alloc : memref<!tpu.dma_semaphore, #tpu.memory_space<semaphore_mem>>
        %dma_start3A_65 = tpu.memref_slice %arg5[%add3A_44] : memref<320000xi32, #tpu.memory_space<hbm>> -> memref<80xi32, #tpu.memory_space<hbm>>
        %dma_start3A_66 = tpu.memref_slice %arg5[%add3A_44] : memref<320000xi32, #tpu.memory_space<hbm>> -> memref<80xi32, #tpu.memory_space<hbm>>
        tpu.enqueue_dma source(%dma_start3A_66 : memref<80xi32, #tpu.memory_space<hbm>>) target(%arg8 : memref<80xi32, #tpu.memory_space<vmem>>) target_semaphore(%run_scoped3A : memref<!tpu.dma_semaphore, #tpu.memory_space<semaphore_mem>>)
        %dma_wait3A_67 = tpu.memref_slice %arg5[%add3A_44] : memref<320000xi32, #tpu.memory_space<hbm>> -> memref<80xi32, #tpu.memory_space<hbm>>
        %dma_wait3A_68 = tpu.memref_slice %arg5[%add3A_44] : memref<320000xi32, #tpu.memory_space<hbm>> -> memref<80xi32, #tpu.memory_space<hbm>>
        tpu.wait_dma2 semaphore(%run_scoped3A : memref<!tpu.dma_semaphore, #tpu.memory_space<semaphore_mem>>) src(%dma_wait3A_68 : memref<80xi32, #tpu.memory_space<hbm>>) dst(%arg8 : memref<80xi32, #tpu.memory_space<vmem>>)
        tpu.yield
      }) : () -> ()
      %dma_start3A = arith.constant 0 : i32
      %dma_start3A_45 = arith.constant 0 : i32
      %dma_start3A_46 = tpu.memref_slice %arg2[%dma_start3A, %dma_start3A_45] : memref<10000x128xf32, #tpu.memory_space<hbm>> -> memref<10000x128xf32, #tpu.memory_space<hbm>>
      tpu.enqueue_indirect_dma source(%dma_start3A_46 : memref<10000x128xf32, #tpu.memory_space<hbm>>) target(%arg9 : memref<80x128xf32, #tpu.memory_space<vmem>>) offsets(%arg7 : memref<80xi32, #tpu.memory_space<vmem>>) semaphore(%arg13 : memref<!tpu.dma_semaphore, #tpu.memory_space<semaphore_mem>>)
      %dma_start3A_47 = arith.constant 0 : i32
      %dma_start3A_48 = tpu.memref_slice %arg3[%add3A_44, %dma_start3A_47] : memref<320000x128xf32, #tpu.memory_space<hbm>> -> memref<80x128xf32, #tpu.memory_space<hbm>>
      %dma_start3A_49 = arith.constant 0 : i32
      %dma_start3A_50 = tpu.memref_slice %arg3[%add3A_44, %dma_start3A_49] : memref<320000x128xf32, #tpu.memory_space<hbm>> -> memref<80x128xf32, #tpu.memory_space<hbm>>
      tpu.enqueue_dma source(%dma_start3A_50 : memref<80x128xf32, #tpu.memory_space<hbm>>) target(%arg10 : memref<80x128xf32, #tpu.memory_space<vmem>>) target_semaphore(%arg14 : memref<!tpu.dma_semaphore, #tpu.memory_space<semaphore_mem>>)
      %dma_wait3A = arith.constant 0 : i32
      %dma_wait3A_51 = arith.constant 0 : i32
      %dma_wait3A_52 = tpu.memref_slice %arg2[%dma_wait3A, %dma_wait3A_51] : memref<10000x128xf32, #tpu.memory_space<hbm>> -> memref<10000x128xf32, #tpu.memory_space<hbm>>
      tpu.wait_indirect_dma semaphore(%arg13 : memref<!tpu.dma_semaphore, #tpu.memory_space<semaphore_mem>>) src(%dma_wait3A_52 : memref<10000x128xf32, #tpu.memory_space<hbm>>) dst(%arg9 : memref<80x128xf32, #tpu.memory_space<vmem>>)
      %dma_wait3A_53 = arith.constant 0 : i32
      %dma_wait3A_54 = tpu.memref_slice %arg3[%add3A_44, %dma_wait3A_53] : memref<320000x128xf32, #tpu.memory_space<hbm>> -> memref<80x128xf32, #tpu.memory_space<hbm>>
      %dma_wait3A_55 = arith.constant 0 : i32
      %dma_wait3A_56 = tpu.memref_slice %arg3[%add3A_44, %dma_wait3A_55] : memref<320000x128xf32, #tpu.memory_space<hbm>> -> memref<80x128xf32, #tpu.memory_space<hbm>>
      tpu.wait_dma2 semaphore(%arg14 : memref<!tpu.dma_semaphore, #tpu.memory_space<semaphore_mem>>) src(%dma_wait3A_56 : memref<80x128xf32, #tpu.memory_space<hbm>>) dst(%arg10 : memref<80x128xf32, #tpu.memory_space<vmem>>)
      %scan3A_57 = arith.constant 0 : i32
      %scan3A_58 = arith.constant 0 : i32
      %scan3A_59 = arith.constant 80 : i32
      %scan3A_60 = arith.addi %scan3A_58, %scan3A_59 : i32
      %scan3A_61 = arith.constant 1 : i32
      %scan3A_62 = scf.for %scan3A_65 = %scan3A_58 to %scan3A_60 step %scan3A_61 iter_args(%scan3A_66 = %scan3A_57) -> (i32)  : i32 {
        %get3A = arith.index_cast %scan3A_65 : i32 to index
        %get3A_67 = arith.constant 0 : index
        %get3A_68 = tpu.vector_load %arg9[%get3A, %get3A_67] {strides = array<i32>} : memref<80x128xf32, #tpu.memory_space<vmem>>, vector<1x16xf32>,
        %get3A_69 = vector.shape_cast %get3A_68 : vector<1x16xf32> to vector<16xf32>
        %get3A_70 = arith.index_cast %scan3A_65 : i32 to index
        %get3A_71 = arith.constant 0 : index
        %get3A_72 = tpu.vector_load %arg10[%get3A_70, %get3A_71] {strides = array<i32>} : memref<80x128xf32, #tpu.memory_space<vmem>>, vector<1x16xf32>,
        %get3A_73 = vector.shape_cast %get3A_72 : vector<1x16xf32> to vector<16xf32>
        %add3A_74 = arith.addf %get3A_69, %get3A_73 : vector<16xf32>
        %max3A = arith.constant 0.000000e+00 : f32
        %max3A_75 = vector.broadcast %max3A : f32 to vector<16xf32>
        %max3A_76 = arith.maximumf %add3A_74, %max3A_75 : vector<16xf32>
        %swap3A = arith.index_cast %scan3A_65 : i32 to index
        %swap3A_77 = arith.constant 0 : index
        %swap3A_78 = tpu.vector_load %arg9[%swap3A, %swap3A_77] {strides = array<i32>} : memref<80x128xf32, #tpu.memory_space<vmem>>, vector<1x16xf32>,
        %swap3A_79 = vector.shape_cast %swap3A_78 : vector<1x16xf32> to vector<16xf32>
        %swap3A_80 = vector.shape_cast %max3A_76 : vector<16xf32> to vector<1x16xf32>
        tpu.vector_store %arg9[%swap3A, %swap3A_77], %swap3A_80 {strides = array<i32>} : memref<80x128xf32, #tpu.memory_space<vmem>>, vector<1x16xf32>,
        %get3A_81 = arith.index_cast %scan3A_65 : i32 to index
        %get3A_82 = arith.constant 16 : index
        %get3A_83 = tpu.vector_load %arg9[%get3A_81, %get3A_82] {strides = array<i32>} : memref<80x128xf32, #tpu.memory_space<vmem>>, vector<1x16xf32>,
        %get3A_84 = vector.shape_cast %get3A_83 : vector<1x16xf32> to vector<16xf32>
        %get3A_85 = arith.index_cast %scan3A_65 : i32 to index
        %get3A_86 = arith.constant 16 : index
        %get3A_87 = tpu.vector_load %arg10[%get3A_85, %get3A_86] {strides = array<i32>} : memref<80x128xf32, #tpu.memory_space<vmem>>, vector<1x16xf32>,
        %get3A_88 = vector.shape_cast %get3A_87 : vector<1x16xf32> to vector<16xf32>
        %add3A_89 = arith.addf %get3A_84, %get3A_88 : vector<16xf32>
        %max3A_90 = arith.constant 0.000000e+00 : f32
        %max3A_91 = vector.broadcast %max3A_90 : f32 to vector<16xf32>
        %max3A_92 = arith.maximumf %add3A_89, %max3A_91 : vector<16xf32>
        %swap3A_93 = arith.index_cast %scan3A_65 : i32 to index
        %swap3A_94 = arith.constant 16 : index
        %swap3A_95 = tpu.vector_load %arg9[%swap3A_93, %swap3A_94] {strides = array<i32>} : memref<80x128xf32, #tpu.memory_space<vmem>>, vector<1x16xf32>,
        %swap3A_96 = vector.shape_cast %swap3A_95 : vector<1x16xf32> to vector<16xf32>
        %swap3A_97 = vector.shape_cast %max3A_92 : vector<16xf32> to vector<1x16xf32>
        tpu.vector_store %arg9[%swap3A_93, %swap3A_94], %swap3A_97 {strides = array<i32>} : memref<80x128xf32, #tpu.memory_space<vmem>>, vector<1x16xf32>,
        %get3A_98 = arith.index_cast %scan3A_65 : i32 to index
        %get3A_99 = arith.constant 32 : index
        %get3A_100 = tpu.vector_load %arg9[%get3A_98, %get3A_99] {strides = array<i32>} : memref<80x128xf32, #tpu.memory_space<vmem>>, vector<1x16xf32>,
        %get3A_101 = vector.shape_cast %get3A_100 : vector<1x16xf32> to vector<16xf32>
        %get3A_102 = arith.index_cast %scan3A_65 : i32 to index
        %get3A_103 = arith.constant 32 : index
        %get3A_104 = tpu.vector_load %arg10[%get3A_102, %get3A_103] {strides = array<i32>} : memref<80x128xf32, #tpu.memory_space<vmem>>, vector<1x16xf32>,
        %get3A_105 = vector.shape_cast %get3A_104 : vector<1x16xf32> to vector<16xf32>
        %add3A_106 = arith.addf %get3A_101, %get3A_105 : vector<16xf32>
        %max3A_107 = arith.constant 0.000000e+00 : f32
        %max3A_108 = vector.broadcast %max3A_107 : f32 to vector<16xf32>
        %max3A_109 = arith.maximumf %add3A_106, %max3A_108 : vector<16xf32>
        %swap3A_110 = arith.index_cast %scan3A_65 : i32 to index
        %swap3A_111 = arith.constant 32 : index
        %swap3A_112 = tpu.vector_load %arg9[%swap3A_110, %swap3A_111] {strides = array<i32>} : memref<80x128xf32, #tpu.memory_space<vmem>>, vector<1x16xf32>,
        %swap3A_113 = vector.shape_cast %swap3A_112 : vector<1x16xf32> to vector<16xf32>
        %swap3A_114 = vector.shape_cast %max3A_109 : vector<16xf32> to vector<1x16xf32>
        tpu.vector_store %arg9[%swap3A_110, %swap3A_111], %swap3A_114 {strides = array<i32>} : memref<80x128xf32, #tpu.memory_space<vmem>>, vector<1x16xf32>,
        %get3A_115 = arith.index_cast %scan3A_65 : i32 to index
        %get3A_116 = arith.constant 48 : index
        %get3A_117 = tpu.vector_load %arg9[%get3A_115, %get3A_116] {strides = array<i32>} : memref<80x128xf32, #tpu.memory_space<vmem>>, vector<1x16xf32>,
        %get3A_118 = vector.shape_cast %get3A_117 : vector<1x16xf32> to vector<16xf32>
        %get3A_119 = arith.index_cast %scan3A_65 : i32 to index
        %get3A_120 = arith.constant 48 : index
        %get3A_121 = tpu.vector_load %arg10[%get3A_119, %get3A_120] {strides = array<i32>} : memref<80x128xf32, #tpu.memory_space<vmem>>, vector<1x16xf32>,
        %get3A_122 = vector.shape_cast %get3A_121 : vector<1x16xf32> to vector<16xf32>
        %add3A_123 = arith.addf %get3A_118, %get3A_122 : vector<16xf32>
        %max3A_124 = arith.constant 0.000000e+00 : f32
        %max3A_125 = vector.broadcast %max3A_124 : f32 to vector<16xf32>
        %max3A_126 = arith.maximumf %add3A_123, %max3A_125 : vector<16xf32>
        %swap3A_127 = arith.index_cast %scan3A_65 : i32 to index
        %swap3A_128 = arith.constant 48 : index
        %swap3A_129 = tpu.vector_load %arg9[%swap3A_127, %swap3A_128] {strides = array<i32>} : memref<80x128xf32, #tpu.memory_space<vmem>>, vector<1x16xf32>,
        %swap3A_130 = vector.shape_cast %swap3A_129 : vector<1x16xf32> to vector<16xf32>
        %swap3A_131 = vector.shape_cast %max3A_126 : vector<16xf32> to vector<1x16xf32>
        tpu.vector_store %arg9[%swap3A_127, %swap3A_128], %swap3A_131 {strides = array<i32>} : memref<80x128xf32, #tpu.memory_space<vmem>>, vector<1x16xf32>,
        %get3A_132 = arith.index_cast %scan3A_65 : i32 to index
        %get3A_133 = arith.constant 64 : index
        %get3A_134 = tpu.vector_load %arg9[%get3A_132, %get3A_133] {strides = array<i32>} : memref<80x128xf32, #tpu.memory_space<vmem>>, vector<1x16xf32>,
        %get3A_135 = vector.shape_cast %get3A_134 : vector<1x16xf32> to vector<16xf32>
        %get3A_136 = arith.index_cast %scan3A_65 : i32 to index
        %get3A_137 = arith.constant 64 : index
        %get3A_138 = tpu.vector_load %arg10[%get3A_136, %get3A_137] {strides = array<i32>} : memref<80x128xf32, #tpu.memory_space<vmem>>, vector<1x16xf32>,
        %get3A_139 = vector.shape_cast %get3A_138 : vector<1x16xf32> to vector<16xf32>
        %add3A_140 = arith.addf %get3A_135, %get3A_139 : vector<16xf32>
        %max3A_141 = arith.constant 0.000000e+00 : f32
        %max3A_142 = vector.broadcast %max3A_141 : f32 to vector<16xf32>
        %max3A_143 = arith.maximumf %add3A_140, %max3A_142 : vector<16xf32>
        %swap3A_144 = arith.index_cast %scan3A_65 : i32 to index
        %swap3A_145 = arith.constant 64 : index
        %swap3A_146 = tpu.vector_load %arg9[%swap3A_144, %swap3A_145] {strides = array<i32>} : memref<80x128xf32, #tpu.memory_space<vmem>>, vector<1x16xf32>,
        %swap3A_147 = vector.shape_cast %swap3A_146 : vector<1x16xf32> to vector<16xf32>
        %swap3A_148 = vector.shape_cast %max3A_143 : vector<16xf32> to vector<1x16xf32>
        tpu.vector_store %arg9[%swap3A_144, %swap3A_145], %swap3A_148 {strides = array<i32>} : memref<80x128xf32, #tpu.memory_space<vmem>>, vector<1x16xf32>,
        %get3A_149 = arith.index_cast %scan3A_65 : i32 to index
        %get3A_150 = arith.constant 80 : index
        %get3A_151 = tpu.vector_load %arg9[%get3A_149, %get3A_150] {strides = array<i32>} : memref<80x128xf32, #tpu.memory_space<vmem>>, vector<1x16xf32>,
        %get3A_152 = vector.shape_cast %get3A_151 : vector<1x16xf32> to vector<16xf32>
        %get3A_153 = arith.index_cast %scan3A_65 : i32 to index
        %get3A_154 = arith.constant 80 : index
        %get3A_155 = tpu.vector_load %arg10[%get3A_153, %get3A_154] {strides = array<i32>} : memref<80x128xf32, #tpu.memory_space<vmem>>, vector<1x16xf32>,
        %get3A_156 = vector.shape_cast %get3A_155 : vector<1x16xf32> to vector<16xf32>
        %add3A_157 = arith.addf %get3A_152, %get3A_156 : vector<16xf32>
        %max3A_158 = arith.constant 0.000000e+00 : f32
        %max3A_159 = vector.broadcast %max3A_158 : f32 to vector<16xf32>
        %max3A_160 = arith.maximumf %add3A_157, %max3A_159 : vector<16xf32>
        %swap3A_161 = arith.index_cast %scan3A_65 : i32 to index
        %swap3A_162 = arith.constant 80 : index
        %swap3A_163 = tpu.vector_load %arg9[%swap3A_161, %swap3A_162] {strides = array<i32>} : memref<80x128xf32, #tpu.memory_space<vmem>>, vector<1x16xf32>,
        %swap3A_164 = vector.shape_cast %swap3A_163 : vector<1x16xf32> to vector<16xf32>
        %swap3A_165 = vector.shape_cast %max3A_160 : vector<16xf32> to vector<1x16xf32>
        tpu.vector_store %arg9[%swap3A_161, %swap3A_162], %swap3A_165 {strides = array<i32>} : memref<80x128xf32, #tpu.memory_space<vmem>>, vector<1x16xf32>,
        %get3A_166 = arith.index_cast %scan3A_65 : i32 to index
        %get3A_167 = arith.constant 96 : index
        %get3A_168 = tpu.vector_load %arg9[%get3A_166, %get3A_167] {strides = array<i32>} : memref<80x128xf32, #tpu.memory_space<vmem>>, vector<1x16xf32>,
        %get3A_169 = vector.shape_cast %get3A_168 : vector<1x16xf32> to vector<16xf32>
        %get3A_170 = arith.index_cast %scan3A_65 : i32 to index
        %get3A_171 = arith.constant 96 : index
        %get3A_172 = tpu.vector_load %arg10[%get3A_170, %get3A_171] {strides = array<i32>} : memref<80x128xf32, #tpu.memory_space<vmem>>, vector<1x16xf32>,
        %get3A_173 = vector.shape_cast %get3A_172 : vector<1x16xf32> to vector<16xf32>
        %add3A_174 = arith.addf %get3A_169, %get3A_173 : vector<16xf32>
        %max3A_175 = arith.constant 0.000000e+00 : f32
        %max3A_176 = vector.broadcast %max3A_175 : f32 to vector<16xf32>
        %max3A_177 = arith.maximumf %add3A_174, %max3A_176 : vector<16xf32>
        %swap3A_178 = arith.index_cast %scan3A_65 : i32 to index
        %swap3A_179 = arith.constant 96 : index
        %swap3A_180 = tpu.vector_load %arg9[%swap3A_178, %swap3A_179] {strides = array<i32>} : memref<80x128xf32, #tpu.memory_space<vmem>>, vector<1x16xf32>,
        %swap3A_181 = vector.shape_cast %swap3A_180 : vector<1x16xf32> to vector<16xf32>
        %swap3A_182 = vector.shape_cast %max3A_177 : vector<16xf32> to vector<1x16xf32>
        tpu.vector_store %arg9[%swap3A_178, %swap3A_179], %swap3A_182 {strides = array<i32>} : memref<80x128xf32, #tpu.memory_space<vmem>>, vector<1x16xf32>,
        %get3A_183 = arith.index_cast %scan3A_65 : i32 to index
        %get3A_184 = arith.constant 112 : index
        %get3A_185 = tpu.vector_load %arg9[%get3A_183, %get3A_184] {strides = array<i32>} : memref<80x128xf32, #tpu.memory_space<vmem>>, vector<1x16xf32>,
        %get3A_186 = vector.shape_cast %get3A_185 : vector<1x16xf32> to vector<16xf32>
        %get3A_187 = arith.index_cast %scan3A_65 : i32 to index
        %get3A_188 = arith.constant 112 : index
        %get3A_189 = tpu.vector_load %arg10[%get3A_187, %get3A_188] {strides = array<i32>} : memref<80x128xf32, #tpu.memory_space<vmem>>, vector<1x16xf32>,
        %get3A_190 = vector.shape_cast %get3A_189 : vector<1x16xf32> to vector<16xf32>
        %add3A_191 = arith.addf %get3A_186, %get3A_190 : vector<16xf32>
        %max3A_192 = arith.constant 0.000000e+00 : f32
        %max3A_193 = vector.broadcast %max3A_192 : f32 to vector<16xf32>
        %max3A_194 = arith.maximumf %add3A_191, %max3A_193 : vector<16xf32>
        %swap3A_195 = arith.index_cast %scan3A_65 : i32 to index
        %swap3A_196 = arith.constant 112 : index
        %swap3A_197 = tpu.vector_load %arg9[%swap3A_195, %swap3A_196] {strides = array<i32>} : memref<80x128xf32, #tpu.memory_space<vmem>>, vector<1x16xf32>,
        %swap3A_198 = vector.shape_cast %swap3A_197 : vector<1x16xf32> to vector<16xf32>
        %swap3A_199 = vector.shape_cast %max3A_194 : vector<16xf32> to vector<1x16xf32>
        tpu.vector_store %arg9[%swap3A_195, %swap3A_196], %swap3A_199 {strides = array<i32>} : memref<80x128xf32, #tpu.memory_space<vmem>>, vector<1x16xf32>,
        %scan3A_200 = arith.constant 0 : i32
        scf.yield %scan3A_200 : i32
      }
      %scan3A_63 = arith.constant 80 : i32
      "tpu.region"() ({
        %run_scoped3A = tpu.sem_alloc : memref<!tpu.dma_semaphore, #tpu.memory_space<semaphore_mem>>
        %dma_start3A_65 = arith.constant 0 : i32
        %dma_start3A_66 = arith.constant 0 : i32
        %dma_start3A_67 = tpu.memref_slice %arg12[%dma_start3A_65, %dma_start3A_66] : memref<10000x128xf32, #tpu.memory_space<vmem_shared>> -> memref<10000x128xf32, #tpu.memory_space<vmem_shared>>
        tpu.enqueue_indirect_dma source(%arg9 : memref<80x128xf32, #tpu.memory_space<vmem>>) target(%dma_start3A_67 : memref<10000x128xf32, #tpu.memory_space<vmem_shared>>) offsets(%arg8 : memref<80xi32, #tpu.memory_space<vmem>>) semaphore(%run_scoped3A : memref<!tpu.dma_semaphore, #tpu.memory_space<semaphore_mem>>) {add = true}
        %dma_wait3A_68 = arith.constant 0 : i32
        %dma_wait3A_69 = arith.constant 0 : i32
        %dma_wait3A_70 = tpu.memref_slice %arg12[%dma_wait3A_68, %dma_wait3A_69] : memref<10000x128xf32, #tpu.memory_space<vmem_shared>> -> memref<10000x128xf32, #tpu.memory_space<vmem_shared>>
        tpu.wait_indirect_dma semaphore(%run_scoped3A : memref<!tpu.dma_semaphore, #tpu.memory_space<semaphore_mem>>) src(%arg9 : memref<80x128xf32, #tpu.memory_space<vmem>>) dst(%dma_wait3A_70 : memref<10000x128xf32, #tpu.memory_space<vmem_shared>>)
        tpu.yield
      }) : () -> ()
      %scan3A_64 = arith.constant 0 : i32
      scf.yield %scan3A_64 : i32
    }
    %scan3A_34 = arith.constant 125 : i32
    %barrier3A_35 = arith.constant 0 : index
    tpu.barrier barrier_id(%barrier3A_35)
    %mul3A_36 = arith.constant 625 : i32
    %mul3A_37 = arith.muli %arg1, %mul3A_36 : i32
    "tpu.region"() ({
      %run_scoped3A = tpu.sem_alloc : memref<!tpu.dma_semaphore, #tpu.memory_space<semaphore_mem>>
      %dma_start3A = arith.constant 0 : i32
      %dma_start3A_38 = arith.constant 0 : i32
      %dma_start3A_39 = tpu.memref_slice %arg6[%arg0, %arg1, %dma_start3A, %dma_start3A_38] : memref<2x16x625x128xf32, #tpu.memory_space<hbm>> -> memref<1x1x625x128xf32, #tpu.memory_space<hbm>>
      %dma_start3A_40 = tpu.memref_squeeze %dma_start3A_39 : memref<1x1x625x128xf32, #tpu.memory_space<hbm>> -> memref<625x128xf32, #tpu.memory_space<hbm>>
      %dma_start3A_41 = arith.constant 0 : i32
      %dma_start3A_42 = tpu.memref_slice %arg12[%mul3A_37, %dma_start3A_41] : memref<10000x128xf32, #tpu.memory_space<vmem_shared>> -> memref<625x128xf32, #tpu.memory_space<vmem_shared>>
      tpu.enqueue_dma source(%dma_start3A_42 : memref<625x128xf32, #tpu.memory_space<vmem_shared>>) target(%dma_start3A_40 : memref<625x128xf32, #tpu.memory_space<hbm>>) target_semaphore(%run_scoped3A : memref<!tpu.dma_semaphore, #tpu.memory_space<semaphore_mem>>)
      %dma_wait3A = arith.constant 0 : i32
      %dma_wait3A_43 = arith.constant 0 : i32
      %dma_wait3A_44 = tpu.memref_slice %arg6[%arg0, %arg1, %dma_wait3A, %dma_wait3A_43] : memref<2x16x625x128xf32, #tpu.memory_space<hbm>> -> memref<1x1x625x128xf32, #tpu.memory_space<hbm>>
      %dma_wait3A_45 = tpu.memref_squeeze %dma_wait3A_44 : memref<1x1x625x128xf32, #tpu.memory_space<hbm>> -> memref<625x128xf32, #tpu.memory_space<hbm>>
      %dma_wait3A_46 = arith.constant 0 : i32
      %dma_wait3A_47 = tpu.memref_slice %arg12[%mul3A_37, %dma_wait3A_46] : memref<10000x128xf32, #tpu.memory_space<vmem_shared>> -> memref<625x128xf32, #tpu.memory_space<vmem_shared>>
      tpu.wait_dma2 semaphore(%run_scoped3A : memref<!tpu.dma_semaphore, #tpu.memory_space<semaphore_mem>>) src(%dma_wait3A_47 : memref<625x128xf32, #tpu.memory_space<vmem_shared>>) dst(%dma_wait3A_45 : memref<625x128xf32, #tpu.memory_space<hbm>>)
      tpu.yield
    }) : () -> ()
    return
  }
}

module attributes {stable_mosaic.version = 14 : i64} {
  func.func @_enc_body(%arg0: i32, %arg1: memref<1000x128xf32, #tpu.memory_space<vmem>>, %arg2: memref<128x128xf32, #tpu.memory_space<vmem>>, %arg3: memref<1x128xf32, #tpu.memory_space<vmem>>, %arg4: memref<128x128xf32, #tpu.memory_space<vmem>>, %arg5: memref<1000x128xf32, #tpu.memory_space<vmem>>, %arg6: memref<1000x128xf32, #tpu.memory_space<vmem>>) attributes {dimension_semantics = [#tpu.dimension_semantics<arbitrary>], iteration_bounds = array<i64: 10>, scalar_prefetch = 0 : i64, scratch_operands = 0 : i64, tpu.core_type = #tpu.core_type<tc>, window_params = [{transform_indices = @transform_0, window_bounds = array<i64: 1000, 128>}, {pipeline_mode = #tpu.pipeline_mode<synchronous>, transform_indices = @transform_1, window_bounds = array<i64: 128, 128>}, {pipeline_mode = #tpu.pipeline_mode<synchronous>, transform_indices = @transform_2, window_bounds = array<i64: 1, 128>}, {pipeline_mode = #tpu.pipeline_mode<synchronous>, transform_indices = @transform_3, window_bounds = array<i64: 128, 128>}, {transform_indices = @transform_4, window_bounds = array<i64: 1000, 128>}, {transform_indices = @transform_5, window_bounds = array<i64: 1000, 128>}]} {
    %get3A = arith.constant 0 : index
    %get3A_0 = arith.constant 0 : index
    %get3A_1 = vector.load %arg1[%get3A, %get3A_0] : memref<1000x128xf32, #tpu.memory_space<vmem>>, vector<1000x128xf32>
    %get3A_2 = arith.constant 0 : index
    %get3A_3 = arith.constant 0 : index
    %get3A_4 = vector.load %arg2[%get3A_2, %get3A_3] : memref<128x128xf32, #tpu.memory_space<vmem>>, vector<128x128xf32>
    %dot_general3A = arith.constant dense<0.000000e+00> : vector<1000x128xf32>
    %dot_general3A_5 = tpu.matmul %get3A_1, %get3A_4, %dot_general3A {dimension_numbers = #tpu.dot_dimension_numbers<[1], [0], [0], [1], [0, 0, 1, 1], [], []>, transpose_lhs_hint = false} : vector<1000x128xf32>, vector<128x128xf32>, vector<1000x128xf32> -> vector<1000x128xf32>
    %get3A_6 = arith.constant 0 : index
    %get3A_7 = arith.constant 0 : index
    %get3A_8 = vector.load %arg3[%get3A_6, %get3A_7] : memref<1x128xf32, #tpu.memory_space<vmem>>, vector<1x128xf32>
    %add3A = vector.broadcast %get3A_8 : vector<1x128xf32> to vector<1000x128xf32>
    %add3A_9 = arith.addf %dot_general3A_5, %add3A : vector<1000x128xf32>
    %max3A = arith.constant 0.000000e+00 : f32
    %max3A_10 = vector.broadcast %max3A : f32 to vector<1000x128xf32>
    %max3A_11 = arith.maximumf %add3A_9, %max3A_10 : vector<1000x128xf32>
    %swap3A = arith.constant 0 : index
    %swap3A_12 = arith.constant 0 : index
    %swap3A_13 = vector.load %arg5[%swap3A, %swap3A_12] : memref<1000x128xf32, #tpu.memory_space<vmem>>, vector<1000x128xf32>
    tpu.vector_store %arg5[%swap3A, %swap3A_12], %max3A_11 {strides = array<i32>} : memref<1000x128xf32, #tpu.memory_space<vmem>>, vector<1000x128xf32>,
    %get3A_14 = arith.constant 0 : index
    %get3A_15 = arith.constant 0 : index
    %get3A_16 = vector.load %arg4[%get3A_14, %get3A_15] : memref<128x128xf32, #tpu.memory_space<vmem>>, vector<128x128xf32>
    %dot_general3A_17 = arith.constant dense<0.000000e+00> : vector<1000x128xf32>
    %dot_general3A_18 = tpu.matmul %max3A_11, %get3A_16, %dot_general3A_17 {dimension_numbers = #tpu.dot_dimension_numbers<[1], [0], [0], [1], [0, 0, 1, 1], [], []>, transpose_lhs_hint = false} : vector<1000x128xf32>, vector<128x128xf32>, vector<1000x128xf32> -> vector<1000x128xf32>
    %swap3A_19 = arith.constant 0 : index
    %swap3A_20 = arith.constant 0 : index
    %swap3A_21 = vector.load %arg6[%swap3A_19, %swap3A_20] : memref<1000x128xf32, #tpu.memory_space<vmem>>, vector<1000x128xf32>
    tpu.vector_store %arg6[%swap3A_19, %swap3A_20], %dot_general3A_18 {strides = array<i32>} : memref<1000x128xf32, #tpu.memory_space<vmem>>, vector<1000x128xf32>,
    return
  }
  func.func @transform_0(%arg0: i32) -> (i32, i32) {
    %c0_i32 = arith.constant 0 : i32
    %c0_i32_0 = arith.constant 0 : i32
    return %arg0, %c0_i32 : i32, i32
  }
  func.func @transform_1(%arg0: i32) -> (i32, i32) {
    %c0_i32 = arith.constant 0 : i32
    %c0_i32_0 = arith.constant 0 : i32
    %c0_i32_1 = arith.constant 0 : i32
    return %c0_i32, %c0_i32_0 : i32, i32
  }
  func.func @transform_2(%arg0: i32) -> (i32, i32) {
    %c0_i32 = arith.constant 0 : i32
    %c0_i32_0 = arith.constant 0 : i32
    %c0_i32_1 = arith.constant 0 : i32
    return %c0_i32, %c0_i32_0 : i32, i32
  }
  func.func @transform_3(%arg0: i32) -> (i32, i32) {
    %c0_i32 = arith.constant 0 : i32
    %c0_i32_0 = arith.constant 0 : i32
    %c0_i32_1 = arith.constant 0 : i32
    return %c0_i32, %c0_i32_0 : i32, i32
  }
  func.func @transform_4(%arg0: i32) -> (i32, i32) {
    %c0_i32 = arith.constant 0 : i32
    %c0_i32_0 = arith.constant 0 : i32
    return %arg0, %c0_i32 : i32, i32
  }
  func.func @transform_5(%arg0: i32) -> (i32, i32) {
    %c0_i32 = arith.constant 0 : i32
    %c0_i32_0 = arith.constant 0 : i32
    return %arg0, %c0_i32 : i32, i32
  }
}

module attributes {stable_mosaic.version = 14 : i64} {
  func.func @_ew_body(%arg0: i32, %arg1: memref<4000x16xf32, #tpu.memory_space<vmem>>, %arg2: memref<16x128xf32, #tpu.memory_space<vmem>>, %arg3: memref<1x128xf32, #tpu.memory_space<vmem>>, %arg4: memref<128x384xf32, #tpu.memory_space<vmem>>, %arg5: memref<1x384xf32, #tpu.memory_space<vmem>>, %arg6: memref<4000x128xf32, #tpu.memory_space<vmem>>, %arg7: memref<4000x128xf32, #tpu.memory_space<vmem>>, %arg8: memref<4000x128xf32, #tpu.memory_space<vmem>>) attributes {dimension_semantics = [#tpu.dimension_semantics<arbitrary>], iteration_bounds = array<i64: 80>, scalar_prefetch = 0 : i64, scratch_operands = 0 : i64, tpu.core_type = #tpu.core_type<tc>, window_params = [{transform_indices = @transform_0, window_bounds = array<i64: 4000, 16>}, {pipeline_mode = #tpu.pipeline_mode<synchronous>, transform_indices = @transform_1, window_bounds = array<i64: 16, 128>}, {pipeline_mode = #tpu.pipeline_mode<synchronous>, transform_indices = @transform_2, window_bounds = array<i64: 1, 128>}, {pipeline_mode = #tpu.pipeline_mode<synchronous>, transform_indices = @transform_3, window_bounds = array<i64: 128, 384>}, {pipeline_mode = #tpu.pipeline_mode<synchronous>, transform_indices = @transform_4, window_bounds = array<i64: 1, 384>}, {transform_indices = @transform_5, window_bounds = array<i64: 4000, 128>}, {transform_indices = @transform_6, window_bounds = array<i64: 4000, 128>}, {transform_indices = @transform_7, window_bounds = array<i64: 4000, 128>}]} {
    %get3A = arith.constant 0 : index
    %get3A_0 = arith.constant 0 : index
    %get3A_1 = vector.load %arg1[%get3A, %get3A_0] : memref<4000x16xf32, #tpu.memory_space<vmem>>, vector<4000x16xf32>
    %get3A_2 = arith.constant 0 : index
    %get3A_3 = arith.constant 0 : index
    %get3A_4 = vector.load %arg2[%get3A_2, %get3A_3] : memref<16x128xf32, #tpu.memory_space<vmem>>, vector<16x128xf32>
    %dot_general3A = arith.constant dense<0.000000e+00> : vector<4000x128xf32>
    %dot_general3A_5 = tpu.matmul %get3A_1, %get3A_4, %dot_general3A {dimension_numbers = #tpu.dot_dimension_numbers<[1], [0], [0], [1], [0, 0, 1, 1], [], []>, transpose_lhs_hint = false} : vector<4000x16xf32>, vector<16x128xf32>, vector<4000x128xf32> -> vector<4000x128xf32>
    %get3A_6 = arith.constant 0 : index
    %get3A_7 = arith.constant 0 : index
    %get3A_8 = vector.load %arg3[%get3A_6, %get3A_7] : memref<1x128xf32, #tpu.memory_space<vmem>>, vector<1x128xf32>
    %add3A = vector.broadcast %get3A_8 : vector<1x128xf32> to vector<4000x128xf32>
    %add3A_9 = arith.addf %dot_general3A_5, %add3A : vector<4000x128xf32>
    %max3A = arith.constant 0.000000e+00 : f32
    %max3A_10 = vector.broadcast %max3A : f32 to vector<4000x128xf32>
    %max3A_11 = arith.maximumf %add3A_9, %max3A_10 : vector<4000x128xf32>
    %get3A_12 = arith.constant 0 : index
    %get3A_13 = arith.constant 0 : index
    %get3A_14 = vector.load %arg4[%get3A_12, %get3A_13] : memref<128x384xf32, #tpu.memory_space<vmem>>, vector<128x384xf32>
    %dot_general3A_15 = arith.constant dense<0.000000e+00> : vector<4000x384xf32>
    %dot_general3A_16 = tpu.matmul %max3A_11, %get3A_14, %dot_general3A_15 {dimension_numbers = #tpu.dot_dimension_numbers<[1], [0], [0], [1], [0, 0, 1, 1], [], []>, transpose_lhs_hint = false} : vector<4000x128xf32>, vector<128x384xf32>, vector<4000x384xf32> -> vector<4000x384xf32>
    %get3A_17 = arith.constant 0 : index
    %get3A_18 = arith.constant 0 : index
    %get3A_19 = vector.load %arg5[%get3A_17, %get3A_18] : memref<1x384xf32, #tpu.memory_space<vmem>>, vector<1x384xf32>
    %add3A_20 = vector.broadcast %get3A_19 : vector<1x384xf32> to vector<4000x384xf32>
    %add3A_21 = arith.addf %dot_general3A_16, %add3A_20 : vector<4000x384xf32>
    %slice3A = vector.extract_strided_slice %add3A_21 {offsets = [0, 0], sizes = [4000, 128], strides = [1, 1]} : vector<4000x384xf32> to vector<4000x128xf32>
    %swap3A = arith.constant 0 : index
    %swap3A_22 = arith.constant 0 : index
    %swap3A_23 = vector.load %arg6[%swap3A, %swap3A_22] : memref<4000x128xf32, #tpu.memory_space<vmem>>, vector<4000x128xf32>
    tpu.vector_store %arg6[%swap3A, %swap3A_22], %slice3A {strides = array<i32>} : memref<4000x128xf32, #tpu.memory_space<vmem>>, vector<4000x128xf32>,
    %slice3A_24 = vector.extract_strided_slice %add3A_21 {offsets = [0, 128], sizes = [4000, 128], strides = [1, 1]} : vector<4000x384xf32> to vector<4000x128xf32>
    %swap3A_25 = arith.constant 0 : index
    %swap3A_26 = arith.constant 0 : index
    %swap3A_27 = vector.load %arg7[%swap3A_25, %swap3A_26] : memref<4000x128xf32, #tpu.memory_space<vmem>>, vector<4000x128xf32>
    tpu.vector_store %arg7[%swap3A_25, %swap3A_26], %slice3A_24 {strides = array<i32>} : memref<4000x128xf32, #tpu.memory_space<vmem>>, vector<4000x128xf32>,
    %slice3A_28 = vector.extract_strided_slice %add3A_21 {offsets = [0, 256], sizes = [4000, 128], strides = [1, 1]} : vector<4000x384xf32> to vector<4000x128xf32>
    %swap3A_29 = arith.constant 0 : index
    %swap3A_30 = arith.constant 0 : index
    %swap3A_31 = vector.load %arg8[%swap3A_29, %swap3A_30] : memref<4000x128xf32, #tpu.memory_space<vmem>>, vector<4000x128xf32>
    tpu.vector_store %arg8[%swap3A_29, %swap3A_30], %slice3A_28 {strides = array<i32>} : memref<4000x128xf32, #tpu.memory_space<vmem>>, vector<4000x128xf32>,
    return
  }
  func.func @transform_0(%arg0: i32) -> (i32, i32) {
    %c0_i32 = arith.constant 0 : i32
    %c0_i32_0 = arith.constant 0 : i32
    return %arg0, %c0_i32 : i32, i32
  }
  func.func @transform_1(%arg0: i32) -> (i32, i32) {
    %c0_i32 = arith.constant 0 : i32
    %c0_i32_0 = arith.constant 0 : i32
    %c0_i32_1 = arith.constant 0 : i32
    return %c0_i32, %c0_i32_0 : i32, i32
  }
  func.func @transform_2(%arg0: i32) -> (i32, i32) {
    %c0_i32 = arith.constant 0 : i32
    %c0_i32_0 = arith.constant 0 : i32
    %c0_i32_1 = arith.constant 0 : i32
    return %c0_i32, %c0_i32_0 : i32, i32
  }
  func.func @transform_3(%arg0: i32) -> (i32, i32) {
    %c0_i32 = arith.constant 0 : i32
    %c0_i32_0 = arith.constant 0 : i32
    %c0_i32_1 = arith.constant 0 : i32
    return %c0_i32, %c0_i32_0 : i32, i32
  }
  func.func @transform_4(%arg0: i32) -> (i32, i32) {
    %c0_i32 = arith.constant 0 : i32
    %c0_i32_0 = arith.constant 0 : i32
    %c0_i32_1 = arith.constant 0 : i32
    return %c0_i32, %c0_i32_0 : i32, i32
  }
  func.func @transform_5(%arg0: i32) -> (i32, i32) {
    %c0_i32 = arith.constant 0 : i32
    %c0_i32_0 = arith.constant 0 : i32
    return %arg0, %c0_i32 : i32, i32
  }
  func.func @transform_6(%arg0: i32) -> (i32, i32) {
    %c0_i32 = arith.constant 0 : i32
    %c0_i32_0 = arith.constant 0 : i32
    return %arg0, %c0_i32 : i32, i32
  }
  func.func @transform_7(%arg0: i32) -> (i32, i32) {
    %c0_i32 = arith.constant 0 : i32
    %c0_i32_0 = arith.constant 0 : i32
    return %arg0, %c0_i32 : i32, i32
  }
}

module attributes {stable_mosaic.version = 14 : i64} {
  func.func @_upd_body_next(%arg0: i32, %arg1: memref<1000x128xf32, #tpu.memory_space<vmem>>, %arg2: memref<1000x128xf32, #tpu.memory_space<vmem>>, %arg3: memref<1000x128xf32, #tpu.memory_space<vmem>>, %arg4: memref<128x128xf32, #tpu.memory_space<vmem>>, %arg5: memref<128x128xf32, #tpu.memory_space<vmem>>, %arg6: memref<1x128xf32, #tpu.memory_space<vmem>>, %arg7: memref<128x128xf32, #tpu.memory_space<vmem>>, %arg8: memref<1000x128xf32, #tpu.memory_space<vmem>>, %arg9: memref<1000x128xf32, #tpu.memory_space<vmem>>) attributes {dimension_semantics = [#tpu.dimension_semantics<arbitrary>], iteration_bounds = array<i64: 10>, scalar_prefetch = 0 : i64, scratch_operands = 0 : i64, tpu.core_type = #tpu.core_type<tc>, window_params = [{transform_indices = @transform_0, window_bounds = array<i64: 1000, 128>}, {transform_indices = @transform_1, window_bounds = array<i64: 1000, 128>}, {transform_indices = @transform_2, window_bounds = array<i64: 1000, 128>}, {pipeline_mode = #tpu.pipeline_mode<synchronous>, transform_indices = @transform_3, window_bounds = array<i64: 128, 128>}, {pipeline_mode = #tpu.pipeline_mode<synchronous>, transform_indices = @transform_4, window_bounds = array<i64: 128, 128>}, {pipeline_mode = #tpu.pipeline_mode<synchronous>, transform_indices = @transform_5, window_bounds = array<i64: 1, 128>}, {pipeline_mode = #tpu.pipeline_mode<synchronous>, transform_indices = @transform_6, window_bounds = array<i64: 128, 128>}, {transform_indices = @transform_7, window_bounds = array<i64: 1000, 128>}, {transform_indices = @transform_8, window_bounds = array<i64: 1000, 128>}]} {
    %get3A = arith.constant 0 : index
    %get3A_0 = arith.constant 0 : index
    %get3A_1 = vector.load %arg2[%get3A, %get3A_0] : memref<1000x128xf32, #tpu.memory_space<vmem>>, vector<1000x128xf32>
    %get3A_2 = arith.constant 0 : index
    %get3A_3 = arith.constant 0 : index
    %get3A_4 = vector.load %arg3[%get3A_2, %get3A_3] : memref<1000x128xf32, #tpu.memory_space<vmem>>, vector<1000x128xf32>
    %add3A = arith.addf %get3A_1, %get3A_4 : vector<1000x128xf32>
    %get3A_5 = arith.constant 0 : index
    %get3A_6 = arith.constant 0 : index
    %get3A_7 = vector.load %arg1[%get3A_5, %get3A_6] : memref<1000x128xf32, #tpu.memory_space<vmem>>, vector<1000x128xf32>
    %get3A_8 = arith.constant 0 : index
    %get3A_9 = arith.constant 0 : index
    %get3A_10 = vector.load %arg4[%get3A_8, %get3A_9] : memref<128x128xf32, #tpu.memory_space<vmem>>, vector<128x128xf32>
    %dot_general3A = arith.constant dense<0.000000e+00> : vector<1000x128xf32>
    %dot_general3A_11 = tpu.matmul %get3A_7, %get3A_10, %dot_general3A {dimension_numbers = #tpu.dot_dimension_numbers<[1], [0], [0], [1], [0, 0, 1, 1], [], []>, transpose_lhs_hint = false} : vector<1000x128xf32>, vector<128x128xf32>, vector<1000x128xf32> -> vector<1000x128xf32>
    %get3A_12 = arith.constant 0 : index
    %get3A_13 = arith.constant 0 : index
    %get3A_14 = vector.load %arg5[%get3A_12, %get3A_13] : memref<128x128xf32, #tpu.memory_space<vmem>>, vector<128x128xf32>
    %dot_general3A_15 = arith.constant dense<0.000000e+00> : vector<1000x128xf32>
    %dot_general3A_16 = tpu.matmul %add3A, %get3A_14, %dot_general3A_15 {dimension_numbers = #tpu.dot_dimension_numbers<[1], [0], [0], [1], [0, 0, 1, 1], [], []>, transpose_lhs_hint = false} : vector<1000x128xf32>, vector<128x128xf32>, vector<1000x128xf32> -> vector<1000x128xf32>
    %add3A_17 = arith.addf %dot_general3A_11, %dot_general3A_16 : vector<1000x128xf32>
    %get3A_18 = arith.constant 0 : index
    %get3A_19 = arith.constant 0 : index
    %get3A_20 = vector.load %arg6[%get3A_18, %get3A_19] : memref<1x128xf32, #tpu.memory_space<vmem>>, vector<1x128xf32>
    %add3A_21 = vector.broadcast %get3A_20 : vector<1x128xf32> to vector<1000x128xf32>
    %add3A_22 = arith.addf %add3A_17, %add3A_21 : vector<1000x128xf32>
    %max3A = arith.constant 0.000000e+00 : f32
    %max3A_23 = vector.broadcast %max3A : f32 to vector<1000x128xf32>
    %max3A_24 = arith.maximumf %add3A_22, %max3A_23 : vector<1000x128xf32>
    %swap3A = arith.constant 0 : index
    %swap3A_25 = arith.constant 0 : index
    %swap3A_26 = vector.load %arg8[%swap3A, %swap3A_25] : memref<1000x128xf32, #tpu.memory_space<vmem>>, vector<1000x128xf32>
    tpu.vector_store %arg8[%swap3A, %swap3A_25], %max3A_24 {strides = array<i32>} : memref<1000x128xf32, #tpu.memory_space<vmem>>, vector<1000x128xf32>,
    %get3A_27 = arith.constant 0 : index
    %get3A_28 = arith.constant 0 : index
    %get3A_29 = vector.load %arg7[%get3A_27, %get3A_28] : memref<128x128xf32, #tpu.memory_space<vmem>>, vector<128x128xf32>
    %dot_general3A_30 = arith.constant dense<0.000000e+00> : vector<1000x128xf32>
    %dot_general3A_31 = tpu.matmul %max3A_24, %get3A_29, %dot_general3A_30 {dimension_numbers = #tpu.dot_dimension_numbers<[1], [0], [0], [1], [0, 0, 1, 1], [], []>, transpose_lhs_hint = false} : vector<1000x128xf32>, vector<128x128xf32>, vector<1000x128xf32> -> vector<1000x128xf32>
    %swap3A_32 = arith.constant 0 : index
    %swap3A_33 = arith.constant 0 : index
    %swap3A_34 = vector.load %arg9[%swap3A_32, %swap3A_33] : memref<1000x128xf32, #tpu.memory_space<vmem>>, vector<1000x128xf32>
    tpu.vector_store %arg9[%swap3A_32, %swap3A_33], %dot_general3A_31 {strides = array<i32>} : memref<1000x128xf32, #tpu.memory_space<vmem>>, vector<1000x128xf32>,
    return
  }
  func.func @transform_0(%arg0: i32) -> (i32, i32) {
    %c0_i32 = arith.constant 0 : i32
    %c0_i32_0 = arith.constant 0 : i32
    return %arg0, %c0_i32 : i32, i32
  }
  func.func @transform_1(%arg0: i32) -> (i32, i32) {
    %c0_i32 = arith.constant 0 : i32
    %c0_i32_0 = arith.constant 0 : i32
    return %arg0, %c0_i32 : i32, i32
  }
  func.func @transform_2(%arg0: i32) -> (i32, i32) {
    %c0_i32 = arith.constant 0 : i32
    %c0_i32_0 = arith.constant 0 : i32
    return %arg0, %c0_i32 : i32, i32
  }
  func.func @transform_3(%arg0: i32) -> (i32, i32) {
    %c0_i32 = arith.constant 0 : i32
    %c0_i32_0 = arith.constant 0 : i32
    %c0_i32_1 = arith.constant 0 : i32
    return %c0_i32, %c0_i32_0 : i32, i32
  }
  func.func @transform_4(%arg0: i32) -> (i32, i32) {
    %c0_i32 = arith.constant 0 : i32
    %c0_i32_0 = arith.constant 0 : i32
    %c0_i32_1 = arith.constant 0 : i32
    return %c0_i32, %c0_i32_0 : i32, i32
  }
  func.func @transform_5(%arg0: i32) -> (i32, i32) {
    %c0_i32 = arith.constant 0 : i32
    %c0_i32_0 = arith.constant 0 : i32
    %c0_i32_1 = arith.constant 0 : i32
    return %c0_i32, %c0_i32_0 : i32, i32
  }
  func.func @transform_6(%arg0: i32) -> (i32, i32) {
    %c0_i32 = arith.constant 0 : i32
    %c0_i32_0 = arith.constant 0 : i32
    %c0_i32_1 = arith.constant 0 : i32
    return %c0_i32, %c0_i32_0 : i32, i32
  }
  func.func @transform_7(%arg0: i32) -> (i32, i32) {
    %c0_i32 = arith.constant 0 : i32
    %c0_i32_0 = arith.constant 0 : i32
    return %arg0, %c0_i32 : i32, i32
  }
  func.func @transform_8(%arg0: i32) -> (i32, i32) {
    %c0_i32 = arith.constant 0 : i32
    %c0_i32_0 = arith.constant 0 : i32
    return %arg0, %c0_i32 : i32, i32
  }
}

module attributes {stable_mosaic.version = 14 : i64} {
  func.func @_upd_body_last(%arg0: i32, %arg1: memref<1000x128xf32, #tpu.memory_space<vmem>>, %arg2: memref<1000x128xf32, #tpu.memory_space<vmem>>, %arg3: memref<1000x128xf32, #tpu.memory_space<vmem>>, %arg4: memref<128x128xf32, #tpu.memory_space<vmem>>, %arg5: memref<128x128xf32, #tpu.memory_space<vmem>>, %arg6: memref<1x128xf32, #tpu.memory_space<vmem>>, %arg7: memref<1000x128xf32, #tpu.memory_space<vmem>>) attributes {dimension_semantics = [#tpu.dimension_semantics<arbitrary>], iteration_bounds = array<i64: 10>, scalar_prefetch = 0 : i64, scratch_operands = 0 : i64, tpu.core_type = #tpu.core_type<tc>, window_params = [{transform_indices = @transform_0, window_bounds = array<i64: 1000, 128>}, {transform_indices = @transform_1, window_bounds = array<i64: 1000, 128>}, {transform_indices = @transform_2, window_bounds = array<i64: 1000, 128>}, {pipeline_mode = #tpu.pipeline_mode<synchronous>, transform_indices = @transform_3, window_bounds = array<i64: 128, 128>}, {pipeline_mode = #tpu.pipeline_mode<synchronous>, transform_indices = @transform_4, window_bounds = array<i64: 128, 128>}, {pipeline_mode = #tpu.pipeline_mode<synchronous>, transform_indices = @transform_5, window_bounds = array<i64: 1, 128>}, {transform_indices = @transform_6, window_bounds = array<i64: 1000, 128>}]} {
    %get3A = arith.constant 0 : index
    %get3A_0 = arith.constant 0 : index
    %get3A_1 = vector.load %arg2[%get3A, %get3A_0] : memref<1000x128xf32, #tpu.memory_space<vmem>>, vector<1000x128xf32>
    %get3A_2 = arith.constant 0 : index
    %get3A_3 = arith.constant 0 : index
    %get3A_4 = vector.load %arg3[%get3A_2, %get3A_3] : memref<1000x128xf32, #tpu.memory_space<vmem>>, vector<1000x128xf32>
    %add3A = arith.addf %get3A_1, %get3A_4 : vector<1000x128xf32>
    %get3A_5 = arith.constant 0 : index
    %get3A_6 = arith.constant 0 : index
    %get3A_7 = vector.load %arg1[%get3A_5, %get3A_6] : memref<1000x128xf32, #tpu.memory_space<vmem>>, vector<1000x128xf32>
    %get3A_8 = arith.constant 0 : index
    %get3A_9 = arith.constant 0 : index
    %get3A_10 = vector.load %arg4[%get3A_8, %get3A_9] : memref<128x128xf32, #tpu.memory_space<vmem>>, vector<128x128xf32>
    %dot_general3A = arith.constant dense<0.000000e+00> : vector<1000x128xf32>
    %dot_general3A_11 = tpu.matmul %get3A_7, %get3A_10, %dot_general3A {dimension_numbers = #tpu.dot_dimension_numbers<[1], [0], [0], [1], [0, 0, 1, 1], [], []>, transpose_lhs_hint = false} : vector<1000x128xf32>, vector<128x128xf32>, vector<1000x128xf32> -> vector<1000x128xf32>
    %get3A_12 = arith.constant 0 : index
    %get3A_13 = arith.constant 0 : index
    %get3A_14 = vector.load %arg5[%get3A_12, %get3A_13] : memref<128x128xf32, #tpu.memory_space<vmem>>, vector<128x128xf32>
    %dot_general3A_15 = arith.constant dense<0.000000e+00> : vector<1000x128xf32>
    %dot_general3A_16 = tpu.matmul %add3A, %get3A_14, %dot_general3A_15 {dimension_numbers = #tpu.dot_dimension_numbers<[1], [0], [0], [1], [0, 0, 1, 1], [], []>, transpose_lhs_hint = false} : vector<1000x128xf32>, vector<128x128xf32>, vector<1000x128xf32> -> vector<1000x128xf32>
    %add3A_17 = arith.addf %dot_general3A_11, %dot_general3A_16 : vector<1000x128xf32>
    %get3A_18 = arith.constant 0 : index
    %get3A_19 = arith.constant 0 : index
    %get3A_20 = vector.load %arg6[%get3A_18, %get3A_19] : memref<1x128xf32, #tpu.memory_space<vmem>>, vector<1x128xf32>
    %add3A_21 = vector.broadcast %get3A_20 : vector<1x128xf32> to vector<1000x128xf32>
    %add3A_22 = arith.addf %add3A_17, %add3A_21 : vector<1000x128xf32>
    %max3A = arith.constant 0.000000e+00 : f32
    %max3A_23 = vector.broadcast %max3A : f32 to vector<1000x128xf32>
    %max3A_24 = arith.maximumf %add3A_22, %max3A_23 : vector<1000x128xf32>
    %swap3A = arith.constant 0 : index
    %swap3A_25 = arith.constant 0 : index
    %swap3A_26 = vector.load %arg7[%swap3A, %swap3A_25] : memref<1000x128xf32, #tpu.memory_space<vmem>>, vector<1000x128xf32>
    tpu.vector_store %arg7[%swap3A, %swap3A_25], %max3A_24 {strides = array<i32>} : memref<1000x128xf32, #tpu.memory_space<vmem>>, vector<1000x128xf32>,
    return
  }
  func.func @transform_0(%arg0: i32) -> (i32, i32) {
    %c0_i32 = arith.constant 0 : i32
    %c0_i32_0 = arith.constant 0 : i32
    return %arg0, %c0_i32 : i32, i32
  }
  func.func @transform_1(%arg0: i32) -> (i32, i32) {
    %c0_i32 = arith.constant 0 : i32
    %c0_i32_0 = arith.constant 0 : i32
    return %arg0, %c0_i32 : i32, i32
  }
  func.func @transform_2(%arg0: i32) -> (i32, i32) {
    %c0_i32 = arith.constant 0 : i32
    %c0_i32_0 = arith.constant 0 : i32
    return %arg0, %c0_i32 : i32, i32
  }
  func.func @transform_3(%arg0: i32) -> (i32, i32) {
    %c0_i32 = arith.constant 0 : i32
    %c0_i32_0 = arith.constant 0 : i32
    %c0_i32_1 = arith.constant 0 : i32
    return %c0_i32, %c0_i32_0 : i32, i32
  }
  func.func @transform_4(%arg0: i32) -> (i32, i32) {
    %c0_i32 = arith.constant 0 : i32
    %c0_i32_0 = arith.constant 0 : i32
    %c0_i32_1 = arith.constant 0 : i32
    return %c0_i32, %c0_i32_0 : i32, i32
  }
  func.func @transform_5(%arg0: i32) -> (i32, i32) {
    %c0_i32 = arith.constant 0 : i32
    %c0_i32_0 = arith.constant 0 : i32
    %c0_i32_1 = arith.constant 0 : i32
    return %c0_i32, %c0_i32_0 : i32, i32
  }
  func.func @transform_6(%arg0: i32) -> (i32, i32) {
    %c0_i32 = arith.constant 0 : i32
    %c0_i32_0 = arith.constant 0 : i32
    return %arg0, %c0_i32 : i32, i32
  }
}

module attributes {stable_mosaic.version = 14 : i64} {
  func.func @_pool_body(%arg0: i32, %arg1: memref<1x1x1000xi32, #tpu.memory_space<vmem>>, %arg2: memref<1000x128xf32, #tpu.memory_space<vmem>>, %arg3: memref<128x128xf32, #tpu.memory_space<vmem>>, %arg4: memref<1x128xf32, #tpu.memory_space<vmem>>, %arg5: memref<128x1xf32, #tpu.memory_space<vmem>>, %arg6: memref<1x1xf32, #tpu.memory_space<vmem>>, %arg7: memref<256x1xf32, #tpu.memory_space<vmem>>, %arg8: memref<256x128xf32, #tpu.memory_space<vmem>>, %arg9: memref<256x1xf32, #tpu.memory_space<vmem>>) attributes {dimension_semantics = [#tpu.dimension_semantics<arbitrary>], iteration_bounds = array<i64: 10>, scalar_prefetch = 0 : i64, scratch_operands = 2 : i64, tpu.core_type = #tpu.core_type<tc>, window_params = [{transform_indices = @transform_0, window_bounds = array<i64: 1, 1, 1000>}, {transform_indices = @transform_1, window_bounds = array<i64: 1000, 128>}, {pipeline_mode = #tpu.pipeline_mode<synchronous>, transform_indices = @transform_2, window_bounds = array<i64: 128, 128>}, {pipeline_mode = #tpu.pipeline_mode<synchronous>, transform_indices = @transform_3, window_bounds = array<i64: 1, 128>}, {pipeline_mode = #tpu.pipeline_mode<synchronous>, transform_indices = @transform_4, window_bounds = array<i64: 128, 1>}, {pipeline_mode = #tpu.pipeline_mode<synchronous>, transform_indices = @transform_5, window_bounds = array<i64: 1, 1>}, {pipeline_mode = #tpu.pipeline_mode<synchronous>, transform_indices = @transform_6, window_bounds = array<i64: 256, 1>}]} {
    %eq3A = arith.constant 0 : i32
    %eq3A_0 = arith.cmpi eq, %arg0, %eq3A : i32
    %convert_element_type3A = arith.extui %eq3A_0 : i1 to i32
    %cond3A = arith.constant 0 : i32
    %cond3A_1 = arith.cmpi ne, %convert_element_type3A, %cond3A : i32
    scf.if %cond3A_1 {
      %broadcast_in_dim3A_33 = arith.constant 0.000000e+00 : f32
      %broadcast_in_dim3A_34 = vector.broadcast %broadcast_in_dim3A_33 : f32 to vector<256x128xf32>
      %swap3A_35 = arith.constant 0 : index
      %swap3A_36 = arith.constant 0 : index
      %swap3A_37 = vector.load %arg8[%swap3A_35, %swap3A_36] : memref<256x128xf32, #tpu.memory_space<vmem>>, vector<256x128xf32>
      tpu.vector_store %arg8[%swap3A_35, %swap3A_36], %broadcast_in_dim3A_34 {strides = array<i32>} : memref<256x128xf32, #tpu.memory_space<vmem>>, vector<256x128xf32>,
      %broadcast_in_dim3A_38 = arith.constant 0.000000e+00 : f32
      %broadcast_in_dim3A_39 = vector.broadcast %broadcast_in_dim3A_38 : f32 to vector<256x1xf32>
      %swap3A_40 = arith.constant 0 : index
      %swap3A_41 = arith.constant 0 : index
      %swap3A_42 = vector.load %arg9[%swap3A_40, %swap3A_41] : memref<256x1xf32, #tpu.memory_space<vmem>>, vector<256x1xf32>
      tpu.vector_store %arg9[%swap3A_40, %swap3A_41], %broadcast_in_dim3A_39 {strides = array<i32>} : memref<256x1xf32, #tpu.memory_space<vmem>>, vector<256x1xf32>,
    } else {
    }
    %get3A = arith.constant 0 : index
    %get3A_2 = arith.constant 0 : index
    %get3A_3 = arith.constant 0 : index
    %get3A_4 = vector.load %arg1[%get3A, %get3A_2, %get3A_3] : memref<1x1x1000xi32, #tpu.memory_space<vmem>>, vector<1x1x1000xi32>
    %get3A_5 = vector.shape_cast %get3A_4 : vector<1x1x1000xi32> to vector<1000xi32>
    %iota3A = tpu.iota {dimensions = array<i32: 0>} : vector<256x1000xi32>
    %broadcast_in_dim3A = vector.shape_cast %get3A_5 : vector<1000xi32> to vector<1x1000xi32>
    %eq3A_6 = vector.broadcast %broadcast_in_dim3A : vector<1x1000xi32> to vector<256x1000xi32>
    %eq3A_7 = arith.cmpi eq, %eq3A_6, %iota3A : vector<256x1000xi32>
    %convert_element_type3A_8 = arith.extui %eq3A_7 : vector<256x1000xi1> to vector<256x1000xi32>
    %convert_element_type3A_9 = arith.sitofp %convert_element_type3A_8 : vector<256x1000xi32> to vector<256x1000xf32>
    %get3A_10 = arith.constant 0 : index
    %get3A_11 = arith.constant 0 : index
    %get3A_12 = vector.load %arg8[%get3A_10, %get3A_11] : memref<256x128xf32, #tpu.memory_space<vmem>>, vector<256x128xf32>
    %get3A_13 = arith.constant 0 : index
    %get3A_14 = arith.constant 0 : index
    %get3A_15 = vector.load %arg2[%get3A_13, %get3A_14] : memref<1000x128xf32, #tpu.memory_space<vmem>>, vector<1000x128xf32>
    %dot_general3A = arith.constant dense<0.000000e+00> : vector<256x128xf32>
    %dot_general3A_16 = tpu.matmul %convert_element_type3A_9, %get3A_15, %dot_general3A {dimension_numbers = #tpu.dot_dimension_numbers<[1], [0], [0], [1], [0, 0, 1, 1], [], []>, transpose_lhs_hint = false} : vector<256x1000xf32>, vector<1000x128xf32>, vector<256x128xf32> -> vector<256x128xf32>
    %add3A = arith.addf %get3A_12, %dot_general3A_16 : vector<256x128xf32>
    %swap3A = arith.constant 0 : index
    %swap3A_17 = arith.constant 0 : index
    %swap3A_18 = vector.load %arg8[%swap3A, %swap3A_17] : memref<256x128xf32, #tpu.memory_space<vmem>>, vector<256x128xf32>
    tpu.vector_store %arg8[%swap3A, %swap3A_17], %add3A {strides = array<i32>} : memref<256x128xf32, #tpu.memory_space<vmem>>, vector<256x128xf32>,
    %get3A_19 = arith.constant 0 : index
    %get3A_20 = arith.constant 0 : index
    %get3A_21 = vector.load %arg9[%get3A_19, %get3A_20] : memref<256x1xf32, #tpu.memory_space<vmem>>, vector<256x1xf32>
    %reduce_sum3A = arith.constant dense<0.000000e+00> : vector<256xf32>
    %reduce_sum3A_22 = vector.multi_reduction <add>, %convert_element_type3A_9, %reduce_sum3A [1] : vector<256x1000xf32> to vector<256xf32>
    %broadcast_in_dim3A_23 = vector.shape_cast %reduce_sum3A_22 : vector<256xf32> to vector<256x1xf32>
    %add3A_24 = arith.addf %get3A_21, %broadcast_in_dim3A_23 : vector<256x1xf32>
    %swap3A_25 = arith.constant 0 : index
    %swap3A_26 = arith.constant 0 : index
    %swap3A_27 = vector.load %arg9[%swap3A_25, %swap3A_26] : memref<256x1xf32, #tpu.memory_space<vmem>>, vector<256x1xf32>
    tpu.vector_store %arg9[%swap3A_25, %swap3A_26], %add3A_24 {strides = array<i32>} : memref<256x1xf32, #tpu.memory_space<vmem>>, vector<256x1xf32>,
    %eq3A_28 = arith.constant 9 : i32
    %eq3A_29 = arith.cmpi eq, %arg0, %eq3A_28 : i32
    %convert_element_type3A_30 = arith.extui %eq3A_29 : i1 to i32
    %cond3A_31 = arith.constant 0 : i32
    %cond3A_32 = arith.cmpi ne, %convert_element_type3A_30, %cond3A_31 : i32
    scf.if %cond3A_32 {
      %get3A_33 = arith.constant 0 : index
      %get3A_34 = arith.constant 0 : index
      %get3A_35 = vector.load %arg8[%get3A_33, %get3A_34] : memref<256x128xf32, #tpu.memory_space<vmem>>, vector<256x128xf32>
      %get3A_36 = arith.constant 0 : index
      %get3A_37 = arith.constant 0 : index
      %get3A_38 = vector.load %arg9[%get3A_36, %get3A_37] : memref<256x1xf32, #tpu.memory_space<vmem>>, vector<256x1xf32>
      %max3A = arith.constant 1.000000e+00 : f32
      %max3A_39 = vector.broadcast %max3A : f32 to vector<256x1xf32>
      %max3A_40 = arith.maximumf %get3A_38, %max3A_39 : vector<256x1xf32>
      %div3A = vector.broadcast %max3A_40 : vector<256x1xf32> to vector<256x128xf32>
      %div3A_41 = arith.divf %get3A_35, %div3A : vector<256x128xf32>
      %get3A_42 = arith.constant 0 : index
      %get3A_43 = arith.constant 0 : index
      %get3A_44 = vector.load %arg3[%get3A_42, %get3A_43] : memref<128x128xf32, #tpu.memory_space<vmem>>, vector<128x128xf32>
      %dot_general3A_45 = arith.constant dense<0.000000e+00> : vector<256x128xf32>
      %dot_general3A_46 = tpu.matmul %div3A_41, %get3A_44, %dot_general3A_45 {dimension_numbers = #tpu.dot_dimension_numbers<[1], [0], [0], [1], [0, 0, 1, 1], [], []>, transpose_lhs_hint = false} : vector<256x128xf32>, vector<128x128xf32>, vector<256x128xf32> -> vector<256x128xf32>
      %get3A_47 = arith.constant 0 : index
      %get3A_48 = arith.constant 0 : index
      %get3A_49 = vector.load %arg4[%get3A_47, %get3A_48] : memref<1x128xf32, #tpu.memory_space<vmem>>, vector<1x128xf32>
      %add3A_50 = vector.broadcast %get3A_49 : vector<1x128xf32> to vector<256x128xf32>
      %add3A_51 = arith.addf %dot_general3A_46, %add3A_50 : vector<256x128xf32>
      %max3A_52 = arith.constant 0.000000e+00 : f32
      %max3A_53 = vector.broadcast %max3A_52 : f32 to vector<256x128xf32>
      %max3A_54 = arith.maximumf %add3A_51, %max3A_53 : vector<256x128xf32>
      %get3A_55 = arith.constant 0 : index
      %get3A_56 = arith.constant 0 : index
      %get3A_57 = vector.load %arg5[%get3A_55, %get3A_56] : memref<128x1xf32, #tpu.memory_space<vmem>>, vector<128x1xf32>
      %dot_general3A_58 = arith.constant dense<0.000000e+00> : vector<256x1xf32>
      %dot_general3A_59 = tpu.matmul %max3A_54, %get3A_57, %dot_general3A_58 {dimension_numbers = #tpu.dot_dimension_numbers<[1], [0], [0], [1], [0, 0, 1, 1], [], []>, transpose_lhs_hint = false} : vector<256x128xf32>, vector<128x1xf32>, vector<256x1xf32> -> vector<256x1xf32>
      %get3A_60 = arith.constant 0 : index
      %get3A_61 = arith.constant 0 : index
      %get3A_62 = vector.load %arg6[%get3A_60, %get3A_61] : memref<1x1xf32, #tpu.memory_space<vmem>>, vector<1x1xf32>
      %add3A_63 = vector.broadcast %get3A_62 : vector<1x1xf32> to vector<256x1xf32>
      %add3A_64 = arith.addf %dot_general3A_59, %add3A_63 : vector<256x1xf32>
      %swap3A_65 = arith.constant 0 : index
      %swap3A_66 = arith.constant 0 : index
      %swap3A_67 = vector.load %arg7[%swap3A_65, %swap3A_66] : memref<256x1xf32, #tpu.memory_space<vmem>>, vector<256x1xf32>
      tpu.vector_store %arg7[%swap3A_65, %swap3A_66], %add3A_64 {strides = array<i32>} : memref<256x1xf32, #tpu.memory_space<vmem>>, vector<256x1xf32>,
    } else {
    }
    return
  }
  func.func @transform_0(%arg0: i32) -> (i32, i32, i32) {
    %c0_i32 = arith.constant 0 : i32
    %c0_i32_0 = arith.constant 0 : i32
    %c0_i32_1 = arith.constant 0 : i32
    return %arg0, %c0_i32, %c0_i32_0 : i32, i32, i32
  }
  func.func @transform_1(%arg0: i32) -> (i32, i32) {
    %c0_i32 = arith.constant 0 : i32
    %c0_i32_0 = arith.constant 0 : i32
    return %arg0, %c0_i32 : i32, i32
  }
  func.func @transform_2(%arg0: i32) -> (i32, i32) {
    %c0_i32 = arith.constant 0 : i32
    %c0_i32_0 = arith.constant 0 : i32
    %c0_i32_1 = arith.constant 0 : i32
    return %c0_i32, %c0_i32_0 : i32, i32
  }
  func.func @transform_3(%arg0: i32) -> (i32, i32) {
    %c0_i32 = arith.constant 0 : i32
    %c0_i32_0 = arith.constant 0 : i32
    %c0_i32_1 = arith.constant 0 : i32
    return %c0_i32, %c0_i32_0 : i32, i32
  }
  func.func @transform_4(%arg0: i32) -> (i32, i32) {
    %c0_i32 = arith.constant 0 : i32
    %c0_i32_0 = arith.constant 0 : i32
    %c0_i32_1 = arith.constant 0 : i32
    return %c0_i32, %c0_i32_0 : i32, i32
  }
  func.func @transform_5(%arg0: i32) -> (i32, i32) {
    %c0_i32 = arith.constant 0 : i32
    %c0_i32_0 = arith.constant 0 : i32
    %c0_i32_1 = arith.constant 0 : i32
    return %c0_i32, %c0_i32_0 : i32, i32
  }
  func.func @transform_6(%arg0: i32) -> (i32, i32) {
    %c0_i32 = arith.constant 0 : i32
    %c0_i32_0 = arith.constant 0 : i32
    %c0_i32_1 = arith.constant 0 : i32
    return %c0_i32, %c0_i32_0 : i32, i32
  }
}

</mosaic_0001>

<sc_bundles>
// kernel: kernel.11.cloned.1.call-start
scs
__scs_entry_jumppad:
0x0: {  	(pc) =	sbr.rel $0x88, $3  }
0x1: {  	(tag) =	ssettag $0x0;
	lr =	simm.s32 $0x1  }
0x2: {  	[smem:$0x3F89] =	sst lr;
	_ =	strace $0xD0000000  }
0x3: {  	_ = 	snop  }
0x4: {  	_ = 	snop  }
0x5: {  	_ = 	snop  }
0x6: {  	_ = 	snop  }
0x7: {  	_ = 	snop  }
__scs_overlays_trampoline_lowered:
0x8: {  	[smem:$0x3F98] =	sst s0  }
0x9: {  	[smem:$0x3F99] =	sst s1  }
0xa: {  	[smem:$0x3F9A] =	sst s2  }
0xb: {  	[smem:$0x3F9B] =	sst s3  }
0xc: {  	[smem:$0x3F9C] =	sst s4  }
0xd: {  	[smem:$0x3F9D] =	sst s5  }
0xe: {  	[smem:$0x3F9E] =	sst s6  }
0xf: {  	[smem:$0x3F9F] =	sst s7  }
0x10: {  	[smem:$0x3FA0] =	sst s8  }
0x11: {  	[smem:$0x3FA1] =	sst s9;
	s0 =	simm.s32 @!p0 $0x0  }
0x12: {  	s1 =	sld [smem:$0x3F87];
	s0 =	simm.s32 @p0 $0x1  }
0x13: {  	[smem:$0x3FA2] =	sst s0;
	s0 =	simm.s32 @!p1 $0x0  }
0x14: {  	s2 =	sld [smem:$0x3F86];
	s0 =	simm.s32 @p1 $0x1  }
0x15: {  	[smem:$0x3FA3] =	sst s0;
	s0 =	simm.s32 @!p2 $0x0  }
0x16: {  	s3 =	sld [smem:$0x3FDB];
	s0 =	simm.s32 @p2 $0x1  }
0x17: {  	s4 =	simm.s32 $0x1BF5;
	[smem:$0x3FA5] =	sst s0  }
0x18: {  	s0 =	sld [smem:$0x3F88];
	_ =	swait.ge [sflag:s4], $0x0  }
0x19: {  	s7 =	sld [smem:$0x3F89]  }
0x1a: {  	s8 =	sadd.s32 $0xFFFFE003, lr  }
0x1b: {  	s9 =	sadd.s32 $0xFFFFFEF7, lr;
	s5 =	simm.s32 $0xFFFFFFFF;
	p2 =	slt.u32 s8, $0xFFFFF086  }
0x1c: {  	p1 =	slt.u32 s9, $0xF7A;
	s5 =	simm.s32 @!p2 $0x0  }
0x1d: {  	s5 =	simm.s32 @p1 $0x1;
	p0 =	seq.s32 s7, s2  }
0x1e: {  	s7 =	smul.u32 @!p0 $0xF7A, s2;
	p2 =	seq.s32 @!p0 s5, $0x0  }
0x1f: {  	s9 =	smul.u32 $0xF7A, s1;
	s8 =	simm.s32 @!p0 $0x1BF5;
	p2 =	por !p2, p0  }
0x20: {  	[sflag:s8] =	ssyncset.s32 @!p0 $0xFFFFF086;
	s6 =	sadd.s32 @!p0 s3, s7;
	s7 =	simm.s32 @!p0 $0x108  }
0x21: {  	s3 =	sadd.s32 s3, s9;
	s6 =	sadd.s32 @!p0 $0x88, s6;
	s7 =	simm.s32 @p2 $0x1082  }
0x22: {  	[simem:s7], [sflag:s8] =	dma.local @!p0 [hbm:s6], $0xF7A  }
0x23: {  	s9 =	sor.u32 $0xD0000000, s2;
	s6 =	simm.s32 $0x108;
	_ =	swait.ge @!p0 [sflag:s8], $0x0  }
0x24: {  	s3 =	sadd.s32 $0x88, s3;
	s6 =	simm.s32 @!p1 $0x1082;
	[sflag:s4] =	ssyncset.s32 $0xFFFFF086  }
0x25: {  	[simem:s6], [sflag:s4] =	dma.local [hbm:s3], $0xF7A  }
0x26: {  	[smem:$0x3F89] =	sst s1;
	(tag) =	ssettag s2;
	_ =	strace s9  }
0x27: {  	s1 =	sld [smem:$0x3F99]  }
0x28: {  	s2 =	sld [smem:$0x3F9A]  }
0x29: {  	s4 =	sld [smem:$0x3F9C]  }
0x2a: {  	p0 =	seq.s32 s5, $0x0;
	s5 =	sld [smem:$0x3F9D]  }
0x2b: {  	s6 =	sld [smem:$0x3F9E]  }
0x2c: {  	s7 =	sld [smem:$0x3F9F]  }
0x2d: {  	s3 =	simm.s32 $0x108;
	s8 =	sld [smem:$0x3FA0]  }
0x2e: {  	s3 =	simm.s32 @!p0 $0x1082;
	s9 =	sld [smem:$0x3FA1]  }
0x2f: {  	lr =	sadd.s32 s0, s3;
	s0 =	sld [smem:$0x3F98]  }
0x30: {  	s3 =	sld [smem:$0x3F9B]  }
0x31: {  	[smem:$0x3FA4] =	sst s10  }
0x32: {  	s10 =	sld [smem:$0x3FA2];
	_ =	sdelay $0x3  }
0x33: {  	p0 =	seq.s32 s10, $0x1;
	s10 =	sld [smem:$0x3FA4];
	_ =	sdelay $0x3  }
0x34: {  	[smem:$0x3FA4] =	sst s10  }
0x35: {  	s10 =	sld [smem:$0x3FA3];
	_ =	sdelay $0x3  }
0x36: {  	p1 =	seq.s32 s10, $0x1;
	s10 =	sld [smem:$0x3FA4];
	_ =	sdelay $0x3  }
0x37: {  	[smem:$0x3FA4] =	sst s10  }
0x38: {  	s10 =	sld [smem:$0x3FA5]  }
0x39: {  	_ = 	snop;
	(pc) =	sbr.ind lr, $3  }
0x3a: {  	_ = 	snop  }
0x3b: {  	_ = 	snop  }
0x3c: {  	p2 =	seq.s32 s10, $0x1;
	s10 =	sld [smem:$0x3FA4]  }
0x3d: {  	_ =	shalt  }
0x3e: {  	_ =	shalt  }
0x3f: {  	_ =	shalt  }
0x40: {  	_ =	shalt  }
0x41: {  	_ =	shalt  }
0x42: {  	_ =	shalt  }
0x43: {  	_ =	shalt  }
0x44: {  	_ =	shalt  }
0x45: {  	_ =	shalt  }
0x46: {  	_ =	shalt  }
0x47: {  	_ =	shalt  }
0x48: {  	_ =	shalt  }
0x49: {  	_ =	shalt  }
0x4a: {  	_ =	shalt  }
0x4b: {  	_ =	shalt  }
0x4c: {  	_ =	shalt  }
0x4d: {  	_ =	shalt  }
0x4e: {  	_ =	shalt  }
0x4f: {  	_ =	shalt  }
0x50: {  	_ =	shalt  }
0x51: {  	_ =	shalt  }
0x52: {  	_ =	shalt  }
0x53: {  	_ =	shalt  }
0x54: {  	_ =	shalt  }
0x55: {  	_ =	shalt  }
0x56: {  	_ =	shalt  }
0x57: {  	_ =	shalt  }
0x58: {  	_ =	shalt  }
0x59: {  	_ =	shalt  }
0x5a: {  	_ =	shalt  }
0x5b: {  	_ =	shalt  }
0x5c: {  	_ =	shalt  }
0x5d: {  	_ =	shalt  }
0x5e: {  	_ =	shalt  }
0x5f: {  	_ =	shalt  }
0x60: {  	_ =	shalt  }
0x61: {  	_ =	shalt  }
0x62: {  	_ =	shalt  }
0x63: {  	_ =	shalt  }
0x64: {  	_ =	shalt  }
0x65: {  	_ =	shalt  }
0x66: {  	_ =	shalt  }
0x67: {  	_ =	shalt  }
0x68: {  	_ =	shalt  }
0x69: {  	_ =	shalt  }
0x6a: {  	_ =	shalt  }
0x6b: {  	_ =	shalt  }
0x6c: {  	_ =	shalt  }
0x6d: {  	_ =	shalt  }
0x6e: {  	_ =	shalt  }
0x6f: {  	_ =	shalt  }
0x70: {  	_ =	shalt  }
0x71: {  	_ =	shalt  }
0x72: {  	_ =	shalt  }
0x73: {  	_ =	shalt  }
0x74: {  	_ =	shalt  }
0x75: {  	_ =	shalt  }
0x76: {  	_ =	shalt  }
0x77: {  	_ =	shalt  }
0x78: {  	_ =	shalt  }
0x79: {  	_ =	shalt  }
0x7a: {  	_ =	shalt  }
0x7b: {  	_ =	shalt  }
0x7c: {  	_ =	shalt  }
0x7d: {  	_ =	shalt  }
0x7e: {  	_ =	shalt  }
0x7f: {  	_ =	shalt  }
0x80: {  	_ =	shalt  }
0x81: {  	_ =	shalt  }
0x82: {  	_ =	shalt  }
0x83: {  	_ =	shalt  }
0x84: {  	_ =	shalt  }
0x85: {  	_ =	shalt  }
0x86: {  	_ =	shalt  }
0x87: {  	_ =	shalt  }
.Lfunc_end0:
.L_simem_size_0:
called_computation_lowered:
.L_overlay_start_0:
0x88: {  	s2 =	sld [smem:$0x3FD9]  }
0x89: {  	s3 =	sld [smem:$0x3FFE];
	_ =	sdelay $0x1  }
0x8a: {  	s1 =	srdreg.scid  }
0x8b: {  	s0 =	sand.u32 $0x1, s1  }
0x8c: {  	s16 =	sshll.u32 s0, $0xA;
	s2 =	sadd.s32 s3, s2  }
0x8d: {  	s2 =	sadd.s32 s2, s16  }
0x8e: {  	[smem:$0x3FB0] =	sst s2  }
0x8f: {  	_ = 	snop  }
0x90: {  	(tm) =	ssettm $0x1  }
0x91: {  	s17 =	sld [smem:$0x3FFB];
	_ =	sdelay $0x3  }
0x92: {  	_ =	strace s17  }
0x93: {  	s2 =	sld [smem:$0x3FFC];
	_ =	sdelay $0x3  }
0x94: {  	_ =	strace s2  }
0x95: {  	s2 =	sld [smem:$0x3FFD];
	_ =	sdelay $0x3  }
0x96: {  	_ =	strace s2  }
0x97: {  	_ =	strace $0x8FFFFFFF  }
0x98: {  	s18 =	sld [smem:$0x3FDB];
	_ =	sdelay $0x1  }
0x99: {  	s19 =	simm.s32 $_scs_section_size  }
0x9a: {  	s4 =	simm.s32 $_size__tile_overlayer_lowered;
	s5 =	simm.s32 $_tile_overlayer_lowered  }
0x9b: {  	s22 =	simm.s32 $0x1BFF;
	s21 =	sshll.u32 s5, $0x1;
	s2 =	sadd.s32 s19, s18  }
0x9c: {  	s6 =	simm.s32 $0x0;
	s20 =	sshll.u32 s4, $0x1;
	s4 =	sadd.s32 s21, s2  }
0x9d: {  	[timem:s6], [sflag:s22] =	dma.local [hbm:s4], s20  }
0x9e: {  	_ =	swait.ge [sflag:s22], s20  }
0x9f: {  	s3 =	ssub.s32 $0x0, s20;
	[sflag:s22] =	ssyncset.done $0x0  }
0xa0: {  	[sflag:s22] =	ssyncadd.s32 s3;
	_ =	sdelay $0x1  }
0xa1: {  	s23 =	simm.s32 $0x1B8B  }
0xa2: {  	_ =	swait.ge [sflag:s23], $0x1  }
0xa3: {  	[sflag:s23] =	ssyncset.done $0x0  }
0xa4: {  	s25 =	simm.s32 $0x1B8E;
	s24 =	sld [smem:$0x3FFE];
	[sflag:s23] =	ssyncadd.s32 $0xFFFFFFFF  }
0xa5: {  	s26 =	simm.s32 $execute0_lowered;
	[smem:$0x3FD2] =	sst s25  }
0xa6: {  	s4 =	sshll.u32 s26, $0x1;
	_ =	strace $0x80000046;
	[dreg:$0x1] =	wrdreg $0xFFFFFFFF  }
0xa7: {  	s28 =	simm.s32 $_size_execute0_lowered;
	s2 =	sadd.s32 s2, s4;
	[dreg:$0x0] =	wrdreg $0x0  }
0xa8: {  	s4 =	sshll.u32 s28, $0x1;
	[dreg:$0x2] =	wrdreg s2  }
0xa9: {  	[dreg:$0x3] =	wrdreg s4  }
0xaa: {  	[dreg:$0x4] =	wrdreg $0xC0  }
0xab: {  	_ =	task [dreg:s6], $0x5FFFF  }
0xac: {  	[dreg:$0x1] =	wrdreg $0xFFFFFFFF  }
0xad: {  	[dreg:$0x0] =	wrdreg $0x60  }
0xae: {  	[dreg:$0x2] =	wrdreg s24  }
0xaf: {  	[dreg:$0x3] =	wrdreg $0x91000  }
0xb0: {  	[dreg:$0x4] =	wrdreg $0x9  }
0xb1: {  	_ =	task.clear_ibuf [dreg:s6], $0x5FFFF;
	_ =	strace $0x90000046  }
0xb2: {  	s29 =	simm.s32 $0x9;
	_ =	strace $0x80000048  }
0xb3: {  	_ =	swait.ge [sflag:s29], $0x1  }
0xb4: {  	[sflag:s29] =	ssyncadd.s32 $0xFFFFFFFF  }
0xb5: {  	_ =	strace $0x90000048  }
0xb6: {  	_ =	sfence  }
0xb7: {  	s30 =	sld [smem:$0x0];
	_ =	sdelay $0x2  }
0xb8: {  	s31 =	sshll.u32 s1, $0xD;
	s1 =	sshrl.u32 s1, $0x2  }
0xb9: {  	s3 =	sand.u32 $0x4000, s31;
	s1 =	sadd.s32 s1, s30  }
0xba: {  	s0 =	sor.u32 s3, s0;
	s1 =	sshll.u32 s1, $0x11  }
0xbb: {  	s0 =	sor.u32 s1, s0  }
0xbc: {  	s0 =	sadd.s32 $0x8F2B, s0  }
0xbd: {  	[sflag:s0] =	ssyncadd.remote.s32 $0x1  }
0xbe: {  	_ =	sfence.sel $0xFFFF  }
0xbf: {  	[dreg:$0x0] =	wrdreg $0xFFFFFFFF;
	(pc) =	sbr.abs _section_cstart, $3  }
0xc0: {  	[dreg:$0x1] =	wrdreg $0xFFFFFFFF  }
0xc1: {  	_ =	task.clear_ibuf [dreg:s6], $0x2FFFF;
	_ =	strace $0x9FFFFFFF  }
0xc2: {  	(tm) =	ssettm $0x7FFFFFFF  }
0xc3: {  	_ =	shalt  }
tec
execute0_lowered:
.L_overlay_start_1:
0x0: {  	(tag) =	ssettag $0x1  }
0x1: {  	s8 =	rddreg [dreg:$0x0]  }
0x2: {  	s1 =	rddreg [dreg:$0x1]  }
0x3: {  	s2 =	srdreg.scid;
	s0 =	rddreg [dreg:$0x2];
	s3 =	simm.s32 $0x0  }
0x4: {  	s16 =	simm.s32 $0x5100;
	s17 =	simm.s32 $0x3;
	s18 =	simm.s32 $0x80  }
0x5: {  	s19 =	simm.s32 $0x50;
	s20 =	simm.s32 $0x100;
	s21 =	simm.s32 $0x2900  }
0x6: {  	s22 =	simm.s32 $0x1;
	s9 =	sand.u32 $0x1, s2;
	s2 =	stileid.u32  }
0x7: {  	s23 =	simm.s32 $0x2;
	[smem:$0x7FF] =	sst s3;
	s6 =	smul.u32 $0x13C000, s9  }
0x8: {  	s4 =	sadd.s32 $0x4FCC00, s8;
	s5 =	sadd.s32 $0x54B000, s8;
	s7 =	smul.u32 $0x13C00, s2  }
0x9: {  	s11 =	smul.u32 $0x4E200, s2;
	s30 =	ssub.s32 $0x2, s9;
	s12 =	sshll.u32 s2, $0x1  }
0xa: {  	_ =	strace $0x80000047;
	s31 =	sshrl.u32 s30, $0x1;
	s13 =	sor.u32 s9, s12  }
0xb: {  	s7 =	sadd.s32 s7, s6;
	s6 =	sadd.s32 $0x10E00, s8;
	s11 =	sshrl.u32 s11, $0x2  }
0xc: {  	s15 =	ssub.s32 s30, s31;
	s13 =	smul.u32 $0x2710, s13;
	s10 =	sshrl.u32 s7, $0x3  }
0xd: {  	s7 =	sadd.s32 $0x7000, s8;
	s14 =	sadd.s32 s10, s8;
	s8 =	sadd.s32 s11, s1  }
0xe: {  	s15 =	smax.u32 s15, $0x1;
	s9 =	sadd.s32 $0x3E80, s8;
	s10 =	sadd.s32 $0x7D00, s8  }
0xf: {  	v0 =	vimm.f32 $0.0e+00;
	s11 =	sadd.s32 $0xBB80, s8;
	s12 =	sadd.s32 $0xFA00, s8;
	s14 =	sadd.s32 $0x1AC00, s14  }
.LBB2_1:
0x10: {  	s24 =	simm.s32 $0x0;
	s25 =	simm.s32 $0x200  }
.LBB2_2:
0x11: {  	p0 =	sne.s32 s25, $0xF800;
	[tilespmem:s24+$0x5170] =	vst v0  }
0x12: {  	[tilespmem:s24+$0x5100] =	vst v0  }
0x13: {  	[tilespmem:s24+$0x5110] =	vst v0  }
.Ltmp0:
0x14: {  	[tilespmem:s24+$0x5120] =	vst v0;
	(pc) =	sbr.rel @p0 .LBB2_2-.Ltmp0, $4  }
0x15: {  	[tilespmem:s24+$0x5130] =	vst v0  }
0x16: {  	[tilespmem:s24+$0x5140] =	vst v0  }
0x17: {  	[tilespmem:s24+$0x5150] =	vst v0  }
0x18: {  	[tilespmem:s24+$0x5160] =	vst v0;
	s24 =	sshra.s32 s25, $0x2;
	s25 =	sadd.s32 $0x200, s25  }
0x19: {  	[tilespmem:s24+$0x5170] =	vst v0  }
0x1a: {  	[tilespmem:s24+$0x5100] =	vst v0  }
0x1b: {  	[tilespmem:s24+$0x5110] =	vst v0  }
0x1c: {  	[tilespmem:s24+$0x5120] =	vst v0  }
0x1d: {  	[tilespmem:s24+$0x5130] =	vst v0  }
0x1e: {  	[tilespmem:s24+$0x5140] =	vst v0  }
0x1f: {  	[tilespmem:s24+$0x5150] =	vst v0  }
0x20: {  	[tilespmem:s24+$0x5160] =	vst v0  }
0x21: {  	[spmem:s8] =	stream.linear.scatter [tilespmem:s16], [sflag:$0x3], $0x3E80, $0x38;
	[tilespmem:$0x1C980] =	vst v63  }
0x22: {  	_ =	swait.ge [sflag:s17], $0x3E80  }
0x23: {  	[sflag:s17] =	ssyncset.done $0x0  }
0x24: {  	[sflag:s17] =	ssyncadd.s32 $0xFFFFC180  }
0x25: {  	[spmem:s9] =	stream.linear.scatter [tilespmem:s16], [sflag:$0x3], $0x3E80, $0x38;
	[tilespmem:$0x1C980] =	vst v63  }
0x26: {  	_ =	swait.ge [sflag:s17], $0x3E80  }
0x27: {  	[sflag:s17] =	ssyncset.done $0x0  }
0x28: {  	[sflag:s17] =	ssyncadd.s32 $0xFFFFC180  }
0x29: {  	[spmem:s10] =	stream.linear.scatter [tilespmem:s16], [sflag:$0x3], $0x3E80, $0x38;
	[tilespmem:$0x1C980] =	vst v63  }
0x2a: {  	_ =	swait.ge [sflag:s17], $0x3E80  }
0x2b: {  	[sflag:s17] =	ssyncset.done $0x0  }
0x2c: {  	[sflag:s17] =	ssyncadd.s32 $0xFFFFC180  }
0x2d: {  	[spmem:s11] =	stream.linear.scatter [tilespmem:s16], [sflag:$0x3], $0x3E80, $0x38;
	[tilespmem:$0x1C980] =	vst v63  }
0x2e: {  	_ =	swait.ge [sflag:s17], $0x3E80  }
0x2f: {  	[sflag:s17] =	ssyncset.done $0x0  }
0x30: {  	[sflag:s17] =	ssyncadd.s32 $0xFFFFC180  }
0x31: {  	[spmem:s12] =	stream.linear.scatter [tilespmem:s16], [sflag:$0x3], $0x3E80, $0x38;
	[tilespmem:$0x1C980] =	vst v63  }
0x32: {  	_ =	swait.ge [sflag:s17], $0x3E80  }
0x33: {  	[sflag:s17] =	ssyncset.done $0x0  }
0x34: {  	[sflag:s17] =	ssyncadd.s32 $0xFFFFC180  }
0x35: {  	s24 =	simm.s32 $0x0;
	s25 =	simm.s32 $0x0;
	[bflag:$0x0] =	sbarrier.arrive $0xFFFF  }
.LBB2_4:
0x36: {  	s26 =	smul.u32 $0x50, s25;
	_ =	sdelay $0x1  }
0x37: {  	s26 =	sadd.s32 s13, s26  }
0x38: {  	s28 =	sshrl.u32 s26, $0x3  }
0x39: {  	s29 =	sadd.s32 s6, s28  }
0x3a: {  	[tilespmem:s24], [sflag:$0x3] =	stream.linear.gather [hbm4b:s29+s24], $0x50, $0x38;
	[tilespmem:$0x1C980] =	vst v63  }
0x3b: {  	_ =	swait.ge [sflag:s17], $0x50  }
0x3c: {  	[sflag:s17] =	ssyncset.done $0x0  }
0x3d: {  	s28 =	sadd.s32 s7, s28;
	[sflag:s17] =	ssyncadd.s32 $0xFFFFFFB0  }
0x3e: {  	[tilespmem:s18], [sflag:$0x3] =	stream.linear.gather [hbm4b:s28+s24], $0x50, $0x38;
	[tilespmem:$0x1C980] =	vst v63  }
0x3f: {  	_ =	swait.ge [sflag:s17], $0x50  }
0x40: {  	[sflag:s17] =	ssyncset.done $0x0  }
0x41: {  	s26 =	sshll.u32 s26, $0x4;
	[sflag:s17] =	ssyncadd.s32 $0xFFFFFFB0  }
0x42: {  	[tilespmem:s20], [sflag:$0x1] =	stream.indirect.gather [hbm4b:s4+s19], $0x80, s24, s19, $0xb8;
	[tilespmem:$0x1C980] =	vst v63  }
0x43: {  	s26 =	sadd.s32 s5, s26  }
0x44: {  	[tilespmem:s21], [sflag:$0x2] =	stream.linear.gather [hbm4b:s26+s24], $0x2800, $0x38;
	[tilespmem:$0x1C980] =	vst v63  }
0x45: {  	_ =	swait.ge [sflag:s22], $0x2800  }
0x46: {  	[sflag:s22] =	ssyncset.done $0x0  }
0x47: {  	[sflag:s22] =	ssyncadd.s32 $0xFFFFD800  }
0x48: {  	_ =	swait.ge [sflag:s23], $0x2800  }
0x49: {  	[sflag:s23] =	ssyncset.done $0x0  }
0x4a: {  	s26 =	simm.s32 $0x0;
	[sflag:s23] =	ssyncadd.s32 $0xFFFFD800  }
0x4b: {  	v7 =	vld [tilespmem:s26+$0x2900]  }
0x4c: {  	v12 =	vld [tilespmem:s26+$0x2910]  }
0x4d: {  	v6 =	vld [tilespmem:s26+$0x2920]  }
0x4e: {  	v5 =	vld [tilespmem:s26+$0x2930]  }
0x4f: {  	v4 =	vld [tilespmem:s26+$0x2940]  }
0x50: {  	v3 =	vld [tilespmem:s26+$0x2950]  }
0x51: {  	v2 =	vld [tilespmem:s26+$0x2960]  }
0x52: {  	v1 =	vld [tilespmem:s26+$0x2970]  }
0x53: {  	v13 =	vld [tilespmem:s26+$0x100]  }
0x54: {  	v14 =	vld [tilespmem:s26+$0x110]  }
0x55: {  	v11 =	vld [tilespmem:s26+$0x120]  }
0x56: {  	v10 =	vld [tilespmem:s26+$0x130]  }
0x57: {  	v9 =	vld [tilespmem:s26+$0x140]  }
0x58: {  	v8 =	vld [tilespmem:s26+$0x150];
	v13 =	vadd.f32 v7, v13  }
0x59: {  	s28 =	simm.s32 $0x200;
	v12 =	vadd.f32 v12, v14;
	v7 =	vld [tilespmem:s26+$0x160]  }
.LBB2_5:
0x5a: {  	s29 =	sshra.s32 s28, $0x2;
	p0 =	sne.s32 s28, $0x9E00;
	v13 =	vmax.f32 v13, $0.0e+00;
	v6 =	vadd.f32 v6, v11;
	v11 =	vld [tilespmem:s26+$0x170]  }
0x5b: {  	v14 =	vld [tilespmem:s29+$0x2900];
	[tilespmem:s26+$0x100] =	vst v13;
	v12 =	vmax.f32 v12, $0.0e+00;
	v5 =	vadd.f32 v5, v10  }
0x5c: {  	v15 =	vld [tilespmem:s29+$0x2910];
	[tilespmem:s26+$0x110] =	vst v12;
	v10 =	vmax.f32 v6, $0.0e+00;
	v4 =	vadd.f32 v4, v9  }
0x5d: {  	v6 =	vld [tilespmem:s29+$0x2920];
	[tilespmem:s26+$0x120] =	vst v10;
	v9 =	vmax.f32 v5, $0.0e+00;
	v3 =	vadd.f32 v3, v8  }
0x5e: {  	v5 =	vld [tilespmem:s29+$0x2930];
	[tilespmem:s26+$0x130] =	vst v9;
	v8 =	vmax.f32 v4, $0.0e+00;
	v2 =	vadd.f32 v2, v7  }
0x5f: {  	v4 =	vld [tilespmem:s29+$0x2940];
	[tilespmem:s26+$0x140] =	vst v8;
	v7 =	vmax.f32 v3, $0.0e+00;
	v1 =	vadd.f32 v1, v11  }
0x60: {  	v3 =	vld [tilespmem:s29+$0x2950];
	[tilespmem:s26+$0x150] =	vst v7;
	v7 =	vmax.f32 v2, $0.0e+00  }
0x61: {  	v2 =	vld [tilespmem:s29+$0x2960];
	[tilespmem:s26+$0x160] =	vst v7;
	v7 =	vmax.f32 v1, $0.0e+00  }
0x62: {  	v1 =	vld [tilespmem:s29+$0x2970];
	[tilespmem:s26+$0x170] =	vst v7;
	s26 =	smov.u32 s29  }
0x63: {  	v7 =	vld [tilespmem:s26+$0x100]  }
0x64: {  	v12 =	vld [tilespmem:s26+$0x110]  }
.Ltmp1:
0x65: {  	v11 =	vld [tilespmem:s26+$0x120];
	(pc) =	sbr.rel @p0 .LBB2_5-.Ltmp1, $4  }
0x66: {  	v10 =	vld [tilespmem:s26+$0x130]  }
0x67: {  	v9 =	vld [tilespmem:s26+$0x140]  }
0x68: {  	v13 =	vadd.f32 v14, v7;
	v8 =	vld [tilespmem:s26+$0x150]  }
0x69: {  	s28 =	sadd.s32 $0x200, s28;
	v12 =	vadd.f32 v15, v12;
	v7 =	vld [tilespmem:s26+$0x160]  }
0x6a: {  	v13 =	vmax.f32 v13, $0.0e+00;
	v6 =	vadd.f32 v6, v11;
	v63 =	vld [tilespmem:s26+$0x170]  }
0x6b: {  	[tilespmem:s26+$0x100] =	vst v13;
	v12 =	vmax.f32 v12, $0.0e+00;
	v5 =	vadd.f32 v5, v10  }
0x6c: {  	[tilespmem:s26+$0x110] =	vst v12;
	v6 =	vmax.f32 v6, $0.0e+00;
	v4 =	vadd.f32 v4, v9  }
0x6d: {  	[tilespmem:s26+$0x120] =	vst v6;
	v5 =	vmax.f32 v5, $0.0e+00;
	v3 =	vadd.f32 v3, v8  }
0x6e: {  	[tilespmem:s26+$0x130] =	vst v5;
	v4 =	vmax.f32 v4, $0.0e+00;
	v2 =	vadd.f32 v2, v7  }
0x6f: {  	[tilespmem:s26+$0x140] =	vst v4;
	v3 =	vmax.f32 v3, $0.0e+00;
	v1 =	vadd.f32 v1, v63  }
0x70: {  	s25 =	sadd.s32 $0x1, s25;
	[tilespmem:s26+$0x150] =	vst v3;
	v2 =	vmax.f32 v2, $0.0e+00  }
0x71: {  	p0 =	sne.s32 s25, $0x7D;
	[tilespmem:s26+$0x160] =	vst v2;
	v1 =	vmax.f32 v1, $0.0e+00  }
.Ltmp2:
0x72: {  	[tilespmem:s26+$0x170] =	vst v1;
	(pc) =	sbr.rel @p0 .LBB2_4-.Ltmp2, $4  }
0x73: {  	[spmem:s1] =	stream.indirect.scatter.add.f32 [tilespmem:s20], [sflag:$0x3], $0x80, s18, s19, $0xb8;
	[tilespmem:$0x1C980] =	vst v63  }
0x74: {  	_ =	swait.ge [sflag:s17], $0x2800  }
0x75: {  	[sflag:s17] =	ssyncset.done $0x0  }
0x76: {  	[sflag:s17] =	ssyncadd.s32 $0xFFFFD800  }
0x77: {  	s3 =	sadd.s32 $0x1, s3  }
0x78: {  	s24 =	sshll.u32 s2, $0x6;
	[bflag:$0x0] =	sbarrier.arrive $0xFFFF;
	p0 =	sne.s32 s3, s15  }
.Ltmp3:
0x79: {  	s25 =	sshrl.u32 s8, $0x3;
	s24 =	sor.u32 $0x1C03, s24;
	(pc) =	sbr.rel @p0 .LBB2_1-.Ltmp3, $4  }
0x7a: {  	[hbm:s14], [sflag:s24] =	dma.local [spmem:s25], $0x2710  }
0x7b: {  	_ =	swait.ge [sflag:s17], $0x2710  }
0x7c: {  	[sflag:s17] =	ssyncset.done $0x0  }
0x7d: {  	[sflag:s17] =	ssyncadd.s32 $0xFFFFD8F0  }
0x7e: {  	_ =	sfence.sel $0x180000  }
0x7f: {  	[bflag:$0x0] =	sbarrier.arrive $0xFFFF  }
0x80: {  	p0 =	sne.s32 s2, $0x0;
	_ =	strace $0x90000047  }
0x81: {  	s0 =	sadd.s32 @!p0 $0x100000, s0;
	[bflag:$0x2] =	sbarrier.arrive $0xFFFF  }
0x82: {  	[sflag:s0] =	ssyncadd.tile.s32 @!p0 $0x1;
	_ =	shalt  }
.Lfunc_end2:
_tile_overlayer_lowered:
.L_overlay_start_2:
0x83: {  	(tag) =	ssettag $0x2  }
0x84: {  	s0 =	rddreg [dreg:$0x0];
	s2 =	stileid.u32  }
0x85: {  	s1 =	rddreg [dreg:$0x1];
	p0 =	sne.s32 s2, $0x0  }
0x86: {  	s3 =	rddreg [dreg:$0x2];
	[bflag:$0x3] =	sbarrier.arrive $0xFFFF;
	s2 =	simm.s32 @!p0 $0x1C03  }
0x87: {  	[timem:s3], [sflag:s2] =	dma.local @!p0 [hbm:s0], s1  }
0x88: {  	s0 =	simm.s32 @!p0 $0x3  }
0x89: {  	_ =	swait.ge @!p0 [sflag:s0], s1  }
0x8a: {  	s1 =	ssub.s32 @!p0 $0x0, s1;
	[sflag:s0] =	ssyncset.done @!p0 $0x0  }
0x8b: {  	[sflag:s0] =	ssyncadd.s32 @!p0 s1  }
0x8c: {  	[bflag:$0x3] =	sbarrier.arrive $0xFFFF  }
0x8d: {  	_ =	shalt  }

// kernel: kernel.14.cloned.1.call-start
scs
__scs_entry_jumppad:
0x0: {  	(pc) =	sbr.rel $0x88, $3  }
0x1: {  	(tag) =	ssettag $0x0;
	lr =	simm.s32 $0x1  }
0x2: {  	[smem:$0x3F89] =	sst lr;
	_ =	strace $0xD0000000  }
0x3: {  	_ = 	snop  }
0x4: {  	_ = 	snop  }
0x5: {  	_ = 	snop  }
0x6: {  	_ = 	snop  }
0x7: {  	_ = 	snop  }
__scs_overlays_trampoline_lowered:
0x8: {  	[smem:$0x3F98] =	sst s0  }
0x9: {  	[smem:$0x3F99] =	sst s1  }
0xa: {  	[smem:$0x3F9A] =	sst s2  }
0xb: {  	[smem:$0x3F9B] =	sst s3  }
0xc: {  	[smem:$0x3F9C] =	sst s4  }
0xd: {  	[smem:$0x3F9D] =	sst s5  }
0xe: {  	[smem:$0x3F9E] =	sst s6  }
0xf: {  	[smem:$0x3F9F] =	sst s7  }
0x10: {  	[smem:$0x3FA0] =	sst s8  }
0x11: {  	[smem:$0x3FA1] =	sst s9;
	s0 =	simm.s32 @!p0 $0x0  }
0x12: {  	s1 =	sld [smem:$0x3F87];
	s0 =	simm.s32 @p0 $0x1  }
0x13: {  	[smem:$0x3FA2] =	sst s0;
	s0 =	simm.s32 @!p1 $0x0  }
0x14: {  	s2 =	sld [smem:$0x3F86];
	s0 =	simm.s32 @p1 $0x1  }
0x15: {  	[smem:$0x3FA3] =	sst s0;
	s0 =	simm.s32 @!p2 $0x0  }
0x16: {  	s3 =	sld [smem:$0x3FDB];
	s0 =	simm.s32 @p2 $0x1  }
0x17: {  	s4 =	simm.s32 $0x1BF5;
	[smem:$0x3FA5] =	sst s0  }
0x18: {  	s0 =	sld [smem:$0x3F88];
	_ =	swait.ge [sflag:s4], $0x0  }
0x19: {  	s7 =	sld [smem:$0x3F89]  }
0x1a: {  	s8 =	sadd.s32 $0xFFFFE003, lr  }
0x1b: {  	s9 =	sadd.s32 $0xFFFFFEF7, lr;
	s5 =	simm.s32 $0xFFFFFFFF;
	p2 =	slt.u32 s8, $0xFFFFF086  }
0x1c: {  	p1 =	slt.u32 s9, $0xF7A;
	s5 =	simm.s32 @!p2 $0x0  }
0x1d: {  	s5 =	simm.s32 @p1 $0x1;
	p0 =	seq.s32 s7, s2  }
0x1e: {  	s7 =	smul.u32 @!p0 $0xF7A, s2;
	p2 =	seq.s32 @!p0 s5, $0x0  }
0x1f: {  	s9 =	smul.u32 $0xF7A, s1;
	s8 =	simm.s32 @!p0 $0x1BF5;
	p2 =	por !p2, p0  }
0x20: {  	[sflag:s8] =	ssyncset.s32 @!p0 $0xFFFFF086;
	s6 =	sadd.s32 @!p0 s3, s7;
	s7 =	simm.s32 @!p0 $0x108  }
0x21: {  	s3 =	sadd.s32 s3, s9;
	s6 =	sadd.s32 @!p0 $0x88, s6;
	s7 =	simm.s32 @p2 $0x1082  }
0x22: {  	[simem:s7], [sflag:s8] =	dma.local @!p0 [hbm:s6], $0xF7A  }
0x23: {  	s9 =	sor.u32 $0xD0000000, s2;
	s6 =	simm.s32 $0x108;
	_ =	swait.ge @!p0 [sflag:s8], $0x0  }
0x24: {  	s3 =	sadd.s32 $0x88, s3;
	s6 =	simm.s32 @!p1 $0x1082;
	[sflag:s4] =	ssyncset.s32 $0xFFFFF086  }
0x25: {  	[simem:s6], [sflag:s4] =	dma.local [hbm:s3], $0xF7A  }
0x26: {  	[smem:$0x3F89] =	sst s1;
	(tag) =	ssettag s2;
	_ =	strace s9  }
0x27: {  	s1 =	sld [smem:$0x3F99]  }
0x28: {  	s2 =	sld [smem:$0x3F9A]  }
0x29: {  	s4 =	sld [smem:$0x3F9C]  }
0x2a: {  	p0 =	seq.s32 s5, $0x0;
	s5 =	sld [smem:$0x3F9D]  }
0x2b: {  	s6 =	sld [smem:$0x3F9E]  }
0x2c: {  	s7 =	sld [smem:$0x3F9F]  }
0x2d: {  	s3 =	simm.s32 $0x108;
	s8 =	sld [smem:$0x3FA0]  }
0x2e: {  	s3 =	simm.s32 @!p0 $0x1082;
	s9 =	sld [smem:$0x3FA1]  }
0x2f: {  	lr =	sadd.s32 s0, s3;
	s0 =	sld [smem:$0x3F98]  }
0x30: {  	s3 =	sld [smem:$0x3F9B]  }
0x31: {  	[smem:$0x3FA4] =	sst s10  }
0x32: {  	s10 =	sld [smem:$0x3FA2];
	_ =	sdelay $0x3  }
0x33: {  	p0 =	seq.s32 s10, $0x1;
	s10 =	sld [smem:$0x3FA4];
	_ =	sdelay $0x3  }
0x34: {  	[smem:$0x3FA4] =	sst s10  }
0x35: {  	s10 =	sld [smem:$0x3FA3];
	_ =	sdelay $0x3  }
0x36: {  	p1 =	seq.s32 s10, $0x1;
	s10 =	sld [smem:$0x3FA4];
	_ =	sdelay $0x3  }
0x37: {  	[smem:$0x3FA4] =	sst s10  }
0x38: {  	s10 =	sld [smem:$0x3FA5]  }
0x39: {  	_ = 	snop;
	(pc) =	sbr.ind lr, $3  }
0x3a: {  	_ = 	snop  }
0x3b: {  	_ = 	snop  }
0x3c: {  	p2 =	seq.s32 s10, $0x1;
	s10 =	sld [smem:$0x3FA4]  }
0x3d: {  	_ =	shalt  }
0x3e: {  	_ =	shalt  }
0x3f: {  	_ =	shalt  }
0x40: {  	_ =	shalt  }
0x41: {  	_ =	shalt  }
0x42: {  	_ =	shalt  }
0x43: {  	_ =	shalt  }
0x44: {  	_ =	shalt  }
0x45: {  	_ =	shalt  }
0x46: {  	_ =	shalt  }
0x47: {  	_ =	shalt  }
0x48: {  	_ =	shalt  }
0x49: {  	_ =	shalt  }
0x4a: {  	_ =	shalt  }
0x4b: {  	_ =	shalt  }
0x4c: {  	_ =	shalt  }
0x4d: {  	_ =	shalt  }
0x4e: {  	_ =	shalt  }
0x4f: {  	_ =	shalt  }
0x50: {  	_ =	shalt  }
0x51: {  	_ =	shalt  }
0x52: {  	_ =	shalt  }
0x53: {  	_ =	shalt  }
0x54: {  	_ =	shalt  }
0x55: {  	_ =	shalt  }
0x56: {  	_ =	shalt  }
0x57: {  	_ =	shalt  }
0x58: {  	_ =	shalt  }
0x59: {  	_ =	shalt  }
0x5a: {  	_ =	shalt  }
0x5b: {  	_ =	shalt  }
0x5c: {  	_ =	shalt  }
0x5d: {  	_ =	shalt  }
0x5e: {  	_ =	shalt  }
0x5f: {  	_ =	shalt  }
0x60: {  	_ =	shalt  }
0x61: {  	_ =	shalt  }
0x62: {  	_ =	shalt  }
0x63: {  	_ =	shalt  }
0x64: {  	_ =	shalt  }
0x65: {  	_ =	shalt  }
0x66: {  	_ =	shalt  }
0x67: {  	_ =	shalt  }
0x68: {  	_ =	shalt  }
0x69: {  	_ =	shalt  }
0x6a: {  	_ =	shalt  }
0x6b: {  	_ =	shalt  }
0x6c: {  	_ =	shalt  }
0x6d: {  	_ =	shalt  }
0x6e: {  	_ =	shalt  }
0x6f: {  	_ =	shalt  }
0x70: {  	_ =	shalt  }
0x71: {  	_ =	shalt  }
0x72: {  	_ =	shalt  }
0x73: {  	_ =	shalt  }
0x74: {  	_ =	shalt  }
0x75: {  	_ =	shalt  }
0x76: {  	_ =	shalt  }
0x77: {  	_ =	shalt  }
0x78: {  	_ =	shalt  }
0x79: {  	_ =	shalt  }
0x7a: {  	_ =	shalt  }
0x7b: {  	_ =	shalt  }
0x7c: {  	_ =	shalt  }
0x7d: {  	_ =	shalt  }
0x7e: {  	_ =	shalt  }
0x7f: {  	_ =	shalt  }
0x80: {  	_ =	shalt  }
0x81: {  	_ =	shalt  }
0x82: {  	_ =	shalt  }
0x83: {  	_ =	shalt  }
0x84: {  	_ =	shalt  }
0x85: {  	_ =	shalt  }
0x86: {  	_ =	shalt  }
0x87: {  	_ =	shalt  }
.Lfunc_end0:
.L_simem_size_0:
called_computation.1_lowered:
.L_overlay_start_0:
0x88: {  	s2 =	sld [smem:$0x3FD9]  }
0x89: {  	s3 =	sld [smem:$0x3FFE];
	_ =	sdelay $0x1  }
0x8a: {  	s1 =	srdreg.scid  }
0x8b: {  	s0 =	sand.u32 $0x1, s1  }
0x8c: {  	s16 =	sshll.u32 s0, $0xA;
	s2 =	sadd.s32 s3, s2  }
0x8d: {  	s2 =	sadd.s32 s2, s16  }
0x8e: {  	[smem:$0x3FB0] =	sst s2  }
0x8f: {  	_ = 	snop  }
0x90: {  	(tm) =	ssettm $0x1  }
0x91: {  	s17 =	sld [smem:$0x3FFB];
	_ =	sdelay $0x3  }
0x92: {  	_ =	strace s17  }
0x93: {  	s2 =	sld [smem:$0x3FFC];
	_ =	sdelay $0x3  }
0x94: {  	_ =	strace s2  }
0x95: {  	s2 =	sld [smem:$0x3FFD];
	_ =	sdelay $0x3  }
0x96: {  	_ =	strace s2  }
0x97: {  	_ =	strace $0x8FFFFFFF  }
0x98: {  	s18 =	sld [smem:$0x3FDB];
	_ =	sdelay $0x1  }
0x99: {  	s19 =	simm.s32 $_scs_section_size  }
0x9a: {  	s4 =	simm.s32 $_size__tile_overlayer_lowered;
	s5 =	simm.s32 $_tile_overlayer_lowered  }
0x9b: {  	s22 =	simm.s32 $0x1BFF;
	s21 =	sshll.u32 s5, $0x1;
	s2 =	sadd.s32 s19, s18  }
0x9c: {  	s6 =	simm.s32 $0x0;
	s20 =	sshll.u32 s4, $0x1;
	s4 =	sadd.s32 s21, s2  }
0x9d: {  	[timem:s6], [sflag:s22] =	dma.local [hbm:s4], s20  }
0x9e: {  	_ =	swait.ge [sflag:s22], s20  }
0x9f: {  	s3 =	ssub.s32 $0x0, s20;
	[sflag:s22] =	ssyncset.done $0x0  }
0xa0: {  	[sflag:s22] =	ssyncadd.s32 s3;
	_ =	sdelay $0x1  }
0xa1: {  	s23 =	simm.s32 $0x1B8B  }
0xa2: {  	_ =	swait.ge [sflag:s23], $0x1  }
0xa3: {  	[sflag:s23] =	ssyncset.done $0x0  }
0xa4: {  	s25 =	simm.s32 $0x1B8E;
	s24 =	sld [smem:$0x3FFE];
	[sflag:s23] =	ssyncadd.s32 $0xFFFFFFFF  }
0xa5: {  	s26 =	simm.s32 $execute0_lowered;
	[smem:$0x3FD2] =	sst s25  }
0xa6: {  	s4 =	sshll.u32 s26, $0x1;
	_ =	strace $0x80000049;
	[dreg:$0x1] =	wrdreg $0xFFFFFFFF  }
0xa7: {  	s28 =	simm.s32 $_size_execute0_lowered;
	s2 =	sadd.s32 s2, s4;
	[dreg:$0x0] =	wrdreg $0x0  }
0xa8: {  	s4 =	sshll.u32 s28, $0x1;
	[dreg:$0x2] =	wrdreg s2  }
0xa9: {  	[dreg:$0x3] =	wrdreg s4  }
0xaa: {  	[dreg:$0x4] =	wrdreg $0xC0  }
0xab: {  	_ =	task [dreg:s6], $0x5FFFF  }
0xac: {  	[dreg:$0x1] =	wrdreg $0xFFFFFFFF  }
0xad: {  	[dreg:$0x0] =	wrdreg $0x60  }
0xae: {  	[dreg:$0x2] =	wrdreg s24  }
0xaf: {  	[dreg:$0x3] =	wrdreg $0x91000  }
0xb0: {  	[dreg:$0x4] =	wrdreg $0x9  }
0xb1: {  	_ =	task.clear_ibuf [dreg:s6], $0x5FFFF;
	_ =	strace $0x90000049  }
0xb2: {  	s29 =	simm.s32 $0x9;
	_ =	strace $0x8000004B  }
0xb3: {  	_ =	swait.ge [sflag:s29], $0x1  }
0xb4: {  	[sflag:s29] =	ssyncadd.s32 $0xFFFFFFFF  }
0xb5: {  	_ =	strace $0x9000004B  }
0xb6: {  	_ =	sfence  }
0xb7: {  	s30 =	sld [smem:$0x0];
	_ =	sdelay $0x2  }
0xb8: {  	s31 =	sshll.u32 s1, $0xD;
	s1 =	sshrl.u32 s1, $0x2  }
0xb9: {  	s3 =	sand.u32 $0x4000, s31;
	s1 =	sadd.s32 s1, s30  }
0xba: {  	s0 =	sor.u32 s3, s0;
	s1 =	sshll.u32 s1, $0x11  }
0xbb: {  	s0 =	sor.u32 s1, s0  }
0xbc: {  	s0 =	sadd.s32 $0x8F2B, s0  }
0xbd: {  	[sflag:s0] =	ssyncadd.remote.s32 $0x1  }
0xbe: {  	_ =	sfence.sel $0xFFFF  }
0xbf: {  	[dreg:$0x0] =	wrdreg $0xFFFFFFFF;
	(pc) =	sbr.abs _section_cstart, $3  }
0xc0: {  	[dreg:$0x1] =	wrdreg $0xFFFFFFFF  }
0xc1: {  	_ =	task.clear_ibuf [dreg:s6], $0x2FFFF;
	_ =	strace $0x9FFFFFFF  }
0xc2: {  	(tm) =	ssettm $0x7FFFFFFF  }
0xc3: {  	_ =	shalt  }
tec
execute0_lowered:
.L_overlay_start_1:
0x0: {  	(tag) =	ssettag $0x1  }
0x1: {  	s8 =	rddreg [dreg:$0x0]  }
0x2: {  	s1 =	rddreg [dreg:$0x1]  }
0x3: {  	s2 =	srdreg.scid;
	s0 =	rddreg [dreg:$0x2];
	s3 =	simm.s32 $0x0  }
0x4: {  	s16 =	simm.s32 $0x5100;
	s17 =	simm.s32 $0x3;
	s18 =	simm.s32 $0x80  }
0x5: {  	s19 =	simm.s32 $0x50;
	s20 =	simm.s32 $0x100;
	s21 =	simm.s32 $0x2900  }
0x6: {  	s22 =	simm.s32 $0x1;
	s9 =	sand.u32 $0x1, s2;
	s2 =	stileid.u32  }
0x7: {  	s23 =	simm.s32 $0x2;
	[smem:$0x7FF] =	sst s3;
	s6 =	smul.u32 $0x13C000, s9  }
0x8: {  	s4 =	sadd.s32 $0x1AC00, s8;
	s5 =	sadd.s32 $0xA2D000, s8;
	s7 =	smul.u32 $0x13C00, s2  }
0x9: {  	s11 =	smul.u32 $0x4E200, s2;
	s30 =	ssub.s32 $0x2, s9;
	s12 =	sshll.u32 s2, $0x1  }
0xa: {  	_ =	strace $0x8000004A;
	s31 =	sshrl.u32 s30, $0x1;
	s13 =	sor.u32 s9, s12  }
0xb: {  	s7 =	sadd.s32 s7, s6;
	s6 =	sadd.s32 $0x10E00, s8;
	s11 =	sshrl.u32 s11, $0x2  }
0xc: {  	s15 =	ssub.s32 s30, s31;
	s13 =	smul.u32 $0x2710, s13;
	s10 =	sshrl.u32 s7, $0x3  }
0xd: {  	s7 =	sadd.s32 $0x7000, s8;
	s14 =	sadd.s32 s10, s8;
	s8 =	sadd.s32 s11, s1  }
0xe: {  	s15 =	smax.u32 s15, $0x1;
	s9 =	sadd.s32 $0x3E80, s8;
	s10 =	sadd.s32 $0x7D00, s8  }
0xf: {  	v0 =	vimm.f32 $0.0e+00;
	s11 =	sadd.s32 $0xBB80, s8;
	s12 =	sadd.s32 $0xFA00, s8;
	s14 =	sadd.s32 $0x69000, s14  }
.LBB2_1:
0x10: {  	s24 =	simm.s32 $0x0;
	s25 =	simm.s32 $0x200  }
.LBB2_2:
0x11: {  	p0 =	sne.s32 s25, $0xF800;
	[tilespmem:s24+$0x5170] =	vst v0  }
0x12: {  	[tilespmem:s24+$0x5100] =	vst v0  }
0x13: {  	[tilespmem:s24+$0x5110] =	vst v0  }
.Ltmp0:
0x14: {  	[tilespmem:s24+$0x5120] =	vst v0;
	(pc) =	sbr.rel @p0 .LBB2_2-.Ltmp0, $4  }
0x15: {  	[tilespmem:s24+$0x5130] =	vst v0  }
0x16: {  	[tilespmem:s24+$0x5140] =	vst v0  }
0x17: {  	[tilespmem:s24+$0x5150] =	vst v0  }
0x18: {  	[tilespmem:s24+$0x5160] =	vst v0;
	s24 =	sshra.s32 s25, $0x2;
	s25 =	sadd.s32 $0x200, s25  }
0x19: {  	[tilespmem:s24+$0x5170] =	vst v0  }
0x1a: {  	[tilespmem:s24+$0x5100] =	vst v0  }
0x1b: {  	[tilespmem:s24+$0x5110] =	vst v0  }
0x1c: {  	[tilespmem:s24+$0x5120] =	vst v0  }
0x1d: {  	[tilespmem:s24+$0x5130] =	vst v0  }
0x1e: {  	[tilespmem:s24+$0x5140] =	vst v0  }
0x1f: {  	[tilespmem:s24+$0x5150] =	vst v0  }
0x20: {  	[tilespmem:s24+$0x5160] =	vst v0  }
0x21: {  	[spmem:s8] =	stream.linear.scatter [tilespmem:s16], [sflag:$0x3], $0x3E80, $0x38;
	[tilespmem:$0x1C980] =	vst v63  }
0x22: {  	_ =	swait.ge [sflag:s17], $0x3E80  }
0x23: {  	[sflag:s17] =	ssyncset.done $0x0  }
0x24: {  	[sflag:s17] =	ssyncadd.s32 $0xFFFFC180  }
0x25: {  	[spmem:s9] =	stream.linear.scatter [tilespmem:s16], [sflag:$0x3], $0x3E80, $0x38;
	[tilespmem:$0x1C980] =	vst v63  }
0x26: {  	_ =	swait.ge [sflag:s17], $0x3E80  }
0x27: {  	[sflag:s17] =	ssyncset.done $0x0  }
0x28: {  	[sflag:s17] =	ssyncadd.s32 $0xFFFFC180  }
0x29: {  	[spmem:s10] =	stream.linear.scatter [tilespmem:s16], [sflag:$0x3], $0x3E80, $0x38;
	[tilespmem:$0x1C980] =	vst v63  }
0x2a: {  	_ =	swait.ge [sflag:s17], $0x3E80  }
0x2b: {  	[sflag:s17] =	ssyncset.done $0x0  }
0x2c: {  	[sflag:s17] =	ssyncadd.s32 $0xFFFFC180  }
0x2d: {  	[spmem:s11] =	stream.linear.scatter [tilespmem:s16], [sflag:$0x3], $0x3E80, $0x38;
	[tilespmem:$0x1C980] =	vst v63  }
0x2e: {  	_ =	swait.ge [sflag:s17], $0x3E80  }
0x2f: {  	[sflag:s17] =	ssyncset.done $0x0  }
0x30: {  	[sflag:s17] =	ssyncadd.s32 $0xFFFFC180  }
0x31: {  	[spmem:s12] =	stream.linear.scatter [tilespmem:s16], [sflag:$0x3], $0x3E80, $0x38;
	[tilespmem:$0x1C980] =	vst v63  }
0x32: {  	_ =	swait.ge [sflag:s17], $0x3E80  }
0x33: {  	[sflag:s17] =	ssyncset.done $0x0  }
0x34: {  	[sflag:s17] =	ssyncadd.s32 $0xFFFFC180  }
0x35: {  	s24 =	simm.s32 $0x0;
	s25 =	simm.s32 $0x0;
	[bflag:$0x0] =	sbarrier.arrive $0xFFFF  }
.LBB2_4:
0x36: {  	s26 =	smul.u32 $0x50, s25;
	_ =	sdelay $0x1  }
0x37: {  	s26 =	sadd.s32 s13, s26  }
0x38: {  	s28 =	sshrl.u32 s26, $0x3  }
0x39: {  	s29 =	sadd.s32 s6, s28  }
0x3a: {  	[tilespmem:s24], [sflag:$0x3] =	stream.linear.gather [hbm4b:s29+s24], $0x50, $0x38;
	[tilespmem:$0x1C980] =	vst v63  }
0x3b: {  	_ =	swait.ge [sflag:s17], $0x50  }
0x3c: {  	[sflag:s17] =	ssyncset.done $0x0  }
0x3d: {  	s28 =	sadd.s32 s7, s28;
	[sflag:s17] =	ssyncadd.s32 $0xFFFFFFB0  }
0x3e: {  	[tilespmem:s18], [sflag:$0x3] =	stream.linear.gather [hbm4b:s28+s24], $0x50, $0x38;
	[tilespmem:$0x1C980] =	vst v63  }
0x3f: {  	_ =	swait.ge [sflag:s17], $0x50  }
0x40: {  	[sflag:s17] =	ssyncset.done $0x0  }
0x41: {  	s26 =	sshll.u32 s26, $0x4;
	[sflag:s17] =	ssyncadd.s32 $0xFFFFFFB0  }
0x42: {  	[tilespmem:s20], [sflag:$0x1] =	stream.indirect.gather [hbm4b:s4+s19], $0x80, s24, s19, $0xb8;
	[tilespmem:$0x1C980] =	vst v63  }
0x43: {  	s26 =	sadd.s32 s5, s26  }
0x44: {  	[tilespmem:s21], [sflag:$0x2] =	stream.linear.gather [hbm4b:s26+s24], $0x2800, $0x38;
	[tilespmem:$0x1C980] =	vst v63  }
0x45: {  	_ =	swait.ge [sflag:s22], $0x2800  }
0x46: {  	[sflag:s22] =	ssyncset.done $0x0  }
0x47: {  	[sflag:s22] =	ssyncadd.s32 $0xFFFFD800  }
0x48: {  	_ =	swait.ge [sflag:s23], $0x2800  }
0x49: {  	[sflag:s23] =	ssyncset.done $0x0  }
0x4a: {  	s26 =	simm.s32 $0x0;
	[sflag:s23] =	ssyncadd.s32 $0xFFFFD800  }
0x4b: {  	v7 =	vld [tilespmem:s26+$0x2900]  }
0x4c: {  	v12 =	vld [tilespmem:s26+$0x2910]  }
0x4d: {  	v6 =	vld [tilespmem:s26+$0x2920]  }
0x4e: {  	v5 =	vld [tilespmem:s26+$0x2930]  }
0x4f: {  	v4 =	vld [tilespmem:s26+$0x2940]  }
0x50: {  	v3 =	vld [tilespmem:s26+$0x2950]  }
0x51: {  	v2 =	vld [tilespmem:s26+$0x2960]  }
0x52: {  	v1 =	vld [tilespmem:s26+$0x2970]  }
0x53: {  	v13 =	vld [tilespmem:s26+$0x100]  }
0x54: {  	v14 =	vld [tilespmem:s26+$0x110]  }
0x55: {  	v11 =	vld [tilespmem:s26+$0x120]  }
0x56: {  	v10 =	vld [tilespmem:s26+$0x130]  }
0x57: {  	v9 =	vld [tilespmem:s26+$0x140]  }
0x58: {  	v8 =	vld [tilespmem:s26+$0x150];
	v13 =	vadd.f32 v7, v13  }
0x59: {  	s28 =	simm.s32 $0x200;
	v12 =	vadd.f32 v12, v14;
	v7 =	vld [tilespmem:s26+$0x160]  }
.LBB2_5:
0x5a: {  	s29 =	sshra.s32 s28, $0x2;
	p0 =	sne.s32 s28, $0x9E00;
	v13 =	vmax.f32 v13, $0.0e+00;
	v6 =	vadd.f32 v6, v11;
	v11 =	vld [tilespmem:s26+$0x170]  }
0x5b: {  	v14 =	vld [tilespmem:s29+$0x2900];
	[tilespmem:s26+$0x100] =	vst v13;
	v12 =	vmax.f32 v12, $0.0e+00;
	v5 =	vadd.f32 v5, v10  }
0x5c: {  	v15 =	vld [tilespmem:s29+$0x2910];
	[tilespmem:s26+$0x110] =	vst v12;
	v10 =	vmax.f32 v6, $0.0e+00;
	v4 =	vadd.f32 v4, v9  }
0x5d: {  	v6 =	vld [tilespmem:s29+$0x2920];
	[tilespmem:s26+$0x120] =	vst v10;
	v9 =	vmax.f32 v5, $0.0e+00;
	v3 =	vadd.f32 v3, v8  }
0x5e: {  	v5 =	vld [tilespmem:s29+$0x2930];
	[tilespmem:s26+$0x130] =	vst v9;
	v8 =	vmax.f32 v4, $0.0e+00;
	v2 =	vadd.f32 v2, v7  }
0x5f: {  	v4 =	vld [tilespmem:s29+$0x2940];
	[tilespmem:s26+$0x140] =	vst v8;
	v7 =	vmax.f32 v3, $0.0e+00;
	v1 =	vadd.f32 v1, v11  }
0x60: {  	v3 =	vld [tilespmem:s29+$0x2950];
	[tilespmem:s26+$0x150] =	vst v7;
	v7 =	vmax.f32 v2, $0.0e+00  }
0x61: {  	v2 =	vld [tilespmem:s29+$0x2960];
	[tilespmem:s26+$0x160] =	vst v7;
	v7 =	vmax.f32 v1, $0.0e+00  }
0x62: {  	v1 =	vld [tilespmem:s29+$0x2970];
	[tilespmem:s26+$0x170] =	vst v7;
	s26 =	smov.u32 s29  }
0x63: {  	v7 =	vld [tilespmem:s26+$0x100]  }
0x64: {  	v12 =	vld [tilespmem:s26+$0x110]  }
.Ltmp1:
0x65: {  	v11 =	vld [tilespmem:s26+$0x120];
	(pc) =	sbr.rel @p0 .LBB2_5-.Ltmp1, $4  }
0x66: {  	v10 =	vld [tilespmem:s26+$0x130]  }
0x67: {  	v9 =	vld [tilespmem:s26+$0x140]  }
0x68: {  	v13 =	vadd.f32 v14, v7;
	v8 =	vld [tilespmem:s26+$0x150]  }
0x69: {  	s28 =	sadd.s32 $0x200, s28;
	v12 =	vadd.f32 v15, v12;
	v7 =	vld [tilespmem:s26+$0x160]  }
0x6a: {  	v13 =	vmax.f32 v13, $0.0e+00;
	v6 =	vadd.f32 v6, v11;
	v63 =	vld [tilespmem:s26+$0x170]  }
0x6b: {  	[tilespmem:s26+$0x100] =	vst v13;
	v12 =	vmax.f32 v12, $0.0e+00;
	v5 =	vadd.f32 v5, v10  }
0x6c: {  	[tilespmem:s26+$0x110] =	vst v12;
	v6 =	vmax.f32 v6, $0.0e+00;
	v4 =	vadd.f32 v4, v9  }
0x6d: {  	[tilespmem:s26+$0x120] =	vst v6;
	v5 =	vmax.f32 v5, $0.0e+00;
	v3 =	vadd.f32 v3, v8  }
0x6e: {  	[tilespmem:s26+$0x130] =	vst v5;
	v4 =	vmax.f32 v4, $0.0e+00;
	v2 =	vadd.f32 v2, v7  }
0x6f: {  	[tilespmem:s26+$0x140] =	vst v4;
	v3 =	vmax.f32 v3, $0.0e+00;
	v1 =	vadd.f32 v1, v63  }
0x70: {  	s25 =	sadd.s32 $0x1, s25;
	[tilespmem:s26+$0x150] =	vst v3;
	v2 =	vmax.f32 v2, $0.0e+00  }
0x71: {  	p0 =	sne.s32 s25, $0x7D;
	[tilespmem:s26+$0x160] =	vst v2;
	v1 =	vmax.f32 v1, $0.0e+00  }
.Ltmp2:
0x72: {  	[tilespmem:s26+$0x170] =	vst v1;
	(pc) =	sbr.rel @p0 .LBB2_4-.Ltmp2, $4  }
0x73: {  	[spmem:s1] =	stream.indirect.scatter.add.f32 [tilespmem:s20], [sflag:$0x3], $0x80, s18, s19, $0xb8;
	[tilespmem:$0x1C980] =	vst v63  }
0x74: {  	_ =	swait.ge [sflag:s17], $0x2800  }
0x75: {  	[sflag:s17] =	ssyncset.done $0x0  }
0x76: {  	[sflag:s17] =	ssyncadd.s32 $0xFFFFD800  }
0x77: {  	s3 =	sadd.s32 $0x1, s3  }
0x78: {  	s24 =	sshll.u32 s2, $0x6;
	[bflag:$0x0] =	sbarrier.arrive $0xFFFF;
	p0 =	sne.s32 s3, s15  }
.Ltmp3:
0x79: {  	s25 =	sshrl.u32 s8, $0x3;
	s24 =	sor.u32 $0x1C03, s24;
	(pc) =	sbr.rel @p0 .LBB2_1-.Ltmp3, $4  }
0x7a: {  	[hbm:s14], [sflag:s24] =	dma.local [spmem:s25], $0x2710  }
0x7b: {  	_ =	swait.ge [sflag:s17], $0x2710  }
0x7c: {  	[sflag:s17] =	ssyncset.done $0x0  }
0x7d: {  	[sflag:s17] =	ssyncadd.s32 $0xFFFFD8F0  }
0x7e: {  	_ =	sfence.sel $0x180000  }
0x7f: {  	[bflag:$0x0] =	sbarrier.arrive $0xFFFF  }
0x80: {  	p0 =	sne.s32 s2, $0x0;
	_ =	strace $0x9000004A  }
0x81: {  	s0 =	sadd.s32 @!p0 $0x100000, s0;
	[bflag:$0x2] =	sbarrier.arrive $0xFFFF  }
0x82: {  	[sflag:s0] =	ssyncadd.tile.s32 @!p0 $0x1;
	_ =	shalt  }
.Lfunc_end2:
_tile_overlayer_lowered:
.L_overlay_start_2:
0x83: {  	(tag) =	ssettag $0x2  }
0x84: {  	s0 =	rddreg [dreg:$0x0];
	s2 =	stileid.u32  }
0x85: {  	s1 =	rddreg [dreg:$0x1];
	p0 =	sne.s32 s2, $0x0  }
0x86: {  	s3 =	rddreg [dreg:$0x2];
	[bflag:$0x3] =	sbarrier.arrive $0xFFFF;
	s2 =	simm.s32 @!p0 $0x1C03  }
0x87: {  	[timem:s3], [sflag:s2] =	dma.local @!p0 [hbm:s0], s1  }
0x88: {  	s0 =	simm.s32 @!p0 $0x3  }
0x89: {  	_ =	swait.ge @!p0 [sflag:s0], s1  }
0x8a: {  	s1 =	ssub.s32 @!p0 $0x0, s1;
	[sflag:s0] =	ssyncset.done @!p0 $0x0  }
0x8b: {  	[sflag:s0] =	ssyncadd.s32 @!p0 s1  }
0x8c: {  	[bflag:$0x3] =	sbarrier.arrive $0xFFFF  }
0x8d: {  	_ =	shalt  }

// kernel: kernel.17.cloned.1.call-start
scs
__scs_entry_jumppad:
0x0: {  	(pc) =	sbr.rel $0x88, $3  }
0x1: {  	(tag) =	ssettag $0x0;
	lr =	simm.s32 $0x1  }
0x2: {  	[smem:$0x3F89] =	sst lr;
	_ =	strace $0xD0000000  }
0x3: {  	_ = 	snop  }
0x4: {  	_ = 	snop  }
0x5: {  	_ = 	snop  }
0x6: {  	_ = 	snop  }
0x7: {  	_ = 	snop  }
__scs_overlays_trampoline_lowered:
0x8: {  	[smem:$0x3F98] =	sst s0  }
0x9: {  	[smem:$0x3F99] =	sst s1  }
0xa: {  	[smem:$0x3F9A] =	sst s2  }
0xb: {  	[smem:$0x3F9B] =	sst s3  }
0xc: {  	[smem:$0x3F9C] =	sst s4  }
0xd: {  	[smem:$0x3F9D] =	sst s5  }
0xe: {  	[smem:$0x3F9E] =	sst s6  }
0xf: {  	[smem:$0x3F9F] =	sst s7  }
0x10: {  	[smem:$0x3FA0] =	sst s8  }
0x11: {  	[smem:$0x3FA1] =	sst s9;
	s0 =	simm.s32 @!p0 $0x0  }
0x12: {  	s1 =	sld [smem:$0x3F87];
	s0 =	simm.s32 @p0 $0x1  }
0x13: {  	[smem:$0x3FA2] =	sst s0;
	s0 =	simm.s32 @!p1 $0x0  }
0x14: {  	s2 =	sld [smem:$0x3F86];
	s0 =	simm.s32 @p1 $0x1  }
0x15: {  	[smem:$0x3FA3] =	sst s0;
	s0 =	simm.s32 @!p2 $0x0  }
0x16: {  	s3 =	sld [smem:$0x3FDB];
	s0 =	simm.s32 @p2 $0x1  }
0x17: {  	s4 =	simm.s32 $0x1BF5;
	[smem:$0x3FA5] =	sst s0  }
0x18: {  	s0 =	sld [smem:$0x3F88];
	_ =	swait.ge [sflag:s4], $0x0  }
0x19: {  	s7 =	sld [smem:$0x3F89]  }
0x1a: {  	s8 =	sadd.s32 $0xFFFFE003, lr  }
0x1b: {  	s9 =	sadd.s32 $0xFFFFFEF7, lr;
	s5 =	simm.s32 $0xFFFFFFFF;
	p2 =	slt.u32 s8, $0xFFFFF086  }
0x1c: {  	p1 =	slt.u32 s9, $0xF7A;
	s5 =	simm.s32 @!p2 $0x0  }
0x1d: {  	s5 =	simm.s32 @p1 $0x1;
	p0 =	seq.s32 s7, s2  }
0x1e: {  	s7 =	smul.u32 @!p0 $0xF7A, s2;
	p2 =	seq.s32 @!p0 s5, $0x0  }
0x1f: {  	s9 =	smul.u32 $0xF7A, s1;
	s8 =	simm.s32 @!p0 $0x1BF5;
	p2 =	por !p2, p0  }
0x20: {  	[sflag:s8] =	ssyncset.s32 @!p0 $0xFFFFF086;
	s6 =	sadd.s32 @!p0 s3, s7;
	s7 =	simm.s32 @!p0 $0x108  }
0x21: {  	s3 =	sadd.s32 s3, s9;
	s6 =	sadd.s32 @!p0 $0x88, s6;
	s7 =	simm.s32 @p2 $0x1082  }
0x22: {  	[simem:s7], [sflag:s8] =	dma.local @!p0 [hbm:s6], $0xF7A  }
0x23: {  	s9 =	sor.u32 $0xD0000000, s2;
	s6 =	simm.s32 $0x108;
	_ =	swait.ge @!p0 [sflag:s8], $0x0  }
0x24: {  	s3 =	sadd.s32 $0x88, s3;
	s6 =	simm.s32 @!p1 $0x1082;
	[sflag:s4] =	ssyncset.s32 $0xFFFFF086  }
0x25: {  	[simem:s6], [sflag:s4] =	dma.local [hbm:s3], $0xF7A  }
0x26: {  	[smem:$0x3F89] =	sst s1;
	(tag) =	ssettag s2;
	_ =	strace s9  }
0x27: {  	s1 =	sld [smem:$0x3F99]  }
0x28: {  	s2 =	sld [smem:$0x3F9A]  }
0x29: {  	s4 =	sld [smem:$0x3F9C]  }
0x2a: {  	p0 =	seq.s32 s5, $0x0;
	s5 =	sld [smem:$0x3F9D]  }
0x2b: {  	s6 =	sld [smem:$0x3F9E]  }
0x2c: {  	s7 =	sld [smem:$0x3F9F]  }
0x2d: {  	s3 =	simm.s32 $0x108;
	s8 =	sld [smem:$0x3FA0]  }
0x2e: {  	s3 =	simm.s32 @!p0 $0x1082;
	s9 =	sld [smem:$0x3FA1]  }
0x2f: {  	lr =	sadd.s32 s0, s3;
	s0 =	sld [smem:$0x3F98]  }
0x30: {  	s3 =	sld [smem:$0x3F9B]  }
0x31: {  	[smem:$0x3FA4] =	sst s10  }
0x32: {  	s10 =	sld [smem:$0x3FA2];
	_ =	sdelay $0x3  }
0x33: {  	p0 =	seq.s32 s10, $0x1;
	s10 =	sld [smem:$0x3FA4];
	_ =	sdelay $0x3  }
0x34: {  	[smem:$0x3FA4] =	sst s10  }
0x35: {  	s10 =	sld [smem:$0x3FA3];
	_ =	sdelay $0x3  }
0x36: {  	p1 =	seq.s32 s10, $0x1;
	s10 =	sld [smem:$0x3FA4];
	_ =	sdelay $0x3  }
0x37: {  	[smem:$0x3FA4] =	sst s10  }
0x38: {  	s10 =	sld [smem:$0x3FA5]  }
0x39: {  	_ = 	snop;
	(pc) =	sbr.ind lr, $3  }
0x3a: {  	_ = 	snop  }
0x3b: {  	_ = 	snop  }
0x3c: {  	p2 =	seq.s32 s10, $0x1;
	s10 =	sld [smem:$0x3FA4]  }
0x3d: {  	_ =	shalt  }
0x3e: {  	_ =	shalt  }
0x3f: {  	_ =	shalt  }
0x40: {  	_ =	shalt  }
0x41: {  	_ =	shalt  }
0x42: {  	_ =	shalt  }
0x43: {  	_ =	shalt  }
0x44: {  	_ =	shalt  }
0x45: {  	_ =	shalt  }
0x46: {  	_ =	shalt  }
0x47: {  	_ =	shalt  }
0x48: {  	_ =	shalt  }
0x49: {  	_ =	shalt  }
0x4a: {  	_ =	shalt  }
0x4b: {  	_ =	shalt  }
0x4c: {  	_ =	shalt  }
0x4d: {  	_ =	shalt  }
0x4e: {  	_ =	shalt  }
0x4f: {  	_ =	shalt  }
0x50: {  	_ =	shalt  }
0x51: {  	_ =	shalt  }
0x52: {  	_ =	shalt  }
0x53: {  	_ =	shalt  }
0x54: {  	_ =	shalt  }
0x55: {  	_ =	shalt  }
0x56: {  	_ =	shalt  }
0x57: {  	_ =	shalt  }
0x58: {  	_ =	shalt  }
0x59: {  	_ =	shalt  }
0x5a: {  	_ =	shalt  }
0x5b: {  	_ =	shalt  }
0x5c: {  	_ =	shalt  }
0x5d: {  	_ =	shalt  }
0x5e: {  	_ =	shalt  }
0x5f: {  	_ =	shalt  }
0x60: {  	_ =	shalt  }
0x61: {  	_ =	shalt  }
0x62: {  	_ =	shalt  }
0x63: {  	_ =	shalt  }
0x64: {  	_ =	shalt  }
0x65: {  	_ =	shalt  }
0x66: {  	_ =	shalt  }
0x67: {  	_ =	shalt  }
0x68: {  	_ =	shalt  }
0x69: {  	_ =	shalt  }
0x6a: {  	_ =	shalt  }
0x6b: {  	_ =	shalt  }
0x6c: {  	_ =	shalt  }
0x6d: {  	_ =	shalt  }
0x6e: {  	_ =	shalt  }
0x6f: {  	_ =	shalt  }
0x70: {  	_ =	shalt  }
0x71: {  	_ =	shalt  }
0x72: {  	_ =	shalt  }
0x73: {  	_ =	shalt  }
0x74: {  	_ =	shalt  }
0x75: {  	_ =	shalt  }
0x76: {  	_ =	shalt  }
0x77: {  	_ =	shalt  }
0x78: {  	_ =	shalt  }
0x79: {  	_ =	shalt  }
0x7a: {  	_ =	shalt  }
0x7b: {  	_ =	shalt  }
0x7c: {  	_ =	shalt  }
0x7d: {  	_ =	shalt  }
0x7e: {  	_ =	shalt  }
0x7f: {  	_ =	shalt  }
0x80: {  	_ =	shalt  }
0x81: {  	_ =	shalt  }
0x82: {  	_ =	shalt  }
0x83: {  	_ =	shalt  }
0x84: {  	_ =	shalt  }
0x85: {  	_ =	shalt  }
0x86: {  	_ =	shalt  }
0x87: {  	_ =	shalt  }
.Lfunc_end0:
.L_simem_size_0:
called_computation.2_lowered:
.L_overlay_start_0:
0x88: {  	s2 =	sld [smem:$0x3FD9]  }
0x89: {  	s3 =	sld [smem:$0x3FFE];
	_ =	sdelay $0x1  }
0x8a: {  	s1 =	srdreg.scid  }
0x8b: {  	s0 =	sand.u32 $0x1, s1  }
0x8c: {  	s16 =	sshll.u32 s0, $0xA;
	s2 =	sadd.s32 s3, s2  }
0x8d: {  	s2 =	sadd.s32 s2, s16  }
0x8e: {  	[smem:$0x3FB0] =	sst s2  }
0x8f: {  	_ = 	snop  }
0x90: {  	(tm) =	ssettm $0x1  }
0x91: {  	s17 =	sld [smem:$0x3FFB];
	_ =	sdelay $0x3  }
0x92: {  	_ =	strace s17  }
0x93: {  	s2 =	sld [smem:$0x3FFC];
	_ =	sdelay $0x3  }
0x94: {  	_ =	strace s2  }
0x95: {  	s2 =	sld [smem:$0x3FFD];
	_ =	sdelay $0x3  }
0x96: {  	_ =	strace s2  }
0x97: {  	_ =	strace $0x8FFFFFFF  }
0x98: {  	s18 =	sld [smem:$0x3FDB];
	_ =	sdelay $0x1  }
0x99: {  	s19 =	simm.s32 $_scs_section_size  }
0x9a: {  	s4 =	simm.s32 $_size__tile_overlayer_lowered;
	s5 =	simm.s32 $_tile_overlayer_lowered  }
0x9b: {  	s22 =	simm.s32 $0x1BFF;
	s21 =	sshll.u32 s5, $0x1;
	s2 =	sadd.s32 s19, s18  }
0x9c: {  	s6 =	simm.s32 $0x0;
	s20 =	sshll.u32 s4, $0x1;
	s4 =	sadd.s32 s21, s2  }
0x9d: {  	[timem:s6], [sflag:s22] =	dma.local [hbm:s4], s20  }
0x9e: {  	_ =	swait.ge [sflag:s22], s20  }
0x9f: {  	s3 =	ssub.s32 $0x0, s20;
	[sflag:s22] =	ssyncset.done $0x0  }
0xa0: {  	[sflag:s22] =	ssyncadd.s32 s3;
	_ =	sdelay $0x1  }
0xa1: {  	s23 =	simm.s32 $0x1B8B  }
0xa2: {  	_ =	swait.ge [sflag:s23], $0x1  }
0xa3: {  	[sflag:s23] =	ssyncset.done $0x0  }
0xa4: {  	s25 =	simm.s32 $0x1B8E;
	s24 =	sld [smem:$0x3FFE];
	[sflag:s23] =	ssyncadd.s32 $0xFFFFFFFF  }
0xa5: {  	s26 =	simm.s32 $execute0_lowered;
	[smem:$0x3FD2] =	sst s25  }
0xa6: {  	s4 =	sshll.u32 s26, $0x1;
	_ =	strace $0x8000004C;
	[dreg:$0x1] =	wrdreg $0xFFFFFFFF  }
0xa7: {  	s28 =	simm.s32 $_size_execute0_lowered;
	s2 =	sadd.s32 s2, s4;
	[dreg:$0x0] =	wrdreg $0x0  }
0xa8: {  	s4 =	sshll.u32 s28, $0x1;
	[dreg:$0x2] =	wrdreg s2  }
0xa9: {  	[dreg:$0x3] =	wrdreg s4  }
0xaa: {  	[dreg:$0x4] =	wrdreg $0xC0  }
0xab: {  	_ =	task [dreg:s6], $0x5FFFF  }
0xac: {  	[dreg:$0x1] =	wrdreg $0xFFFFFFFF  }
0xad: {  	[dreg:$0x0] =	wrdreg $0x60  }
0xae: {  	[dreg:$0x2] =	wrdreg s24  }
0xaf: {  	[dreg:$0x3] =	wrdreg $0x91000  }
0xb0: {  	[dreg:$0x4] =	wrdreg $0x9  }
0xb1: {  	_ =	task.clear_ibuf [dreg:s6], $0x5FFFF;
	_ =	strace $0x9000004C  }
0xb2: {  	s29 =	simm.s32 $0x9;
	_ =	strace $0x8000004E  }
0xb3: {  	_ =	swait.ge [sflag:s29], $0x1  }
0xb4: {  	[sflag:s29] =	ssyncadd.s32 $0xFFFFFFFF  }
0xb5: {  	_ =	strace $0x9000004E  }
0xb6: {  	_ =	sfence  }
0xb7: {  	s30 =	sld [smem:$0x0];
	_ =	sdelay $0x2  }
0xb8: {  	s31 =	sshll.u32 s1, $0xD;
	s1 =	sshrl.u32 s1, $0x2  }
0xb9: {  	s3 =	sand.u32 $0x4000, s31;
	s1 =	sadd.s32 s1, s30  }
0xba: {  	s0 =	sor.u32 s3, s0;
	s1 =	sshll.u32 s1, $0x11  }
0xbb: {  	s0 =	sor.u32 s1, s0  }
0xbc: {  	s0 =	sadd.s32 $0x8F2B, s0  }
0xbd: {  	[sflag:s0] =	ssyncadd.remote.s32 $0x1  }
0xbe: {  	_ =	sfence.sel $0xFFFF  }
0xbf: {  	[dreg:$0x0] =	wrdreg $0xFFFFFFFF;
	(pc) =	sbr.abs _section_cstart, $3  }
0xc0: {  	[dreg:$0x1] =	wrdreg $0xFFFFFFFF  }
0xc1: {  	_ =	task.clear_ibuf [dreg:s6], $0x2FFFF;
	_ =	strace $0x9FFFFFFF  }
0xc2: {  	(tm) =	ssettm $0x7FFFFFFF  }
0xc3: {  	_ =	shalt  }
tec
execute0_lowered:
.L_overlay_start_1:
0x0: {  	(tag) =	ssettag $0x1  }
0x1: {  	s8 =	rddreg [dreg:$0x0]  }
0x2: {  	s1 =	rddreg [dreg:$0x1]  }
0x3: {  	s2 =	srdreg.scid;
	s0 =	rddreg [dreg:$0x2];
	s3 =	simm.s32 $0x0  }
0x4: {  	s16 =	simm.s32 $0x5100;
	s17 =	simm.s32 $0x3;
	s18 =	simm.s32 $0x80  }
0x5: {  	s19 =	simm.s32 $0x50;
	s20 =	simm.s32 $0x100;
	s21 =	simm.s32 $0x2900  }
0x6: {  	s22 =	simm.s32 $0x1;
	s9 =	sand.u32 $0x1, s2;
	s2 =	stileid.u32  }
0x7: {  	s23 =	simm.s32 $0x2;
	[smem:$0x7FF] =	sst s3;
	s6 =	smul.u32 $0x13C000, s9  }
0x8: {  	s4 =	sadd.s32 $0x1AC00, s8;
	s5 =	sadd.s32 $0xF0F000, s8;
	s7 =	smul.u32 $0x13C00, s2  }
0x9: {  	s11 =	smul.u32 $0x4E200, s2;
	s30 =	ssub.s32 $0x2, s9;
	s12 =	sshll.u32 s2, $0x1  }
0xa: {  	_ =	strace $0x8000004D;
	s31 =	sshrl.u32 s30, $0x1;
	s13 =	sor.u32 s9, s12  }
0xb: {  	s7 =	sadd.s32 s7, s6;
	s6 =	sadd.s32 $0x10E00, s8;
	s11 =	sshrl.u32 s11, $0x2  }
0xc: {  	s15 =	ssub.s32 s30, s31;
	s13 =	smul.u32 $0x2710, s13;
	s10 =	sshrl.u32 s7, $0x3  }
0xd: {  	s7 =	sadd.s32 $0x7000, s8;
	s14 =	sadd.s32 s10, s8;
	s8 =	sadd.s32 s11, s1  }
0xe: {  	s15 =	smax.u32 s15, $0x1;
	s9 =	sadd.s32 $0x3E80, s8;
	s10 =	sadd.s32 $0x7D00, s8  }
0xf: {  	v0 =	vimm.f32 $0.0e+00;
	s11 =	sadd.s32 $0xBB80, s8;
	s12 =	sadd.s32 $0xFA00, s8;
	s14 =	sadd.s32 $0x69000, s14  }
.LBB2_1:
0x10: {  	s24 =	simm.s32 $0x0;
	s25 =	simm.s32 $0x200  }
.LBB2_2:
0x11: {  	p0 =	sne.s32 s25, $0xF800;
	[tilespmem:s24+$0x5170] =	vst v0  }
0x12: {  	[tilespmem:s24+$0x5100] =	vst v0  }
0x13: {  	[tilespmem:s24+$0x5110] =	vst v0  }
.Ltmp0:
0x14: {  	[tilespmem:s24+$0x5120] =	vst v0;
	(pc) =	sbr.rel @p0 .LBB2_2-.Ltmp0, $4  }
0x15: {  	[tilespmem:s24+$0x5130] =	vst v0  }
0x16: {  	[tilespmem:s24+$0x5140] =	vst v0  }
0x17: {  	[tilespmem:s24+$0x5150] =	vst v0  }
0x18: {  	[tilespmem:s24+$0x5160] =	vst v0;
	s24 =	sshra.s32 s25, $0x2;
	s25 =	sadd.s32 $0x200, s25  }
0x19: {  	[tilespmem:s24+$0x5170] =	vst v0  }
0x1a: {  	[tilespmem:s24+$0x5100] =	vst v0  }
0x1b: {  	[tilespmem:s24+$0x5110] =	vst v0  }
0x1c: {  	[tilespmem:s24+$0x5120] =	vst v0  }
0x1d: {  	[tilespmem:s24+$0x5130] =	vst v0  }
0x1e: {  	[tilespmem:s24+$0x5140] =	vst v0  }
0x1f: {  	[tilespmem:s24+$0x5150] =	vst v0  }
0x20: {  	[tilespmem:s24+$0x5160] =	vst v0  }
0x21: {  	[spmem:s8] =	stream.linear.scatter [tilespmem:s16], [sflag:$0x3], $0x3E80, $0x38;
	[tilespmem:$0x1C980] =	vst v63  }
0x22: {  	_ =	swait.ge [sflag:s17], $0x3E80  }
0x23: {  	[sflag:s17] =	ssyncset.done $0x0  }
0x24: {  	[sflag:s17] =	ssyncadd.s32 $0xFFFFC180  }
0x25: {  	[spmem:s9] =	stream.linear.scatter [tilespmem:s16], [sflag:$0x3], $0x3E80, $0x38;
	[tilespmem:$0x1C980] =	vst v63  }
0x26: {  	_ =	swait.ge [sflag:s17], $0x3E80  }
0x27: {  	[sflag:s17] =	ssyncset.done $0x0  }
0x28: {  	[sflag:s17] =	ssyncadd.s32 $0xFFFFC180  }
0x29: {  	[spmem:s10] =	stream.linear.scatter [tilespmem:s16], [sflag:$0x3], $0x3E80, $0x38;
	[tilespmem:$0x1C980] =	vst v63  }
0x2a: {  	_ =	swait.ge [sflag:s17], $0x3E80  }
0x2b: {  	[sflag:s17] =	ssyncset.done $0x0  }
0x2c: {  	[sflag:s17] =	ssyncadd.s32 $0xFFFFC180  }
0x2d: {  	[spmem:s11] =	stream.linear.scatter [tilespmem:s16], [sflag:$0x3], $0x3E80, $0x38;
	[tilespmem:$0x1C980] =	vst v63  }
0x2e: {  	_ =	swait.ge [sflag:s17], $0x3E80  }
0x2f: {  	[sflag:s17] =	ssyncset.done $0x0  }
0x30: {  	[sflag:s17] =	ssyncadd.s32 $0xFFFFC180  }
0x31: {  	[spmem:s12] =	stream.linear.scatter [tilespmem:s16], [sflag:$0x3], $0x3E80, $0x38;
	[tilespmem:$0x1C980] =	vst v63  }
0x32: {  	_ =	swait.ge [sflag:s17], $0x3E80  }
0x33: {  	[sflag:s17] =	ssyncset.done $0x0  }
0x34: {  	[sflag:s17] =	ssyncadd.s32 $0xFFFFC180  }
0x35: {  	s24 =	simm.s32 $0x0;
	s25 =	simm.s32 $0x0;
	[bflag:$0x0] =	sbarrier.arrive $0xFFFF  }
.LBB2_4:
0x36: {  	s26 =	smul.u32 $0x50, s25;
	_ =	sdelay $0x1  }
0x37: {  	s26 =	sadd.s32 s13, s26  }
0x38: {  	s28 =	sshrl.u32 s26, $0x3  }
0x39: {  	s29 =	sadd.s32 s6, s28  }
0x3a: {  	[tilespmem:s24], [sflag:$0x3] =	stream.linear.gather [hbm4b:s29+s24], $0x50, $0x38;
	[tilespmem:$0x1C980] =	vst v63  }
0x3b: {  	_ =	swait.ge [sflag:s17], $0x50  }
0x3c: {  	[sflag:s17] =	ssyncset.done $0x0  }
0x3d: {  	s28 =	sadd.s32 s7, s28;
	[sflag:s17] =	ssyncadd.s32 $0xFFFFFFB0  }
0x3e: {  	[tilespmem:s18], [sflag:$0x3] =	stream.linear.gather [hbm4b:s28+s24], $0x50, $0x38;
	[tilespmem:$0x1C980] =	vst v63  }
0x3f: {  	_ =	swait.ge [sflag:s17], $0x50  }
0x40: {  	[sflag:s17] =	ssyncset.done $0x0  }
0x41: {  	s26 =	sshll.u32 s26, $0x4;
	[sflag:s17] =	ssyncadd.s32 $0xFFFFFFB0  }
0x42: {  	[tilespmem:s20], [sflag:$0x1] =	stream.indirect.gather [hbm4b:s4+s19], $0x80, s24, s19, $0xb8;
	[tilespmem:$0x1C980] =	vst v63  }
0x43: {  	s26 =	sadd.s32 s5, s26  }
0x44: {  	[tilespmem:s21], [sflag:$0x2] =	stream.linear.gather [hbm4b:s26+s24], $0x2800, $0x38;
	[tilespmem:$0x1C980] =	vst v63  }
0x45: {  	_ =	swait.ge [sflag:s22], $0x2800  }
0x46: {  	[sflag:s22] =	ssyncset.done $0x0  }
0x47: {  	[sflag:s22] =	ssyncadd.s32 $0xFFFFD800  }
0x48: {  	_ =	swait.ge [sflag:s23], $0x2800  }
0x49: {  	[sflag:s23] =	ssyncset.done $0x0  }
0x4a: {  	s26 =	simm.s32 $0x0;
	[sflag:s23] =	ssyncadd.s32 $0xFFFFD800  }
0x4b: {  	v7 =	vld [tilespmem:s26+$0x2900]  }
0x4c: {  	v12 =	vld [tilespmem:s26+$0x2910]  }
0x4d: {  	v6 =	vld [tilespmem:s26+$0x2920]  }
0x4e: {  	v5 =	vld [tilespmem:s26+$0x2930]  }
0x4f: {  	v4 =	vld [tilespmem:s26+$0x2940]  }
0x50: {  	v3 =	vld [tilespmem:s26+$0x2950]  }
0x51: {  	v2 =	vld [tilespmem:s26+$0x2960]  }
0x52: {  	v1 =	vld [tilespmem:s26+$0x2970]  }
0x53: {  	v13 =	vld [tilespmem:s26+$0x100]  }
0x54: {  	v14 =	vld [tilespmem:s26+$0x110]  }
0x55: {  	v11 =	vld [tilespmem:s26+$0x120]  }
0x56: {  	v10 =	vld [tilespmem:s26+$0x130]  }
0x57: {  	v9 =	vld [tilespmem:s26+$0x140]  }
0x58: {  	v8 =	vld [tilespmem:s26+$0x150];
	v13 =	vadd.f32 v7, v13  }
0x59: {  	s28 =	simm.s32 $0x200;
	v12 =	vadd.f32 v12, v14;
	v7 =	vld [tilespmem:s26+$0x160]  }
.LBB2_5:
0x5a: {  	s29 =	sshra.s32 s28, $0x2;
	p0 =	sne.s32 s28, $0x9E00;
	v13 =	vmax.f32 v13, $0.0e+00;
	v6 =	vadd.f32 v6, v11;
	v11 =	vld [tilespmem:s26+$0x170]  }
0x5b: {  	v14 =	vld [tilespmem:s29+$0x2900];
	[tilespmem:s26+$0x100] =	vst v13;
	v12 =	vmax.f32 v12, $0.0e+00;
	v5 =	vadd.f32 v5, v10  }
0x5c: {  	v15 =	vld [tilespmem:s29+$0x2910];
	[tilespmem:s26+$0x110] =	vst v12;
	v10 =	vmax.f32 v6, $0.0e+00;
	v4 =	vadd.f32 v4, v9  }
0x5d: {  	v6 =	vld [tilespmem:s29+$0x2920];
	[tilespmem:s26+$0x120] =	vst v10;
	v9 =	vmax.f32 v5, $0.0e+00;
	v3 =	vadd.f32 v3, v8  }
0x5e: {  	v5 =	vld [tilespmem:s29+$0x2930];
	[tilespmem:s26+$0x130] =	vst v9;
	v8 =	vmax.f32 v4, $0.0e+00;
	v2 =	vadd.f32 v2, v7  }
0x5f: {  	v4 =	vld [tilespmem:s29+$0x2940];
	[tilespmem:s26+$0x140] =	vst v8;
	v7 =	vmax.f32 v3, $0.0e+00;
	v1 =	vadd.f32 v1, v11  }
0x60: {  	v3 =	vld [tilespmem:s29+$0x2950];
	[tilespmem:s26+$0x150] =	vst v7;
	v7 =	vmax.f32 v2, $0.0e+00  }
0x61: {  	v2 =	vld [tilespmem:s29+$0x2960];
	[tilespmem:s26+$0x160] =	vst v7;
	v7 =	vmax.f32 v1, $0.0e+00  }
0x62: {  	v1 =	vld [tilespmem:s29+$0x2970];
	[tilespmem:s26+$0x170] =	vst v7;
	s26 =	smov.u32 s29  }
0x63: {  	v7 =	vld [tilespmem:s26+$0x100]  }
0x64: {  	v12 =	vld [tilespmem:s26+$0x110]  }
.Ltmp1:
0x65: {  	v11 =	vld [tilespmem:s26+$0x120];
	(pc) =	sbr.rel @p0 .LBB2_5-.Ltmp1, $4  }
0x66: {  	v10 =	vld [tilespmem:s26+$0x130]  }
0x67: {  	v9 =	vld [tilespmem:s26+$0x140]  }
0x68: {  	v13 =	vadd.f32 v14, v7;
	v8 =	vld [tilespmem:s26+$0x150]  }
0x69: {  	s28 =	sadd.s32 $0x200, s28;
	v12 =	vadd.f32 v15, v12;
	v7 =	vld [tilespmem:s26+$0x160]  }
0x6a: {  	v13 =	vmax.f32 v13, $0.0e+00;
	v6 =	vadd.f32 v6, v11;
	v63 =	vld [tilespmem:s26+$0x170]  }
0x6b: {  	[tilespmem:s26+$0x100] =	vst v13;
	v12 =	vmax.f32 v12, $0.0e+00;
	v5 =	vadd.f32 v5, v10  }
0x6c: {  	[tilespmem:s26+$0x110] =	vst v12;
	v6 =	vmax.f32 v6, $0.0e+00;
	v4 =	vadd.f32 v4, v9  }
0x6d: {  	[tilespmem:s26+$0x120] =	vst v6;
	v5 =	vmax.f32 v5, $0.0e+00;
	v3 =	vadd.f32 v3, v8  }
0x6e: {  	[tilespmem:s26+$0x130] =	vst v5;
	v4 =	vmax.f32 v4, $0.0e+00;
	v2 =	vadd.f32 v2, v7  }
0x6f: {  	[tilespmem:s26+$0x140] =	vst v4;
	v3 =	vmax.f32 v3, $0.0e+00;
	v1 =	vadd.f32 v1, v63  }
0x70: {  	s25 =	sadd.s32 $0x1, s25;
	[tilespmem:s26+$0x150] =	vst v3;
	v2 =	vmax.f32 v2, $0.0e+00  }
0x71: {  	p0 =	sne.s32 s25, $0x7D;
	[tilespmem:s26+$0x160] =	vst v2;
	v1 =	vmax.f32 v1, $0.0e+00  }
.Ltmp2:
0x72: {  	[tilespmem:s26+$0x170] =	vst v1;
	(pc) =	sbr.rel @p0 .LBB2_4-.Ltmp2, $4  }
0x73: {  	[spmem:s1] =	stream.indirect.scatter.add.f32 [tilespmem:s20], [sflag:$0x3], $0x80, s18, s19, $0xb8;
	[tilespmem:$0x1C980] =	vst v63  }
0x74: {  	_ =	swait.ge [sflag:s17], $0x2800  }
0x75: {  	[sflag:s17] =	ssyncset.done $0x0  }
0x76: {  	[sflag:s17] =	ssyncadd.s32 $0xFFFFD800  }
0x77: {  	s3 =	sadd.s32 $0x1, s3  }
0x78: {  	s24 =	sshll.u32 s2, $0x6;
	[bflag:$0x0] =	sbarrier.arrive $0xFFFF;
	p0 =	sne.s32 s3, s15  }
.Ltmp3:
0x79: {  	s25 =	sshrl.u32 s8, $0x3;
	s24 =	sor.u32 $0x1C03, s24;
	(pc) =	sbr.rel @p0 .LBB2_1-.Ltmp3, $4  }
0x7a: {  	[hbm:s14], [sflag:s24] =	dma.local [spmem:s25], $0x2710  }
0x7b: {  	_ =	swait.ge [sflag:s17], $0x2710  }
0x7c: {  	[sflag:s17] =	ssyncset.done $0x0  }
0x7d: {  	[sflag:s17] =	ssyncadd.s32 $0xFFFFD8F0  }
0x7e: {  	_ =	sfence.sel $0x180000  }
0x7f: {  	[bflag:$0x0] =	sbarrier.arrive $0xFFFF  }
0x80: {  	p0 =	sne.s32 s2, $0x0;
	_ =	strace $0x9000004D  }
0x81: {  	s0 =	sadd.s32 @!p0 $0x100000, s0;
	[bflag:$0x2] =	sbarrier.arrive $0xFFFF  }
0x82: {  	[sflag:s0] =	ssyncadd.tile.s32 @!p0 $0x1;
	_ =	shalt  }
.Lfunc_end2:
_tile_overlayer_lowered:
.L_overlay_start_2:
0x83: {  	(tag) =	ssettag $0x2  }
0x84: {  	s0 =	rddreg [dreg:$0x0];
	s2 =	stileid.u32  }
0x85: {  	s1 =	rddreg [dreg:$0x1];
	p0 =	sne.s32 s2, $0x0  }
0x86: {  	s3 =	rddreg [dreg:$0x2];
	[bflag:$0x3] =	sbarrier.arrive $0xFFFF;
	s2 =	simm.s32 @!p0 $0x1C03  }
0x87: {  	[timem:s3], [sflag:s2] =	dma.local @!p0 [hbm:s0], s1  }
0x88: {  	s0 =	simm.s32 @!p0 $0x3  }
0x89: {  	_ =	swait.ge @!p0 [sflag:s0], s1  }
0x8a: {  	s1 =	ssub.s32 @!p0 $0x0, s1;
	[sflag:s0] =	ssyncset.done @!p0 $0x0  }
0x8b: {  	[sflag:s0] =	ssyncadd.s32 @!p0 s1  }
0x8c: {  	[bflag:$0x3] =	sbarrier.arrive $0xFFFF  }
0x8d: {  	_ =	shalt  }

</sc_bundles>
